<compile_context>
chip_gen: v7x
topology: tpu7x:2x2x1
jax: 0.10.2.dev20260603
libtpu: 0.0.44.dev20260713+nightly
codegen_flags: <defaults>
</compile_context>

<pallas_src>
import functools

import jax
import jax.numpy as jnp
from jax import lax
from jax.experimental import pallas as pl
from jax.experimental.pallas import tpu as pltpu
from jax.experimental.pallas import tpu_sc as plsc

N = 50000
E = 800000
G = 64
F1P = 16
H = 300
HP = 384
NC = 2
NS = 16
NW = NC * NS
EPT = 25600
EPTOT = NW * EPT
OWN = 1632
NBIG = NW * OWN
SEG1 = 12800
SEG3 = 3200
BT = 128
XW = 256
OWN5 = 232
NP5 = 7
SEG5 = 3200
BT5 = 32
NBIG5 = NP5 * NW * OWN5

_mesh = plsc.VectorSubcoreMesh(core_axis_name="c", subcore_axis_name="s")


def _compact_seg(src_sl, dst_sl, scb, dcb, lo, nvec, keep_global, own=OWN):

    def scan_body(i, k):
        d16 = dst_sl[pl.ds(i * 16, 16)]
        dl = d16 - lo
        msk = (dl >= 0) & (dl < own)
        mi = msk.astype(jnp.int32)
        cs = plsc.cumsum(mi)
        pos = jnp.where(msk, k - 1 + cs, dcb.shape[0] - 8)
        if src_sl is not None:
            s16 = src_sl[pl.ds(i * 16, 16)]
            plsc.store_scatter(scb, [pos], s16)
        plsc.store_scatter(dcb, [pos], d16 if keep_global else dl)
        return k + jnp.sum(mi)

    return lax.fori_loop(0, nvec, scan_body, 0)


@functools.partial(
    pl.kernel,
    out_type=jax.ShapeDtypeStruct((NBIG * F1P,), jnp.float32),
    mesh=_mesh,
    scratch_types=[
        pltpu.VMEM((SEG1,), jnp.int32),
        pltpu.VMEM((SEG1 + 144,), jnp.int32),
        pltpu.VMEM(((OWN + 9) * F1P,), jnp.float32),
    ],
    compiler_params=pltpu.CompilerParams(needs_layout_passes=False),
)
def _deg_kernel(dst_hbm, out_hbm, dst_v, dcb, acc):
    cid = lax.axis_index("c")
    sid = lax.axis_index("s")
    w = cid * NS + sid
    lo = w * OWN

    def zero_body(r, c):
        acc[pl.ds(r * 16, 16)] = jnp.zeros((16,), jnp.float32)
        return c

    lax.fori_loop(0, (OWN + 1) * F1P // 16, zero_body, 0)

    ones = jnp.ones((16,), jnp.float32)
    iota = lax.broadcasted_iota(jnp.int32, (16,), 0)

    def seg_loop(seg, carry):
        pltpu.sync_copy(dst_hbm.at[pl.ds(seg * SEG1, SEG1)], dst_v)
        k = _compact_seg(None, dst_v, None, dcb, lo, SEG1 // 16, False)

        def edge_body(e, c):
            dlb = plsc.load_gather(dcb, [jnp.full((16,), e, jnp.int32)])
            plsc.addupdate_scatter(acc, [dlb * F1P + iota], ones)
            return c

        lax.fori_loop(0, k, edge_body, 0)
        return carry

    lax.fori_loop(0, EPTOT // SEG1, seg_loop, 0)
    pltpu.sync_copy(acc.at[pl.ds(0, OWN * F1P)],
                    out_hbm.at[pl.ds(lo * F1P, OWN * F1P)])


@functools.partial(
    pl.kernel,
    out_type=jax.ShapeDtypeStruct((NBIG * F1P,), jnp.float32),
    mesh=_mesh,
    scratch_types=[
        pltpu.VMEM((SEG3,), jnp.int32),
        pltpu.VMEM((SEG3,), jnp.int32),
        pltpu.VMEM((SEG3 + 144,), jnp.int32),
        pltpu.VMEM((SEG3 + 144,), jnp.int32),
        pltpu.VMEM((BT, XW), jnp.float32),
        pltpu.VMEM(((OWN + 9) * F1P,), jnp.float32),
        pltpu.SemaphoreType.DMA,
    ],
    compiler_params=pltpu.CompilerParams(needs_layout_passes=False),
)
def _agg1_kernel(src_hbm, dst_hbm, xs_hbm, out_hbm,
                 src_v, dst_v, scb, dcb, rows_v, acc, gsem):
    cid = lax.axis_index("c")
    sid = lax.axis_index("s")
    w = cid * NS + sid
    lo = w * OWN

    def zero_body(r, c):
        acc[pl.ds(r * 16, 16)] = jnp.zeros((16,), jnp.float32)
        return c

    lax.fori_loop(0, (OWN + 1) * F1P // 16, zero_body, 0)

    iota = lax.broadcasted_iota(jnp.int32, (16,), 0)

    def seg_loop(seg, carry):
        pltpu.sync_copy(src_hbm.at[pl.ds(seg * SEG3, SEG3)], src_v)
        pltpu.sync_copy(dst_hbm.at[pl.ds(seg * SEG3, SEG3)], dst_v)
        k = _compact_seg(src_v, dst_v, scb, dcb, lo, SEG3 // 16, False)

        for m in range(BT // 16):
            scb[pl.ds(k + m * 16, 16)] = jnp.zeros((16,), jnp.int32)

        def batch_body(j, c):
            base = j * BT

            @pl.when(base < k)
            def _():
                pltpu.async_copy(xs_hbm.at[scb.at[pl.ds(j * BT, BT)]],
                                 rows_v, gsem).wait()
                nloc = jnp.minimum(k - base, BT)

                def edge_body(e, c2):
                    eb = jnp.full((16,), base + e, jnp.int32)
                    dlb = plsc.load_gather(dcb, [eb])
                    val = plsc.load_gather(
                        rows_v, [jnp.full((16,), e, jnp.int32), iota])
                    plsc.addupdate_scatter(acc, [dlb * F1P + iota], val)
                    return c2

                lax.fori_loop(0, nloc, edge_body, 0)

            return c

        lax.fori_loop(0, SEG3 // BT, batch_body, 0)
        return carry

    lax.fori_loop(0, EPTOT // SEG3, seg_loop, 0)
    pltpu.sync_copy(acc.at[pl.ds(0, OWN * F1P)],
                    out_hbm.at[pl.ds(lo * F1P, OWN * F1P)])


@functools.partial(
    pl.kernel,
    out_type=jax.ShapeDtypeStruct((NBIG5 * HP,), jnp.float32),
    mesh=_mesh,
    scratch_types=[
        pltpu.VMEM((SEG5,), jnp.int32),
        pltpu.VMEM((SEG5,), jnp.int32),
        pltpu.VMEM((SEG5 + 144,), jnp.int32),
        pltpu.VMEM((SEG5 + 144,), jnp.int32),
        pltpu.VMEM((BT5, HP), jnp.float32),
        pltpu.VMEM(((OWN5 + 1) * HP,), jnp.float32),
        pltpu.SemaphoreType.DMA,
    ],
    compiler_params=pltpu.CompilerParams(needs_layout_passes=False),
)
def _agg2_kernel(src_hbm, dst_hbm, h1s_hbm, out_hbm,
                 src_v, dst_v, scb, dcb, rows_v, acc, gsem):
    cid = lax.axis_index("c")
    sid = lax.axis_index("s")
    w = cid * NS + sid

    iota = lax.broadcasted_iota(jnp.int32, (16,), 0)

    def one_pass(p, pc):
        lo = p * (NW * OWN5) + w * OWN5

        def zero_body(r, c):
            acc[pl.ds(r * 16, 16)] = jnp.zeros((16,), jnp.float32)
            return c

        lax.fori_loop(0, (OWN5 + 1) * HP // 16, zero_body, 0)

        def seg_loop(seg, carry):
            pltpu.sync_copy(src_hbm.at[pl.ds(seg * SEG5, SEG5)], src_v)
            pltpu.sync_copy(dst_hbm.at[pl.ds(seg * SEG5, SEG5)], dst_v)
            k = _compact_seg(src_v, dst_v, scb, dcb, lo, SEG5 // 16, False,
                             own=OWN5)

            for m in range(BT5 // 16):
                scb[pl.ds(k + m * 16, 16)] = jnp.zeros((16,), jnp.int32)

            def batch_body(j, c):
                base = j * BT5

                @pl.when(base < k)
                def _():
                    pltpu.async_copy(h1s_hbm.at[scb.at[pl.ds(j * BT5, BT5)]],
                                     rows_v, gsem).wait()
                    nloc = jnp.minimum(k - base, BT5)

                    def edge_body(e, c2):
                        dlb = plsc.load_gather(
                            dcb, [jnp.full((16,), base + e, jnp.int32)])
                        pbase = dlb * HP
                        for cc in range(HP // 16):
                            val = plsc.load_gather(
                                rows_v,
                                [jnp.full((16,), e, jnp.int32),
                                 cc * 16 + iota])
                            plsc.addupdate_scatter(
                                acc, [pbase + cc * 16 + iota], val)
                        return c2

                    lax.fori_loop(0, nloc, edge_body, 0)

                return c

            lax.fori_loop(0, SEG5 // BT5, batch_body, 0)
            return carry

        lax.fori_loop(0, EPTOT // SEG5, seg_loop, 0)
        pltpu.sync_copy(acc.at[pl.ds(0, OWN5 * HP)],
                        out_hbm.at[pl.ds(lo * HP, OWN5 * HP)])
        return pc

    lax.fori_loop(0, NP5, one_pass, 0)


def _k2_body(p_ref, x_ref, xs_ref, dis_ref):
    deg = p_ref[:, 0:1] + 1.0
    dis = lax.rsqrt(deg)
    dis_ref[...] = dis
    xs_ref[...] = x_ref[...] * dis


def _k4_body(p_ref, x_ref, dis_ref, w1_ref, b1_ref, h1s_ref):
    dis = dis_ref[...]
    z = (p_ref[...] + x_ref[...] * dis) * dis
    h1 = jnp.dot(z, w1_ref[...], preferred_element_type=jnp.float32)
    h1 = jnp.maximum(h1 + b1_ref[...], 0.0)
    h1s_ref[...] = h1 * dis


def _k6_body(p_ref, h1s_ref, dis_ref, bat_ref, w2_ref, b2_ref,
             wf_ref, bf_ref, out_ref, sums_ref, cnts_ref):
    i = pl.program_id(0)
    nb = pl.num_programs(0)
    z = (p_ref[...] + h1s_ref[...]) * dis_ref[...]
    h2 = jnp.dot(z, w2_ref[...], preferred_element_type=jnp.float32)
    h2 = jnp.maximum(h2 + b2_ref[...], 0.0)
    s = (bat_ref[...] == lax.broadcasted_iota(jnp.int32, (bat_ref.shape[0], G), 1))
    s = s.astype(jnp.float32)
    ps = lax.dot_general(s, h2, (((0,), (0,)), ((), ())),
                         preferred_element_type=jnp.float32)
    pc = lax.dot_general(s, jnp.ones((s.shape[0], 1), jnp.float32),
                         (((0,), (0,)), ((), ())),
                         preferred_element_type=jnp.float32)

    @pl.when(i == 0)
    def _():
        sums_ref[...] = jnp.zeros_like(sums_ref)
        cnts_ref[...] = jnp.zeros_like(cnts_ref)

    sums_ref[...] += ps
    cnts_ref[...] += pc

    @pl.when(i == nb - 1)
    def _():
        pooled = sums_ref[...] / jnp.maximum(cnts_ref[...], 1.0)
        out_ref[...] = jnp.dot(pooled, wf_ref[...],
                               preferred_element_type=jnp.float32) + bf_ref[...]


_BLK = 2000


def kernel(x, edge_index, batch, W1, b1, W2, b2, Wf, bf):
    ei = edge_index.astype(jnp.int32)
    src = jnp.pad(ei[0], (0, EPTOT - E))
    dst = jnp.pad(ei[1], (0, EPTOT - E), constant_values=N)
    xpad = jnp.pad(x, ((0, 0), (0, F1P - x.shape[1])))
    xpadw = jnp.pad(x, ((0, 0), (0, XW - x.shape[1])))
    W1p = jnp.pad(W1, ((0, F1P - W1.shape[0]), (0, HP - H)))
    b1p = jnp.pad(b1, (0, HP - H)).reshape(1, HP)
    W2p = jnp.pad(W2, ((0, HP - H), (0, HP - H)))
    b2p = jnp.pad(b2, (0, HP - H)).reshape(1, HP)
    Wfp = jnp.pad(Wf, ((0, HP - H), (0, 128 - Wf.shape[1])))
    bfp = jnp.pad(bf, (0, 128 - bf.shape[0])).reshape(1, 128)
    bat = batch.astype(jnp.int32).reshape(N, 1)

    nblk = N // _BLK

    degp = _deg_kernel(dst).reshape(NBIG, F1P)

    xs, dis = pl.pallas_call(
        _k2_body,
        grid=(nblk,),
        in_specs=[
            pl.BlockSpec((_BLK, F1P), lambda i: (i, 0)),
            pl.BlockSpec((_BLK, XW), lambda i: (i, 0)),
        ],
        out_specs=[
            pl.BlockSpec((_BLK, XW), lambda i: (i, 0)),
            pl.BlockSpec((_BLK, 1), lambda i: (i, 0)),
        ],
        out_shape=[
            jax.ShapeDtypeStruct((N, XW), jnp.float32),
            jax.ShapeDtypeStruct((N, 1), jnp.float32),
        ],
    )(degp, xpadw)

    agg1 = _agg1_kernel(src, dst, xs).reshape(NBIG, F1P)

    h1s = pl.pallas_call(
        _k4_body,
        grid=(nblk,),
        in_specs=[
            pl.BlockSpec((_BLK, F1P), lambda i: (i, 0)),
            pl.BlockSpec((_BLK, F1P), lambda i: (i, 0)),
            pl.BlockSpec((_BLK, 1), lambda i: (i, 0)),
            pl.BlockSpec((F1P, HP), lambda i: (0, 0)),
            pl.BlockSpec((1, HP), lambda i: (0, 0)),
        ],
        out_specs=pl.BlockSpec((_BLK, HP), lambda i: (i, 0)),
        out_shape=jax.ShapeDtypeStruct((N, HP), jnp.float32),
    )(agg1, xpad, dis, W1p, b1p)

    agg2 = _agg2_kernel(src, dst, h1s).reshape(NBIG5, HP)

    out = pl.pallas_call(
        _k6_body,
        grid=(nblk,),
        in_specs=[
            pl.BlockSpec((_BLK, HP), lambda i: (i, 0)),
            pl.BlockSpec((_BLK, HP), lambda i: (i, 0)),
            pl.BlockSpec((_BLK, 1), lambda i: (i, 0)),
            pl.BlockSpec((_BLK, 1), lambda i: (i, 0)),
            pl.BlockSpec((HP, HP), lambda i: (0, 0)),
            pl.BlockSpec((1, HP), lambda i: (0, 0)),
            pl.BlockSpec((HP, 128), lambda i: (0, 0)),
            pl.BlockSpec((1, 128), lambda i: (0, 0)),
        ],
        out_specs=pl.BlockSpec((G, 128), lambda i: (0, 0)),
        out_shape=jax.ShapeDtypeStruct((G, 128), jnp.float32),
        scratch_shapes=[
            pltpu.VMEM((G, HP), jnp.float32),
            pltpu.VMEM((G, 1), jnp.float32),
        ],
    )(agg2, h1s, dis, bat, W2p, b2p, Wfp, bfp)

    return out[:, : Wf.shape[1]]

# --- scband reference (transcript-rebuilt; emitter-appended) ---
"""Pipeline reference for scband-gcn-2l-37366215475439 (READ-ONLY COPY).

The authoritative reference and input builder live on the scoring server;
editing this copy changes nothing except your own understanding.
"""

import jax, jax.numpy as jnp
import numpy as np

N_NODES = 50000
N_EDGES = 800000
N_GRAPHS = 64


def setup_inputs(seed: int = 0) -> dict:
    key = jax.random.key(seed)
    ks = jax.random.split(key, 12)
    x = jax.random.normal(ks[0], (N_NODES, 7), dtype=jnp.float32)
    edge_index = jax.random.randint(ks[1], (2, N_EDGES), 0, N_NODES, dtype=jnp.int64)
    batch = jnp.sort(jax.random.randint(ks[2], (N_NODES,), 0, N_GRAPHS, dtype=jnp.int64))
    # parameters (glorot-ish init)
    W1 = jax.random.normal(ks[3], (7, 300), dtype=jnp.float32) * (1.0 / np.sqrt(7))
    b1 = jnp.zeros((300,), dtype=jnp.float32)
    W2 = jax.random.normal(ks[4], (300, 300), dtype=jnp.float32) * (1.0 / np.sqrt(300))
    b2 = jnp.zeros((300,), dtype=jnp.float32)
    Wf = jax.random.normal(ks[5], (300, 2), dtype=jnp.float32) * (1.0 / np.sqrt(300))
    bf = jnp.zeros((2,), dtype=jnp.float32)
    return {"x": x, "edge_index": edge_index, "batch": batch,
            "W1": W1, "b1": b1, "W2": W2, "b2": b2, "Wf": Wf, "bf": bf}


def _gcn_conv(x, src, dst, norm, W, b):
    # x' = D^{-1/2}(A+I)D^{-1/2} X W + b  (PyG GCNConv with self-loops)
    h = x @ W
    msg = h[src] * norm[:, None]
    out = jnp.zeros((x.shape[0], W.shape[1]), dtype=h.dtype).at[dst].add(msg)
    return out + b


def reference(x, edge_index, batch, W1, b1, W2, b2, Wf, bf):
    N = x.shape[0]
    # add self-loops
    loop = jnp.arange(N, dtype=edge_index.dtype)
    src = jnp.concatenate([edge_index[0], loop])
    dst = jnp.concatenate([edge_index[1], loop])
    # symmetric normalization (edge_weight = 1)
    deg = jnp.zeros((N,), dtype=jnp.float32).at[dst].add(1.0)
    deg_inv_sqrt = jnp.power(deg, -0.5)
    deg_inv_sqrt = jnp.where(jnp.isinf(deg_inv_sqrt), 0.0, deg_inv_sqrt)
    norm = deg_inv_sqrt[src] * deg_inv_sqrt[dst]
    # conv1 + relu
    h = _gcn_conv(x, src, dst, norm, W1, b1)
    h = jax.nn.relu(h)
    # conv2 + relu
    h = _gcn_conv(h, src, dst, norm, W2, b2)
    h = jax.nn.relu(h)
    # global_mean_pool over batch
    sums = jax.ops.segment_sum(h, batch, num_segments=N_GRAPHS)
    counts = jax.ops.segment_sum(jnp.ones((N,), dtype=jnp.float32), batch, num_segments=N_GRAPHS)
    pooled = sums / jnp.maximum(counts, 1.0)[:, None]
    # dropout is identity in eval mode
    out = pooled @ Wf + bf
    return out

if __name__ == "__main__":
    import jax
    _d = setup_inputs()
    print(jax.jit(kernel)(*tuple(_d.values())))

</pallas_src>

<mosaic_0001>
#map = affine_map<(d0, d1) -> (0)>
module attributes {stable_mosaic.version = 14 : i64} {
  func.func @_deg_kernel(%arg0: i32, %arg1: i32, %arg2: memref<819200xi32, #tpu.memory_space<hbm>>, %arg3: memref<835584xf32, #tpu.memory_space<hbm>>, %arg4: memref<12800xi32, #tpu.memory_space<vmem>>, %arg5: memref<12944xi32, #tpu.memory_space<vmem>>, %arg6: memref<26256xf32, #tpu.memory_space<vmem>>) attributes {dimension_semantics = [#tpu.dimension_semantics<core_parallel>, #tpu.dimension_semantics<subcore_parallel>], iteration_bounds = array<i64: 2, 16>, scalar_prefetch = 0 : i64, scratch_operands = 3 : i64, tpu.core_type = #tpu.core_type<sc_vector_subcore>, window_params = [{transform_indices = #map}, {transform_indices = #map}]} {
    %mul3A = arith.constant 16 : i32
    %mul3A_0 = arith.muli %arg0, %mul3A : i32
    %add3A = arith.addi %mul3A_0, %arg1 : i32
    %mul3A_1 = arith.constant 1632 : i32
    %mul3A_2 = arith.muli %add3A, %mul3A_1 : i32
    %scan3A = arith.constant 0 : i32
    %scan3A_3 = arith.constant 0 : i32
    %scan3A_4 = arith.constant 1633 : i32
    %scan3A_5 = arith.addi %scan3A_3, %scan3A_4 : i32
    %scan3A_6 = arith.constant 1 : i32
    scf.for %scan3A_17 = %scan3A_3 to %scan3A_5 step %scan3A_6  : i32 {
      %broadcast_in_dim3A_18 = arith.constant 0.000000e+00 : f32
      %broadcast_in_dim3A_19 = vector.broadcast %broadcast_in_dim3A_18 : f32 to vector<16xf32>
      %mul3A_20 = arith.constant 16 : i32
      %mul3A_21 = arith.muli %scan3A_17, %mul3A_20 : i32
      %swap3A = arith.index_cast %mul3A_21 : i32 to index
      %swap3A_22 = tpu.vector_load %arg6[%swap3A] {strides = array<i32>} : memref<26256xf32, #tpu.memory_space<vmem>>, vector<16xf32>,
      tpu.vector_store %arg6[%swap3A], %broadcast_in_dim3A_19 {strides = array<i32>} : memref<26256xf32, #tpu.memory_space<vmem>>, vector<16xf32>,
    }
    %scan3A_7 = arith.constant 1633 : i32
    %broadcast_in_dim3A = arith.constant 1.000000e+00 : f32
    %broadcast_in_dim3A_8 = vector.broadcast %broadcast_in_dim3A : f32 to vector<16xf32>
    %iota3A = tpu.iota {dimensions = array<i32: 0>} : vector<16xi32>
    %scan3A_9 = arith.constant 0 : i32
    %scan3A_10 = arith.constant 0 : i32
    %scan3A_11 = arith.constant 64 : i32
    %scan3A_12 = arith.addi %scan3A_10, %scan3A_11 : i32
    %scan3A_13 = arith.constant 1 : i32
    scf.for %scan3A_17 = %scan3A_10 to %scan3A_12 step %scan3A_13  : i32 {
      %mul3A_18 = arith.constant 12800 : i32
      %mul3A_19 = arith.muli %scan3A_17, %mul3A_18 : i32
      "tpu.region"() ({
        %run_scoped3A = tpu.sem_alloc : memref<!tpu.dma_semaphore, #tpu.memory_space<semaphore_mem>>
        %dma_start3A = tpu.memref_slice %arg2[%mul3A_19] : memref<819200xi32, #tpu.memory_space<hbm>> -> memref<12800xi32, #tpu.memory_space<hbm>>
        %dma_start3A_36 = tpu.memref_slice %arg2[%mul3A_19] : memref<819200xi32, #tpu.memory_space<hbm>> -> memref<12800xi32, #tpu.memory_space<hbm>>
        tpu.enqueue_dma source(%dma_start3A_36 : memref<12800xi32, #tpu.memory_space<hbm>>) target(%arg4 : memref<12800xi32, #tpu.memory_space<vmem>>) target_semaphore(%run_scoped3A : memref<!tpu.dma_semaphore, #tpu.memory_space<semaphore_mem>>)
        %dma_wait3A = tpu.memref_slice %arg2[%mul3A_19] : memref<819200xi32, #tpu.memory_space<hbm>> -> memref<12800xi32, #tpu.memory_space<hbm>>
        %dma_wait3A_37 = tpu.memref_slice %arg2[%mul3A_19] : memref<819200xi32, #tpu.memory_space<hbm>> -> memref<12800xi32, #tpu.memory_space<hbm>>
        tpu.wait_dma2 semaphore(%run_scoped3A : memref<!tpu.dma_semaphore, #tpu.memory_space<semaphore_mem>>) src(%dma_wait3A_37 : memref<12800xi32, #tpu.memory_space<hbm>>) dst(%arg4 : memref<12800xi32, #tpu.memory_space<vmem>>)
        tpu.yield
      }) : () -> ()
      %scan3A_20 = arith.constant 0 : i32
      %scan3A_21 = arith.constant 0 : i32
      %scan3A_22 = arith.constant 800 : i32
      %scan3A_23 = arith.addi %scan3A_21, %scan3A_22 : i32
      %scan3A_24 = arith.constant 1 : i32
      %scan3A_25 = scf.for %scan3A_36 = %scan3A_21 to %scan3A_23 step %scan3A_24 iter_args(%scan3A_37 = %scan3A_20) -> (i32)  : i32 {
        %mul3A_38 = arith.constant 16 : i32
        %mul3A_39 = arith.muli %scan3A_36, %mul3A_38 : i32
        %get3A = arith.index_cast %mul3A_39 : i32 to index
        %get3A_40 = tpu.vector_load %arg4[%get3A] {strides = array<i32>} : memref<12800xi32, #tpu.memory_space<vmem>>, vector<16xi32>,
        %sub3A = vector.broadcast %mul3A_2 : i32 to vector<16xi32>
        %sub3A_41 = arith.subi %get3A_40, %sub3A : vector<16xi32>
        %ge3A = arith.constant 0 : i32
        %ge3A_42 = vector.broadcast %ge3A : i32 to vector<16xi32>
        %ge3A_43 = arith.cmpi sge, %sub3A_41, %ge3A_42 : vector<16xi32>
        %lt3A = arith.constant 1632 : i32
        %lt3A_44 = vector.broadcast %lt3A : i32 to vector<16xi32>
        %lt3A_45 = arith.cmpi slt, %sub3A_41, %lt3A_44 : vector<16xi32>
        %and3A = arith.andi %ge3A_43, %lt3A_45 : vector<16xi1>
        %convert_element_type3A = arith.extui %and3A : vector<16xi1> to vector<16xi32>
        %broadcast_in_dim3A_46 = arith.constant true
        %broadcast_in_dim3A_47 = vector.broadcast %broadcast_in_dim3A_46 : i1 to vector<16xi1>
        %masked_cumsum3A = tpu.scan <sum>, %convert_element_type3A masked %broadcast_in_dim3A_47 : vector<16xi32>, vector<16xi1> -> vector<16xi32>
        %sub3A_48 = arith.constant 1 : i32
        %sub3A_49 = arith.subi %scan3A_37, %sub3A_48 : i32
        %add3A_50 = vector.broadcast %sub3A_49 : i32 to vector<16xi32>
        %add3A_51 = arith.addi %add3A_50, %masked_cumsum3A : vector<16xi32>
        %jit3A = arith.constant 12936 : i32
        %broadcast_in_dim3A_52 = vector.broadcast %jit3A : i32 to vector<16xi32>
        %select_n3A = arith.select %and3A, %add3A_51, %broadcast_in_dim3A_52 : vector<16xi1>, vector<16xi32>
        tpu.vector_store_idx %arg5[%select_n3A], %sub3A_41 : memref<12944xi32, #tpu.memory_space<vmem>>[vector<16xi32>], vector<16xi32>,
        %reduce_sum3A = arith.constant true
        %reduce_sum3A_53 = vector.broadcast %reduce_sum3A : i1 to vector<16xi1>
        %reduce_sum3A_54 = tpu.scan <sum>, %convert_element_type3A masked %reduce_sum3A_53 : vector<16xi32>, vector<16xi1> -> vector<16xi32>
        %reduce_sum3A_55 = vector.extract %reduce_sum3A_54[15] : i32 from vector<16xi32>
        %add3A_56 = arith.addi %scan3A_37, %reduce_sum3A_55 : i32
        scf.yield %add3A_56 : i32
      }
      %scan3A_26 = arith.constant 800 : i32
      %while3A = arith.constant 0 : i32
      %while3A_27 = arith.constant 0 : i32
      %while3A_28 = arith.subi %scan3A_25, %while3A_27 : i32
      %while3A_29 = arith.addi %while3A_27, %while3A_28 : i32
      %while3A_30 = arith.constant 1 : i32
      %while3A_31 = arith.divsi %while3A_28, %while3A_30 : i32
      %while3A_32 = arith.muli %while3A_31, %while3A_30 : i32
      %while3A_33 = arith.addi %while3A_27, %while3A_32 : i32
      %while3A_34 = arith.constant 1 : i32
      scf.for %while3A_36 = %while3A_27 to %while3A_33 step %while3A_34  : i32 {
        %broadcast_in_dim3A_37 = vector.broadcast %while3A_36 : i32 to vector<16xi32>
        %gather3A = tpu.vector_load_idx %arg5[%broadcast_in_dim3A_37] : memref<12944xi32, #tpu.memory_space<vmem>>[vector<16xi32>], vector<16xi32>,
        %mul3A_38 = arith.constant 16 : i32
        %mul3A_39 = vector.broadcast %mul3A_38 : i32 to vector<16xi32>
        %mul3A_40 = arith.muli %gather3A, %mul3A_39 : vector<16xi32>
        %add3A_41 = arith.addi %mul3A_40, %iota3A : vector<16xi32>
        tpu.vector_store_idx %arg6[%add3A_41], %broadcast_in_dim3A_8 {add = true} : memref<26256xf32, #tpu.memory_space<vmem>>[vector<16xi32>], vector<16xf32>,
      }
      %while3A_35 = arith.constant 1 : i32
      scf.for %while3A_36 = %while3A_33 to %while3A_29 step %while3A_35  : i32 {
        %broadcast_in_dim3A_37 = vector.broadcast %while3A_36 : i32 to vector<16xi32>
        %gather3A = tpu.vector_load_idx %arg5[%broadcast_in_dim3A_37] : memref<12944xi32, #tpu.memory_space<vmem>>[vector<16xi32>], vector<16xi32>,
        %mul3A_38 = arith.constant 16 : i32
        %mul3A_39 = vector.broadcast %mul3A_38 : i32 to vector<16xi32>
        %mul3A_40 = arith.muli %gather3A, %mul3A_39 : vector<16xi32>
        %add3A_41 = arith.addi %mul3A_40, %iota3A : vector<16xi32>
        tpu.vector_store_idx %arg6[%add3A_41], %broadcast_in_dim3A_8 {add = true} : memref<26256xf32, #tpu.memory_space<vmem>>[vector<16xi32>], vector<16xf32>,
      }
    }
    %scan3A_14 = arith.constant 64 : i32
    %mul3A_15 = arith.constant 16 : i32
    %mul3A_16 = arith.muli %mul3A_2, %mul3A_15 : i32
    "tpu.region"() ({
      %run_scoped3A = tpu.sem_alloc : memref<!tpu.dma_semaphore, #tpu.memory_space<semaphore_mem>>
      %dma_start3A = arith.constant 0 : i32
      %dma_start3A_17 = tpu.memref_slice %arg6[%dma_start3A] : memref<26256xf32, #tpu.memory_space<vmem>> -> memref<26112xf32, #tpu.memory_space<vmem>>
      %dma_start3A_18 = tpu.memref_slice %arg3[%mul3A_16] : memref<835584xf32, #tpu.memory_space<hbm>> -> memref<26112xf32, #tpu.memory_space<hbm>>
      %dma_start3A_19 = tpu.memref_slice %arg3[%mul3A_16] : memref<835584xf32, #tpu.memory_space<hbm>> -> memref<26112xf32, #tpu.memory_space<hbm>>
      %dma_start3A_20 = arith.constant 0 : i32
      %dma_start3A_21 = tpu.memref_slice %arg6[%dma_start3A_20] : memref<26256xf32, #tpu.memory_space<vmem>> -> memref<26112xf32, #tpu.memory_space<vmem>>
      tpu.enqueue_dma source(%dma_start3A_21 : memref<26112xf32, #tpu.memory_space<vmem>>) target(%dma_start3A_19 : memref<26112xf32, #tpu.memory_space<hbm>>) target_semaphore(%run_scoped3A : memref<!tpu.dma_semaphore, #tpu.memory_space<semaphore_mem>>)
      %dma_wait3A = arith.constant 0 : i32
      %dma_wait3A_22 = tpu.memref_slice %arg6[%dma_wait3A] : memref<26256xf32, #tpu.memory_space<vmem>> -> memref<26112xf32, #tpu.memory_space<vmem>>
      %dma_wait3A_23 = tpu.memref_slice %arg3[%mul3A_16] : memref<835584xf32, #tpu.memory_space<hbm>> -> memref<26112xf32, #tpu.memory_space<hbm>>
      %dma_wait3A_24 = tpu.memref_slice %arg3[%mul3A_16] : memref<835584xf32, #tpu.memory_space<hbm>> -> memref<26112xf32, #tpu.memory_space<hbm>>
      %dma_wait3A_25 = arith.constant 0 : i32
      %dma_wait3A_26 = tpu.memref_slice %arg6[%dma_wait3A_25] : memref<26256xf32, #tpu.memory_space<vmem>> -> memref<26112xf32, #tpu.memory_space<vmem>>
      tpu.wait_dma2 semaphore(%run_scoped3A : memref<!tpu.dma_semaphore, #tpu.memory_space<semaphore_mem>>) src(%dma_wait3A_26 : memref<26112xf32, #tpu.memory_space<vmem>>) dst(%dma_wait3A_24 : memref<26112xf32, #tpu.memory_space<hbm>>)
      tpu.yield
    }) : () -> ()
    return
  }
}

#map = affine_map<(d0, d1) -> (0)>
#map1 = affine_map<(d0, d1) -> (0, 0)>
module attributes {stable_mosaic.version = 14 : i64} {
  func.func @_agg2_kernel(%arg0: i32, %arg1: i32, %arg2: memref<819200xi32, #tpu.memory_space<hbm>>, %arg3: memref<819200xi32, #tpu.memory_space<hbm>>, %arg4: memref<50000x384xf32, #tpu.memory_space<hbm>>, %arg5: memref<19955712xf32, #tpu.memory_space<hbm>>, %arg6: memref<3200xi32, #tpu.memory_space<vmem>>, %arg7: memref<3200xi32, #tpu.memory_space<vmem>>, %arg8: memref<3344xi32, #tpu.memory_space<vmem>>, %arg9: memref<3344xi32, #tpu.memory_space<vmem>>, %arg10: memref<32x384xf32, #tpu.memory_space<vmem>>, %arg11: memref<89472xf32, #tpu.memory_space<vmem>>, %arg12: memref<!tpu.dma_semaphore, #tpu.memory_space<semaphore_mem>>) attributes {dimension_semantics = [#tpu.dimension_semantics<core_parallel>, #tpu.dimension_semantics<subcore_parallel>], iteration_bounds = array<i64: 2, 16>, scalar_prefetch = 0 : i64, scratch_operands = 7 : i64, tpu.core_type = #tpu.core_type<sc_vector_subcore>, window_params = [{transform_indices = #map}, {transform_indices = #map}, {transform_indices = #map1}, {transform_indices = #map}]} {
    %mul3A = arith.constant 16 : i32
    %mul3A_0 = arith.muli %arg0, %mul3A : i32
    %add3A = arith.addi %mul3A_0, %arg1 : i32
    %iota3A = tpu.iota {dimensions = array<i32: 0>} : vector<16xi32>
    %scan3A = arith.constant 0 : i32
    %scan3A_1 = arith.constant 0 : i32
    %scan3A_2 = arith.constant 7 : i32
    %scan3A_3 = arith.addi %scan3A_1, %scan3A_2 : i32
    %scan3A_4 = arith.constant 1 : i32
    scf.for %scan3A_6 = %scan3A_1 to %scan3A_3 step %scan3A_4  : i32 {
      %mul3A_7 = arith.constant 7424 : i32
      %mul3A_8 = arith.muli %scan3A_6, %mul3A_7 : i32
      %mul3A_9 = arith.constant 232 : i32
      %mul3A_10 = arith.muli %add3A, %mul3A_9 : i32
      %add3A_11 = arith.addi %mul3A_8, %mul3A_10 : i32
      %scan3A_12 = arith.constant 0 : i32
      %scan3A_13 = arith.constant 0 : i32
      %scan3A_14 = arith.constant 5592 : i32
      %scan3A_15 = arith.addi %scan3A_13, %scan3A_14 : i32
      %scan3A_16 = arith.constant 1 : i32
      scf.for %scan3A_26 = %scan3A_13 to %scan3A_15 step %scan3A_16  : i32 {
        %broadcast_in_dim3A = arith.constant 0.000000e+00 : f32
        %broadcast_in_dim3A_27 = vector.broadcast %broadcast_in_dim3A : f32 to vector<16xf32>
        %mul3A_28 = arith.constant 16 : i32
        %mul3A_29 = arith.muli %scan3A_26, %mul3A_28 : i32
        %swap3A = arith.index_cast %mul3A_29 : i32 to index
        %swap3A_30 = tpu.vector_load %arg11[%swap3A] {strides = array<i32>} : memref<89472xf32, #tpu.memory_space<vmem>>, vector<16xf32>,
        tpu.vector_store %arg11[%swap3A], %broadcast_in_dim3A_27 {strides = array<i32>} : memref<89472xf32, #tpu.memory_space<vmem>>, vector<16xf32>,
      }
      %scan3A_17 = arith.constant 5592 : i32
      %scan3A_18 = arith.constant 0 : i32
      %scan3A_19 = arith.constant 0 : i32
      %scan3A_20 = arith.constant 256 : i32
      %scan3A_21 = arith.addi %scan3A_19, %scan3A_20 : i32
      %scan3A_22 = arith.constant 1 : i32
      scf.for %scan3A_26 = %scan3A_19 to %scan3A_21 step %scan3A_22  : i32 {
        %mul3A_27 = arith.constant 3200 : i32
        %mul3A_28 = arith.muli %scan3A_26, %mul3A_27 : i32
        "tpu.region"() ({
          %run_scoped3A = tpu.sem_alloc : memref<!tpu.dma_semaphore, #tpu.memory_space<semaphore_mem>>
          %dma_start3A = tpu.memref_slice %arg2[%mul3A_28] : memref<819200xi32, #tpu.memory_space<hbm>> -> memref<3200xi32, #tpu.memory_space<hbm>>
          %dma_start3A_54 = tpu.memref_slice %arg2[%mul3A_28] : memref<819200xi32, #tpu.memory_space<hbm>> -> memref<3200xi32, #tpu.memory_space<hbm>>
          tpu.enqueue_dma source(%dma_start3A_54 : memref<3200xi32, #tpu.memory_space<hbm>>) target(%arg6 : memref<3200xi32, #tpu.memory_space<vmem>>) target_semaphore(%run_scoped3A : memref<!tpu.dma_semaphore, #tpu.memory_space<semaphore_mem>>)
          %dma_wait3A = tpu.memref_slice %arg2[%mul3A_28] : memref<819200xi32, #tpu.memory_space<hbm>> -> memref<3200xi32, #tpu.memory_space<hbm>>
          %dma_wait3A_55 = tpu.memref_slice %arg2[%mul3A_28] : memref<819200xi32, #tpu.memory_space<hbm>> -> memref<3200xi32, #tpu.memory_space<hbm>>
          tpu.wait_dma2 semaphore(%run_scoped3A : memref<!tpu.dma_semaphore, #tpu.memory_space<semaphore_mem>>) src(%dma_wait3A_55 : memref<3200xi32, #tpu.memory_space<hbm>>) dst(%arg6 : memref<3200xi32, #tpu.memory_space<vmem>>)
          tpu.yield
        }) : () -> ()
        %mul3A_29 = arith.constant 3200 : i32
        %mul3A_30 = arith.muli %scan3A_26, %mul3A_29 : i32
        "tpu.region"() ({
          %run_scoped3A = tpu.sem_alloc : memref<!tpu.dma_semaphore, #tpu.memory_space<semaphore_mem>>
          %dma_start3A = tpu.memref_slice %arg3[%mul3A_30] : memref<819200xi32, #tpu.memory_space<hbm>> -> memref<3200xi32, #tpu.memory_space<hbm>>
          %dma_start3A_54 = tpu.memref_slice %arg3[%mul3A_30] : memref<819200xi32, #tpu.memory_space<hbm>> -> memref<3200xi32, #tpu.memory_space<hbm>>
          tpu.enqueue_dma source(%dma_start3A_54 : memref<3200xi32, #tpu.memory_space<hbm>>) target(%arg7 : memref<3200xi32, #tpu.memory_space<vmem>>) target_semaphore(%run_scoped3A : memref<!tpu.dma_semaphore, #tpu.memory_space<semaphore_mem>>)
          %dma_wait3A = tpu.memref_slice %arg3[%mul3A_30] : memref<819200xi32, #tpu.memory_space<hbm>> -> memref<3200xi32, #tpu.memory_space<hbm>>
          %dma_wait3A_55 = tpu.memref_slice %arg3[%mul3A_30] : memref<819200xi32, #tpu.memory_space<hbm>> -> memref<3200xi32, #tpu.memory_space<hbm>>
          tpu.wait_dma2 semaphore(%run_scoped3A : memref<!tpu.dma_semaphore, #tpu.memory_space<semaphore_mem>>) src(%dma_wait3A_55 : memref<3200xi32, #tpu.memory_space<hbm>>) dst(%arg7 : memref<3200xi32, #tpu.memory_space<vmem>>)
          tpu.yield
        }) : () -> ()
        %scan3A_31 = arith.constant 0 : i32
        %scan3A_32 = arith.constant 0 : i32
        %scan3A_33 = arith.constant 200 : i32
        %scan3A_34 = arith.addi %scan3A_32, %scan3A_33 : i32
        %scan3A_35 = arith.constant 1 : i32
        %scan3A_36 = scf.for %scan3A_54 = %scan3A_32 to %scan3A_34 step %scan3A_35 iter_args(%scan3A_55 = %scan3A_31) -> (i32)  : i32 {
          %mul3A_56 = arith.constant 16 : i32
          %mul3A_57 = arith.muli %scan3A_54, %mul3A_56 : i32
          %get3A = arith.index_cast %mul3A_57 : i32 to index
          %get3A_58 = tpu.vector_load %arg7[%get3A] {strides = array<i32>} : memref<3200xi32, #tpu.memory_space<vmem>>, vector<16xi32>,
          %sub3A = vector.broadcast %add3A_11 : i32 to vector<16xi32>
          %sub3A_59 = arith.subi %get3A_58, %sub3A : vector<16xi32>
          %ge3A = arith.constant 0 : i32
          %ge3A_60 = vector.broadcast %ge3A : i32 to vector<16xi32>
          %ge3A_61 = arith.cmpi sge, %sub3A_59, %ge3A_60 : vector<16xi32>
          %lt3A = arith.constant 232 : i32
          %lt3A_62 = vector.broadcast %lt3A : i32 to vector<16xi32>
          %lt3A_63 = arith.cmpi slt, %sub3A_59, %lt3A_62 : vector<16xi32>
          %and3A = arith.andi %ge3A_61, %lt3A_63 : vector<16xi1>
          %convert_element_type3A = arith.extui %and3A : vector<16xi1> to vector<16xi32>
          %broadcast_in_dim3A_64 = arith.constant true
          %broadcast_in_dim3A_65 = vector.broadcast %broadcast_in_dim3A_64 : i1 to vector<16xi1>
          %masked_cumsum3A = tpu.scan <sum>, %convert_element_type3A masked %broadcast_in_dim3A_65 : vector<16xi32>, vector<16xi1> -> vector<16xi32>
          %sub3A_66 = arith.constant 1 : i32
          %sub3A_67 = arith.subi %scan3A_55, %sub3A_66 : i32
          %add3A_68 = vector.broadcast %sub3A_67 : i32 to vector<16xi32>
          %add3A_69 = arith.addi %add3A_68, %masked_cumsum3A : vector<16xi32>
          %jit3A = arith.constant 3336 : i32
          %broadcast_in_dim3A_70 = vector.broadcast %jit3A : i32 to vector<16xi32>
          %select_n3A = arith.select %and3A, %add3A_69, %broadcast_in_dim3A_70 : vector<16xi1>, vector<16xi32>
          %mul3A_71 = arith.constant 16 : i32
          %mul3A_72 = arith.muli %scan3A_54, %mul3A_71 : i32
          %get3A_73 = arith.index_cast %mul3A_72 : i32 to index
          %get3A_74 = tpu.vector_load %arg6[%get3A_73] {strides = array<i32>} : memref<3200xi32, #tpu.memory_space<vmem>>, vector<16xi32>,
          tpu.vector_store_idx %arg8[%select_n3A], %get3A_74 : memref<3344xi32, #tpu.memory_space<vmem>>[vector<16xi32>], vector<16xi32>,
          tpu.vector_store_idx %arg9[%select_n3A], %sub3A_59 : memref<3344xi32, #tpu.memory_space<vmem>>[vector<16xi32>], vector<16xi32>,
          %reduce_sum3A = arith.constant true
          %reduce_sum3A_75 = vector.broadcast %reduce_sum3A : i1 to vector<16xi1>
          %reduce_sum3A_76 = tpu.scan <sum>, %convert_element_type3A masked %reduce_sum3A_75 : vector<16xi32>, vector<16xi1> -> vector<16xi32>
          %reduce_sum3A_77 = vector.extract %reduce_sum3A_76[15] : i32 from vector<16xi32>
          %add3A_78 = arith.addi %scan3A_55, %reduce_sum3A_77 : i32
          scf.yield %add3A_78 : i32
        }
        %scan3A_37 = arith.constant 200 : i32
        %broadcast_in_dim3A = arith.constant 0 : i32
        %broadcast_in_dim3A_38 = vector.broadcast %broadcast_in_dim3A : i32 to vector<16xi32>
        %add3A_39 = arith.constant 0 : i32
        %add3A_40 = arith.addi %scan3A_36, %add3A_39 : i32
        %swap3A = arith.index_cast %add3A_40 : i32 to index
        %swap3A_41 = tpu.vector_load %arg8[%swap3A] {strides = array<i32>} : memref<3344xi32, #tpu.memory_space<vmem>>, vector<16xi32>,
        tpu.vector_store %arg8[%swap3A], %broadcast_in_dim3A_38 {strides = array<i32>} : memref<3344xi32, #tpu.memory_space<vmem>>, vector<16xi32>,
        %broadcast_in_dim3A_42 = arith.constant 0 : i32
        %broadcast_in_dim3A_43 = vector.broadcast %broadcast_in_dim3A_42 : i32 to vector<16xi32>
        %add3A_44 = arith.constant 16 : i32
        %add3A_45 = arith.addi %scan3A_36, %add3A_44 : i32
        %swap3A_46 = arith.index_cast %add3A_45 : i32 to index
        %swap3A_47 = tpu.vector_load %arg8[%swap3A_46] {strides = array<i32>} : memref<3344xi32, #tpu.memory_space<vmem>>, vector<16xi32>,
        tpu.vector_store %arg8[%swap3A_46], %broadcast_in_dim3A_43 {strides = array<i32>} : memref<3344xi32, #tpu.memory_space<vmem>>, vector<16xi32>,
        %scan3A_48 = arith.constant 0 : i32
        %scan3A_49 = arith.constant 0 : i32
        %scan3A_50 = arith.constant 100 : i32
        %scan3A_51 = arith.addi %scan3A_49, %scan3A_50 : i32
        %scan3A_52 = arith.constant 1 : i32
        scf.for %scan3A_54 = %scan3A_49 to %scan3A_51 step %scan3A_52  : i32 {
          %mul3A_55 = arith.constant 32 : i32
          %mul3A_56 = arith.muli %scan3A_54, %mul3A_55 : i32
          %lt3A = arith.cmpi slt, %mul3A_56, %scan3A_36 : i32
          %convert_element_type3A = arith.extui %lt3A : i1 to i32
          %cond3A = arith.constant 0 : i32
          %cond3A_57 = arith.cmpi ne, %convert_element_type3A, %cond3A : i32
          scf.if %cond3A_57 {
            %mul3A_58 = arith.constant 32 : i32
            %mul3A_59 = arith.muli %scan3A_54, %mul3A_58 : i32
            %dma_start3A = tpu.memref_slice %arg8[%mul3A_59] : memref<3344xi32, #tpu.memory_space<vmem>> -> memref<32xi32, #tpu.memory_space<vmem>>
            %dma_start3A_60 = arith.constant 0 : i32
            %dma_start3A_61 = arith.constant 0 : i32
            %dma_start3A_62 = tpu.memref_slice %arg4[%dma_start3A_60, %dma_start3A_61] : memref<50000x384xf32, #tpu.memory_space<hbm>> -> memref<50000x384xf32, #tpu.memory_space<hbm>>
            tpu.enqueue_indirect_dma source(%dma_start3A_62 : memref<50000x384xf32, #tpu.memory_space<hbm>>) target(%arg10 : memref<32x384xf32, #tpu.memory_space<vmem>>) offsets(%dma_start3A : memref<32xi32, #tpu.memory_space<vmem>>) semaphore(%arg12 : memref<!tpu.dma_semaphore, #tpu.memory_space<semaphore_mem>>)
            %dma_wait3A = tpu.memref_slice %arg8[%mul3A_59] : memref<3344xi32, #tpu.memory_space<vmem>> -> memref<32xi32, #tpu.memory_space<vmem>>
            %dma_wait3A_63 = arith.constant 0 : i32
            %dma_wait3A_64 = arith.constant 0 : i32
            %dma_wait3A_65 = tpu.memref_slice %arg4[%dma_wait3A_63, %dma_wait3A_64] : memref<50000x384xf32, #tpu.memory_space<hbm>> -> memref<50000x384xf32, #tpu.memory_space<hbm>>
            tpu.wait_indirect_dma semaphore(%arg12 : memref<!tpu.dma_semaphore, #tpu.memory_space<semaphore_mem>>) src(%dma_wait3A_65 : memref<50000x384xf32, #tpu.memory_space<hbm>>) dst(%arg10 : memref<32x384xf32, #tpu.memory_space<vmem>>)
            %sub3A = arith.subi %scan3A_36, %mul3A_56 : i32
            %min3A = arith.constant 32 : i32
            %min3A_66 = arith.minsi %sub3A, %min3A : i32
            %while3A = arith.constant 0 : i32
            %while3A_67 = arith.constant 0 : i32
            %while3A_68 = arith.subi %min3A_66, %while3A_67 : i32
            %while3A_69 = arith.addi %while3A_67, %while3A_68 : i32
            %while3A_70 = arith.constant 1 : i32
            %while3A_71 = arith.divsi %while3A_68, %while3A_70 : i32
            %while3A_72 = arith.muli %while3A_71, %while3A_70 : i32
            %while3A_73 = arith.addi %while3A_67, %while3A_72 : i32
            %while3A_74 = arith.constant 1 : i32
            scf.for %while3A_76 = %while3A_67 to %while3A_73 step %while3A_74  : i32 {
              %add3A_77 = arith.addi %mul3A_56, %while3A_76 : i32
              %broadcast_in_dim3A_78 = vector.broadcast %add3A_77 : i32 to vector<16xi32>
              %gather3A = tpu.vector_load_idx %arg9[%broadcast_in_dim3A_78] : memref<3344xi32, #tpu.memory_space<vmem>>[vector<16xi32>], vector<16xi32>,
              %mul3A_79 = arith.constant 384 : i32
              %mul3A_80 = vector.broadcast %mul3A_79 : i32 to vector<16xi32>
              %mul3A_81 = arith.muli %gather3A, %mul3A_80 : vector<16xi32>
              %broadcast_in_dim3A_82 = vector.broadcast %while3A_76 : i32 to vector<16xi32>
              %add3A_83 = arith.constant 0 : i32
              %add3A_84 = vector.broadcast %add3A_83 : i32 to vector<16xi32>
              %add3A_85 = arith.addi %add3A_84, %iota3A : vector<16xi32>
              %gather3A_86 = tpu.vector_load_idx %arg10[%broadcast_in_dim3A_82, %add3A_85] : memref<32x384xf32, #tpu.memory_space<vmem>>[vector<16xi32>, vector<16xi32>], vector<16xf32>,
              %add3A_87 = arith.constant 0 : i32
              %add3A_88 = vector.broadcast %add3A_87 : i32 to vector<16xi32>
              %add3A_89 = arith.addi %mul3A_81, %add3A_88 : vector<16xi32>
              %add3A_90 = arith.addi %add3A_89, %iota3A : vector<16xi32>
              tpu.vector_store_idx %arg11[%add3A_90], %gather3A_86 {add = true} : memref<89472xf32, #tpu.memory_space<vmem>>[vector<16xi32>], vector<16xf32>,
              %broadcast_in_dim3A_91 = vector.broadcast %while3A_76 : i32 to vector<16xi32>
              %add3A_92 = arith.constant 16 : i32
              %add3A_93 = vector.broadcast %add3A_92 : i32 to vector<16xi32>
              %add3A_94 = arith.addi %add3A_93, %iota3A : vector<16xi32>
              %gather3A_95 = tpu.vector_load_idx %arg10[%broadcast_in_dim3A_91, %add3A_94] : memref<32x384xf32, #tpu.memory_space<vmem>>[vector<16xi32>, vector<16xi32>], vector<16xf32>,
              %add3A_96 = arith.constant 16 : i32
              %add3A_97 = vector.broadcast %add3A_96 : i32 to vector<16xi32>
              %add3A_98 = arith.addi %mul3A_81, %add3A_97 : vector<16xi32>
              %add3A_99 = arith.addi %add3A_98, %iota3A : vector<16xi32>
              tpu.vector_store_idx %arg11[%add3A_99], %gather3A_95 {add = true} : memref<89472xf32, #tpu.memory_space<vmem>>[vector<16xi32>], vector<16xf32>,
              %broadcast_in_dim3A_100 = vector.broadcast %while3A_76 : i32 to vector<16xi32>
              %add3A_101 = arith.constant 32 : i32
              %add3A_102 = vector.broadcast %add3A_101 : i32 to vector<16xi32>
              %add3A_103 = arith.addi %add3A_102, %iota3A : vector<16xi32>
              %gather3A_104 = tpu.vector_load_idx %arg10[%broadcast_in_dim3A_100, %add3A_103] : memref<32x384xf32, #tpu.memory_space<vmem>>[vector<16xi32>, vector<16xi32>], vector<16xf32>,
              %add3A_105 = arith.constant 32 : i32
              %add3A_106 = vector.broadcast %add3A_105 : i32 to vector<16xi32>
              %add3A_107 = arith.addi %mul3A_81, %add3A_106 : vector<16xi32>
              %add3A_108 = arith.addi %add3A_107, %iota3A : vector<16xi32>
              tpu.vector_store_idx %arg11[%add3A_108], %gather3A_104 {add = true} : memref<89472xf32, #tpu.memory_space<vmem>>[vector<16xi32>], vector<16xf32>,
              %broadcast_in_dim3A_109 = vector.broadcast %while3A_76 : i32 to vector<16xi32>
              %add3A_110 = arith.constant 48 : i32
              %add3A_111 = vector.broadcast %add3A_110 : i32 to vector<16xi32>
              %add3A_112 = arith.addi %add3A_111, %iota3A : vector<16xi32>
              %gather3A_113 = tpu.vector_load_idx %arg10[%broadcast_in_dim3A_109, %add3A_112] : memref<32x384xf32, #tpu.memory_space<vmem>>[vector<16xi32>, vector<16xi32>], vector<16xf32>,
              %add3A_114 = arith.constant 48 : i32
              %add3A_115 = vector.broadcast %add3A_114 : i32 to vector<16xi32>
              %add3A_116 = arith.addi %mul3A_81, %add3A_115 : vector<16xi32>
              %add3A_117 = arith.addi %add3A_116, %iota3A : vector<16xi32>
              tpu.vector_store_idx %arg11[%add3A_117], %gather3A_113 {add = true} : memref<89472xf32, #tpu.memory_space<vmem>>[vector<16xi32>], vector<16xf32>,
              %broadcast_in_dim3A_118 = vector.broadcast %while3A_76 : i32 to vector<16xi32>
              %add3A_119 = arith.constant 64 : i32
              %add3A_120 = vector.broadcast %add3A_119 : i32 to vector<16xi32>
              %add3A_121 = arith.addi %add3A_120, %iota3A : vector<16xi32>
              %gather3A_122 = tpu.vector_load_idx %arg10[%broadcast_in_dim3A_118, %add3A_121] : memref<32x384xf32, #tpu.memory_space<vmem>>[vector<16xi32>, vector<16xi32>], vector<16xf32>,
              %add3A_123 = arith.constant 64 : i32
              %add3A_124 = vector.broadcast %add3A_123 : i32 to vector<16xi32>
              %add3A_125 = arith.addi %mul3A_81, %add3A_124 : vector<16xi32>
              %add3A_126 = arith.addi %add3A_125, %iota3A : vector<16xi32>
              tpu.vector_store_idx %arg11[%add3A_126], %gather3A_122 {add = true} : memref<89472xf32, #tpu.memory_space<vmem>>[vector<16xi32>], vector<16xf32>,
              %broadcast_in_dim3A_127 = vector.broadcast %while3A_76 : i32 to vector<16xi32>
              %add3A_128 = arith.constant 80 : i32
              %add3A_129 = vector.broadcast %add3A_128 : i32 to vector<16xi32>
              %add3A_130 = arith.addi %add3A_129, %iota3A : vector<16xi32>
              %gather3A_131 = tpu.vector_load_idx %arg10[%broadcast_in_dim3A_127, %add3A_130] : memref<32x384xf32, #tpu.memory_space<vmem>>[vector<16xi32>, vector<16xi32>], vector<16xf32>,
              %add3A_132 = arith.constant 80 : i32
              %add3A_133 = vector.broadcast %add3A_132 : i32 to vector<16xi32>
              %add3A_134 = arith.addi %mul3A_81, %add3A_133 : vector<16xi32>
              %add3A_135 = arith.addi %add3A_134, %iota3A : vector<16xi32>
              tpu.vector_store_idx %arg11[%add3A_135], %gather3A_131 {add = true} : memref<89472xf32, #tpu.memory_space<vmem>>[vector<16xi32>], vector<16xf32>,
              %broadcast_in_dim3A_136 = vector.broadcast %while3A_76 : i32 to vector<16xi32>
              %add3A_137 = arith.constant 96 : i32
              %add3A_138 = vector.broadcast %add3A_137 : i32 to vector<16xi32>
              %add3A_139 = arith.addi %add3A_138, %iota3A : vector<16xi32>
              %gather3A_140 = tpu.vector_load_idx %arg10[%broadcast_in_dim3A_136, %add3A_139] : memref<32x384xf32, #tpu.memory_space<vmem>>[vector<16xi32>, vector<16xi32>], vector<16xf32>,
              %add3A_141 = arith.constant 96 : i32
              %add3A_142 = vector.broadcast %add3A_141 : i32 to vector<16xi32>
              %add3A_143 = arith.addi %mul3A_81, %add3A_142 : vector<16xi32>
              %add3A_144 = arith.addi %add3A_143, %iota3A : vector<16xi32>
              tpu.vector_store_idx %arg11[%add3A_144], %gather3A_140 {add = true} : memref<89472xf32, #tpu.memory_space<vmem>>[vector<16xi32>], vector<16xf32>,
              %broadcast_in_dim3A_145 = vector.broadcast %while3A_76 : i32 to vector<16xi32>
              %add3A_146 = arith.constant 112 : i32
              %add3A_147 = vector.broadcast %add3A_146 : i32 to vector<16xi32>
              %add3A_148 = arith.addi %add3A_147, %iota3A : vector<16xi32>
              %gather3A_149 = tpu.vector_load_idx %arg10[%broadcast_in_dim3A_145, %add3A_148] : memref<32x384xf32, #tpu.memory_space<vmem>>[vector<16xi32>, vector<16xi32>], vector<16xf32>,
              %add3A_150 = arith.constant 112 : i32
              %add3A_151 = vector.broadcast %add3A_150 : i32 to vector<16xi32>
              %add3A_152 = arith.addi %mul3A_81, %add3A_151 : vector<16xi32>
              %add3A_153 = arith.addi %add3A_152, %iota3A : vector<16xi32>
              tpu.vector_store_idx %arg11[%add3A_153], %gather3A_149 {add = true} : memref<89472xf32, #tpu.memory_space<vmem>>[vector<16xi32>], vector<16xf32>,
              %broadcast_in_dim3A_154 = vector.broadcast %while3A_76 : i32 to vector<16xi32>
              %add3A_155 = arith.constant 128 : i32
              %add3A_156 = vector.broadcast %add3A_155 : i32 to vector<16xi32>
              %add3A_157 = arith.addi %add3A_156, %iota3A : vector<16xi32>
              %gather3A_158 = tpu.vector_load_idx %arg10[%broadcast_in_dim3A_154, %add3A_157] : memref<32x384xf32, #tpu.memory_space<vmem>>[vector<16xi32>, vector<16xi32>], vector<16xf32>,
              %add3A_159 = arith.constant 128 : i32
              %add3A_160 = vector.broadcast %add3A_159 : i32 to vector<16xi32>
              %add3A_161 = arith.addi %mul3A_81, %add3A_160 : vector<16xi32>
              %add3A_162 = arith.addi %add3A_161, %iota3A : vector<16xi32>
              tpu.vector_store_idx %arg11[%add3A_162], %gather3A_158 {add = true} : memref<89472xf32, #tpu.memory_space<vmem>>[vector<16xi32>], vector<16xf32>,
              %broadcast_in_dim3A_163 = vector.broadcast %while3A_76 : i32 to vector<16xi32>
              %add3A_164 = arith.constant 144 : i32
              %add3A_165 = vector.broadcast %add3A_164 : i32 to vector<16xi32>
              %add3A_166 = arith.addi %add3A_165, %iota3A : vector<16xi32>
              %gather3A_167 = tpu.vector_load_idx %arg10[%broadcast_in_dim3A_163, %add3A_166] : memref<32x384xf32, #tpu.memory_space<vmem>>[vector<16xi32>, vector<16xi32>], vector<16xf32>,
              %add3A_168 = arith.constant 144 : i32
              %add3A_169 = vector.broadcast %add3A_168 : i32 to vector<16xi32>
              %add3A_170 = arith.addi %mul3A_81, %add3A_169 : vector<16xi32>
              %add3A_171 = arith.addi %add3A_170, %iota3A : vector<16xi32>
              tpu.vector_store_idx %arg11[%add3A_171], %gather3A_167 {add = true} : memref<89472xf32, #tpu.memory_space<vmem>>[vector<16xi32>], vector<16xf32>,
              %broadcast_in_dim3A_172 = vector.broadcast %while3A_76 : i32 to vector<16xi32>
              %add3A_173 = arith.constant 160 : i32
              %add3A_174 = vector.broadcast %add3A_173 : i32 to vector<16xi32>
              %add3A_175 = arith.addi %add3A_174, %iota3A : vector<16xi32>
              %gather3A_176 = tpu.vector_load_idx %arg10[%broadcast_in_dim3A_172, %add3A_175] : memref<32x384xf32, #tpu.memory_space<vmem>>[vector<16xi32>, vector<16xi32>], vector<16xf32>,
              %add3A_177 = arith.constant 160 : i32
              %add3A_178 = vector.broadcast %add3A_177 : i32 to vector<16xi32>
              %add3A_179 = arith.addi %mul3A_81, %add3A_178 : vector<16xi32>
              %add3A_180 = arith.addi %add3A_179, %iota3A : vector<16xi32>
              tpu.vector_store_idx %arg11[%add3A_180], %gather3A_176 {add = true} : memref<89472xf32, #tpu.memory_space<vmem>>[vector<16xi32>], vector<16xf32>,
              %broadcast_in_dim3A_181 = vector.broadcast %while3A_76 : i32 to vector<16xi32>
              %add3A_182 = arith.constant 176 : i32
              %add3A_183 = vector.broadcast %add3A_182 : i32 to vector<16xi32>
              %add3A_184 = arith.addi %add3A_183, %iota3A : vector<16xi32>
              %gather3A_185 = tpu.vector_load_idx %arg10[%broadcast_in_dim3A_181, %add3A_184] : memref<32x384xf32, #tpu.memory_space<vmem>>[vector<16xi32>, vector<16xi32>], vector<16xf32>,
              %add3A_186 = arith.constant 176 : i32
              %add3A_187 = vector.broadcast %add3A_186 : i32 to vector<16xi32>
              %add3A_188 = arith.addi %mul3A_81, %add3A_187 : vector<16xi32>
              %add3A_189 = arith.addi %add3A_188, %iota3A : vector<16xi32>
              tpu.vector_store_idx %arg11[%add3A_189], %gather3A_185 {add = true} : memref<89472xf32, #tpu.memory_space<vmem>>[vector<16xi32>], vector<16xf32>,
              %broadcast_in_dim3A_190 = vector.broadcast %while3A_76 : i32 to vector<16xi32>
              %add3A_191 = arith.constant 192 : i32
              %add3A_192 = vector.broadcast %add3A_191 : i32 to vector<16xi32>
              %add3A_193 = arith.addi %add3A_192, %iota3A : vector<16xi32>
              %gather3A_194 = tpu.vector_load_idx %arg10[%broadcast_in_dim3A_190, %add3A_193] : memref<32x384xf32, #tpu.memory_space<vmem>>[vector<16xi32>, vector<16xi32>], vector<16xf32>,
              %add3A_195 = arith.constant 192 : i32
              %add3A_196 = vector.broadcast %add3A_195 : i32 to vector<16xi32>
              %add3A_197 = arith.addi %mul3A_81, %add3A_196 : vector<16xi32>
              %add3A_198 = arith.addi %add3A_197, %iota3A : vector<16xi32>
              tpu.vector_store_idx %arg11[%add3A_198], %gather3A_194 {add = true} : memref<89472xf32, #tpu.memory_space<vmem>>[vector<16xi32>], vector<16xf32>,
              %broadcast_in_dim3A_199 = vector.broadcast %while3A_76 : i32 to vector<16xi32>
              %add3A_200 = arith.constant 208 : i32
              %add3A_201 = vector.broadcast %add3A_200 : i32 to vector<16xi32>
              %add3A_202 = arith.addi %add3A_201, %iota3A : vector<16xi32>
              %gather3A_203 = tpu.vector_load_idx %arg10[%broadcast_in_dim3A_199, %add3A_202] : memref<32x384xf32, #tpu.memory_space<vmem>>[vector<16xi32>, vector<16xi32>], vector<16xf32>,
              %add3A_204 = arith.constant 208 : i32
              %add3A_205 = vector.broadcast %add3A_204 : i32 to vector<16xi32>
              %add3A_206 = arith.addi %mul3A_81, %add3A_205 : vector<16xi32>
              %add3A_207 = arith.addi %add3A_206, %iota3A : vector<16xi32>
              tpu.vector_store_idx %arg11[%add3A_207], %gather3A_203 {add = true} : memref<89472xf32, #tpu.memory_space<vmem>>[vector<16xi32>], vector<16xf32>,
              %broadcast_in_dim3A_208 = vector.broadcast %while3A_76 : i32 to vector<16xi32>
              %add3A_209 = arith.constant 224 : i32
              %add3A_210 = vector.broadcast %add3A_209 : i32 to vector<16xi32>
              %add3A_211 = arith.addi %add3A_210, %iota3A : vector<16xi32>
              %gather3A_212 = tpu.vector_load_idx %arg10[%broadcast_in_dim3A_208, %add3A_211] : memref<32x384xf32, #tpu.memory_space<vmem>>[vector<16xi32>, vector<16xi32>], vector<16xf32>,
              %add3A_213 = arith.constant 224 : i32
              %add3A_214 = vector.broadcast %add3A_213 : i32 to vector<16xi32>
              %add3A_215 = arith.addi %mul3A_81, %add3A_214 : vector<16xi32>
              %add3A_216 = arith.addi %add3A_215, %iota3A : vector<16xi32>
              tpu.vector_store_idx %arg11[%add3A_216], %gather3A_212 {add = true} : memref<89472xf32, #tpu.memory_space<vmem>>[vector<16xi32>], vector<16xf32>,
              %broadcast_in_dim3A_217 = vector.broadcast %while3A_76 : i32 to vector<16xi32>
              %add3A_218 = arith.constant 240 : i32
              %add3A_219 = vector.broadcast %add3A_218 : i32 to vector<16xi32>
              %add3A_220 = arith.addi %add3A_219, %iota3A : vector<16xi32>
              %gather3A_221 = tpu.vector_load_idx %arg10[%broadcast_in_dim3A_217, %add3A_220] : memref<32x384xf32, #tpu.memory_space<vmem>>[vector<16xi32>, vector<16xi32>], vector<16xf32>,
              %add3A_222 = arith.constant 240 : i32
              %add3A_223 = vector.broadcast %add3A_222 : i32 to vector<16xi32>
              %add3A_224 = arith.addi %mul3A_81, %add3A_223 : vector<16xi32>
              %add3A_225 = arith.addi %add3A_224, %iota3A : vector<16xi32>
              tpu.vector_store_idx %arg11[%add3A_225], %gather3A_221 {add = true} : memref<89472xf32, #tpu.memory_space<vmem>>[vector<16xi32>], vector<16xf32>,
              %broadcast_in_dim3A_226 = vector.broadcast %while3A_76 : i32 to vector<16xi32>
              %add3A_227 = arith.constant 256 : i32
              %add3A_228 = vector.broadcast %add3A_227 : i32 to vector<16xi32>
              %add3A_229 = arith.addi %add3A_228, %iota3A : vector<16xi32>
              %gather3A_230 = tpu.vector_load_idx %arg10[%broadcast_in_dim3A_226, %add3A_229] : memref<32x384xf32, #tpu.memory_space<vmem>>[vector<16xi32>, vector<16xi32>], vector<16xf32>,
              %add3A_231 = arith.constant 256 : i32
              %add3A_232 = vector.broadcast %add3A_231 : i32 to vector<16xi32>
              %add3A_233 = arith.addi %mul3A_81, %add3A_232 : vector<16xi32>
              %add3A_234 = arith.addi %add3A_233, %iota3A : vector<16xi32>
              tpu.vector_store_idx %arg11[%add3A_234], %gather3A_230 {add = true} : memref<89472xf32, #tpu.memory_space<vmem>>[vector<16xi32>], vector<16xf32>,
              %broadcast_in_dim3A_235 = vector.broadcast %while3A_76 : i32 to vector<16xi32>
              %add3A_236 = arith.constant 272 : i32
              %add3A_237 = vector.broadcast %add3A_236 : i32 to vector<16xi32>
              %add3A_238 = arith.addi %add3A_237, %iota3A : vector<16xi32>
              %gather3A_239 = tpu.vector_load_idx %arg10[%broadcast_in_dim3A_235, %add3A_238] : memref<32x384xf32, #tpu.memory_space<vmem>>[vector<16xi32>, vector<16xi32>], vector<16xf32>,
              %add3A_240 = arith.constant 272 : i32
              %add3A_241 = vector.broadcast %add3A_240 : i32 to vector<16xi32>
              %add3A_242 = arith.addi %mul3A_81, %add3A_241 : vector<16xi32>
              %add3A_243 = arith.addi %add3A_242, %iota3A : vector<16xi32>
              tpu.vector_store_idx %arg11[%add3A_243], %gather3A_239 {add = true} : memref<89472xf32, #tpu.memory_space<vmem>>[vector<16xi32>], vector<16xf32>,
              %broadcast_in_dim3A_244 = vector.broadcast %while3A_76 : i32 to vector<16xi32>
              %add3A_245 = arith.constant 288 : i32
              %add3A_246 = vector.broadcast %add3A_245 : i32 to vector<16xi32>
              %add3A_247 = arith.addi %add3A_246, %iota3A : vector<16xi32>
              %gather3A_248 = tpu.vector_load_idx %arg10[%broadcast_in_dim3A_244, %add3A_247] : memref<32x384xf32, #tpu.memory_space<vmem>>[vector<16xi32>, vector<16xi32>], vector<16xf32>,
              %add3A_249 = arith.constant 288 : i32
              %add3A_250 = vector.broadcast %add3A_249 : i32 to vector<16xi32>
              %add3A_251 = arith.addi %mul3A_81, %add3A_250 : vector<16xi32>
              %add3A_252 = arith.addi %add3A_251, %iota3A : vector<16xi32>
              tpu.vector_store_idx %arg11[%add3A_252], %gather3A_248 {add = true} : memref<89472xf32, #tpu.memory_space<vmem>>[vector<16xi32>], vector<16xf32>,
              %broadcast_in_dim3A_253 = vector.broadcast %while3A_76 : i32 to vector<16xi32>
              %add3A_254 = arith.constant 304 : i32
              %add3A_255 = vector.broadcast %add3A_254 : i32 to vector<16xi32>
              %add3A_256 = arith.addi %add3A_255, %iota3A : vector<16xi32>
              %gather3A_257 = tpu.vector_load_idx %arg10[%broadcast_in_dim3A_253, %add3A_256] : memref<32x384xf32, #tpu.memory_space<vmem>>[vector<16xi32>, vector<16xi32>], vector<16xf32>,
              %add3A_258 = arith.constant 304 : i32
              %add3A_259 = vector.broadcast %add3A_258 : i32 to vector<16xi32>
              %add3A_260 = arith.addi %mul3A_81, %add3A_259 : vector<16xi32>
              %add3A_261 = arith.addi %add3A_260, %iota3A : vector<16xi32>
              tpu.vector_store_idx %arg11[%add3A_261], %gather3A_257 {add = true} : memref<89472xf32, #tpu.memory_space<vmem>>[vector<16xi32>], vector<16xf32>,
              %broadcast_in_dim3A_262 = vector.broadcast %while3A_76 : i32 to vector<16xi32>
              %add3A_263 = arith.constant 320 : i32
              %add3A_264 = vector.broadcast %add3A_263 : i32 to vector<16xi32>
              %add3A_265 = arith.addi %add3A_264, %iota3A : vector<16xi32>
              %gather3A_266 = tpu.vector_load_idx %arg10[%broadcast_in_dim3A_262, %add3A_265] : memref<32x384xf32, #tpu.memory_space<vmem>>[vector<16xi32>, vector<16xi32>], vector<16xf32>,
              %add3A_267 = arith.constant 320 : i32
              %add3A_268 = vector.broadcast %add3A_267 : i32 to vector<16xi32>
              %add3A_269 = arith.addi %mul3A_81, %add3A_268 : vector<16xi32>
              %add3A_270 = arith.addi %add3A_269, %iota3A : vector<16xi32>
              tpu.vector_store_idx %arg11[%add3A_270], %gather3A_266 {add = true} : memref<89472xf32, #tpu.memory_space<vmem>>[vector<16xi32>], vector<16xf32>,
              %broadcast_in_dim3A_271 = vector.broadcast %while3A_76 : i32 to vector<16xi32>
              %add3A_272 = arith.constant 336 : i32
              %add3A_273 = vector.broadcast %add3A_272 : i32 to vector<16xi32>
              %add3A_274 = arith.addi %add3A_273, %iota3A : vector<16xi32>
              %gather3A_275 = tpu.vector_load_idx %arg10[%broadcast_in_dim3A_271, %add3A_274] : memref<32x384xf32, #tpu.memory_space<vmem>>[vector<16xi32>, vector<16xi32>], vector<16xf32>,
              %add3A_276 = arith.constant 336 : i32
              %add3A_277 = vector.broadcast %add3A_276 : i32 to vector<16xi32>
              %add3A_278 = arith.addi %mul3A_81, %add3A_277 : vector<16xi32>
              %add3A_279 = arith.addi %add3A_278, %iota3A : vector<16xi32>
              tpu.vector_store_idx %arg11[%add3A_279], %gather3A_275 {add = true} : memref<89472xf32, #tpu.memory_space<vmem>>[vector<16xi32>], vector<16xf32>,
              %broadcast_in_dim3A_280 = vector.broadcast %while3A_76 : i32 to vector<16xi32>
              %add3A_281 = arith.constant 352 : i32
              %add3A_282 = vector.broadcast %add3A_281 : i32 to vector<16xi32>
              %add3A_283 = arith.addi %add3A_282, %iota3A : vector<16xi32>
              %gather3A_284 = tpu.vector_load_idx %arg10[%broadcast_in_dim3A_280, %add3A_283] : memref<32x384xf32, #tpu.memory_space<vmem>>[vector<16xi32>, vector<16xi32>], vector<16xf32>,
              %add3A_285 = arith.constant 352 : i32
              %add3A_286 = vector.broadcast %add3A_285 : i32 to vector<16xi32>
              %add3A_287 = arith.addi %mul3A_81, %add3A_286 : vector<16xi32>
              %add3A_288 = arith.addi %add3A_287, %iota3A : vector<16xi32>
              tpu.vector_store_idx %arg11[%add3A_288], %gather3A_284 {add = true} : memref<89472xf32, #tpu.memory_space<vmem>>[vector<16xi32>], vector<16xf32>,
              %broadcast_in_dim3A_289 = vector.broadcast %while3A_76 : i32 to vector<16xi32>
              %add3A_290 = arith.constant 368 : i32
              %add3A_291 = vector.broadcast %add3A_290 : i32 to vector<16xi32>
              %add3A_292 = arith.addi %add3A_291, %iota3A : vector<16xi32>
              %gather3A_293 = tpu.vector_load_idx %arg10[%broadcast_in_dim3A_289, %add3A_292] : memref<32x384xf32, #tpu.memory_space<vmem>>[vector<16xi32>, vector<16xi32>], vector<16xf32>,
              %add3A_294 = arith.constant 368 : i32
              %add3A_295 = vector.broadcast %add3A_294 : i32 to vector<16xi32>
              %add3A_296 = arith.addi %mul3A_81, %add3A_295 : vector<16xi32>
              %add3A_297 = arith.addi %add3A_296, %iota3A : vector<16xi32>
              tpu.vector_store_idx %arg11[%add3A_297], %gather3A_293 {add = true} : memref<89472xf32, #tpu.memory_space<vmem>>[vector<16xi32>], vector<16xf32>,
            }
            %while3A_75 = arith.constant 1 : i32
            scf.for %while3A_76 = %while3A_73 to %while3A_69 step %while3A_75  : i32 {
              %add3A_77 = arith.addi %mul3A_56, %while3A_76 : i32
              %broadcast_in_dim3A_78 = vector.broadcast %add3A_77 : i32 to vector<16xi32>
              %gather3A = tpu.vector_load_idx %arg9[%broadcast_in_dim3A_78] : memref<3344xi32, #tpu.memory_space<vmem>>[vector<16xi32>], vector<16xi32>,
              %mul3A_79 = arith.constant 384 : i32
              %mul3A_80 = vector.broadcast %mul3A_79 : i32 to vector<16xi32>
              %mul3A_81 = arith.muli %gather3A, %mul3A_80 : vector<16xi32>
              %broadcast_in_dim3A_82 = vector.broadcast %while3A_76 : i32 to vector<16xi32>
              %add3A_83 = arith.constant 0 : i32
              %add3A_84 = vector.broadcast %add3A_83 : i32 to vector<16xi32>
              %add3A_85 = arith.addi %add3A_84, %iota3A : vector<16xi32>
              %gather3A_86 = tpu.vector_load_idx %arg10[%broadcast_in_dim3A_82, %add3A_85] : memref<32x384xf32, #tpu.memory_space<vmem>>[vector<16xi32>, vector<16xi32>], vector<16xf32>,
              %add3A_87 = arith.constant 0 : i32
              %add3A_88 = vector.broadcast %add3A_87 : i32 to vector<16xi32>
              %add3A_89 = arith.addi %mul3A_81, %add3A_88 : vector<16xi32>
              %add3A_90 = arith.addi %add3A_89, %iota3A : vector<16xi32>
              tpu.vector_store_idx %arg11[%add3A_90], %gather3A_86 {add = true} : memref<89472xf32, #tpu.memory_space<vmem>>[vector<16xi32>], vector<16xf32>,
              %broadcast_in_dim3A_91 = vector.broadcast %while3A_76 : i32 to vector<16xi32>
              %add3A_92 = arith.constant 16 : i32
              %add3A_93 = vector.broadcast %add3A_92 : i32 to vector<16xi32>
              %add3A_94 = arith.addi %add3A_93, %iota3A : vector<16xi32>
              %gather3A_95 = tpu.vector_load_idx %arg10[%broadcast_in_dim3A_91, %add3A_94] : memref<32x384xf32, #tpu.memory_space<vmem>>[vector<16xi32>, vector<16xi32>], vector<16xf32>,
              %add3A_96 = arith.constant 16 : i32
              %add3A_97 = vector.broadcast %add3A_96 : i32 to vector<16xi32>
              %add3A_98 = arith.addi %mul3A_81, %add3A_97 : vector<16xi32>
              %add3A_99 = arith.addi %add3A_98, %iota3A : vector<16xi32>
              tpu.vector_store_idx %arg11[%add3A_99], %gather3A_95 {add = true} : memref<89472xf32, #tpu.memory_space<vmem>>[vector<16xi32>], vector<16xf32>,
              %broadcast_in_dim3A_100 = vector.broadcast %while3A_76 : i32 to vector<16xi32>
              %add3A_101 = arith.constant 32 : i32
              %add3A_102 = vector.broadcast %add3A_101 : i32 to vector<16xi32>
              %add3A_103 = arith.addi %add3A_102, %iota3A : vector<16xi32>
              %gather3A_104 = tpu.vector_load_idx %arg10[%broadcast_in_dim3A_100, %add3A_103] : memref<32x384xf32, #tpu.memory_space<vmem>>[vector<16xi32>, vector<16xi32>], vector<16xf32>,
              %add3A_105 = arith.constant 32 : i32
              %add3A_106 = vector.broadcast %add3A_105 : i32 to vector<16xi32>
              %add3A_107 = arith.addi %mul3A_81, %add3A_106 : vector<16xi32>
              %add3A_108 = arith.addi %add3A_107, %iota3A : vector<16xi32>
              tpu.vector_store_idx %arg11[%add3A_108], %gather3A_104 {add = true} : memref<89472xf32, #tpu.memory_space<vmem>>[vector<16xi32>], vector<16xf32>,
              %broadcast_in_dim3A_109 = vector.broadcast %while3A_76 : i32 to vector<16xi32>
              %add3A_110 = arith.constant 48 : i32
              %add3A_111 = vector.broadcast %add3A_110 : i32 to vector<16xi32>
              %add3A_112 = arith.addi %add3A_111, %iota3A : vector<16xi32>
              %gather3A_113 = tpu.vector_load_idx %arg10[%broadcast_in_dim3A_109, %add3A_112] : memref<32x384xf32, #tpu.memory_space<vmem>>[vector<16xi32>, vector<16xi32>], vector<16xf32>,
              %add3A_114 = arith.constant 48 : i32
              %add3A_115 = vector.broadcast %add3A_114 : i32 to vector<16xi32>
              %add3A_116 = arith.addi %mul3A_81, %add3A_115 : vector<16xi32>
              %add3A_117 = arith.addi %add3A_116, %iota3A : vector<16xi32>
              tpu.vector_store_idx %arg11[%add3A_117], %gather3A_113 {add = true} : memref<89472xf32, #tpu.memory_space<vmem>>[vector<16xi32>], vector<16xf32>,
              %broadcast_in_dim3A_118 = vector.broadcast %while3A_76 : i32 to vector<16xi32>
              %add3A_119 = arith.constant 64 : i32
              %add3A_120 = vector.broadcast %add3A_119 : i32 to vector<16xi32>
              %add3A_121 = arith.addi %add3A_120, %iota3A : vector<16xi32>
              %gather3A_122 = tpu.vector_load_idx %arg10[%broadcast_in_dim3A_118, %add3A_121] : memref<32x384xf32, #tpu.memory_space<vmem>>[vector<16xi32>, vector<16xi32>], vector<16xf32>,
              %add3A_123 = arith.constant 64 : i32
              %add3A_124 = vector.broadcast %add3A_123 : i32 to vector<16xi32>
              %add3A_125 = arith.addi %mul3A_81, %add3A_124 : vector<16xi32>
              %add3A_126 = arith.addi %add3A_125, %iota3A : vector<16xi32>
              tpu.vector_store_idx %arg11[%add3A_126], %gather3A_122 {add = true} : memref<89472xf32, #tpu.memory_space<vmem>>[vector<16xi32>], vector<16xf32>,
              %broadcast_in_dim3A_127 = vector.broadcast %while3A_76 : i32 to vector<16xi32>
              %add3A_128 = arith.constant 80 : i32
              %add3A_129 = vector.broadcast %add3A_128 : i32 to vector<16xi32>
              %add3A_130 = arith.addi %add3A_129, %iota3A : vector<16xi32>
              %gather3A_131 = tpu.vector_load_idx %arg10[%broadcast_in_dim3A_127, %add3A_130] : memref<32x384xf32, #tpu.memory_space<vmem>>[vector<16xi32>, vector<16xi32>], vector<16xf32>,
              %add3A_132 = arith.constant 80 : i32
              %add3A_133 = vector.broadcast %add3A_132 : i32 to vector<16xi32>
              %add3A_134 = arith.addi %mul3A_81, %add3A_133 : vector<16xi32>
              %add3A_135 = arith.addi %add3A_134, %iota3A : vector<16xi32>
              tpu.vector_store_idx %arg11[%add3A_135], %gather3A_131 {add = true} : memref<89472xf32, #tpu.memory_space<vmem>>[vector<16xi32>], vector<16xf32>,
              %broadcast_in_dim3A_136 = vector.broadcast %while3A_76 : i32 to vector<16xi32>
              %add3A_137 = arith.constant 96 : i32
              %add3A_138 = vector.broadcast %add3A_137 : i32 to vector<16xi32>
              %add3A_139 = arith.addi %add3A_138, %iota3A : vector<16xi32>
              %gather3A_140 = tpu.vector_load_idx %arg10[%broadcast_in_dim3A_136, %add3A_139] : memref<32x384xf32, #tpu.memory_space<vmem>>[vector<16xi32>, vector<16xi32>], vector<16xf32>,
              %add3A_141 = arith.constant 96 : i32
              %add3A_142 = vector.broadcast %add3A_141 : i32 to vector<16xi32>
              %add3A_143 = arith.addi %mul3A_81, %add3A_142 : vector<16xi32>
              %add3A_144 = arith.addi %add3A_143, %iota3A : vector<16xi32>
              tpu.vector_store_idx %arg11[%add3A_144], %gather3A_140 {add = true} : memref<89472xf32, #tpu.memory_space<vmem>>[vector<16xi32>], vector<16xf32>,
              %broadcast_in_dim3A_145 = vector.broadcast %while3A_76 : i32 to vector<16xi32>
              %add3A_146 = arith.constant 112 : i32
              %add3A_147 = vector.broadcast %add3A_146 : i32 to vector<16xi32>
              %add3A_148 = arith.addi %add3A_147, %iota3A : vector<16xi32>
              %gather3A_149 = tpu.vector_load_idx %arg10[%broadcast_in_dim3A_145, %add3A_148] : memref<32x384xf32, #tpu.memory_space<vmem>>[vector<16xi32>, vector<16xi32>], vector<16xf32>,
              %add3A_150 = arith.constant 112 : i32
              %add3A_151 = vector.broadcast %add3A_150 : i32 to vector<16xi32>
              %add3A_152 = arith.addi %mul3A_81, %add3A_151 : vector<16xi32>
              %add3A_153 = arith.addi %add3A_152, %iota3A : vector<16xi32>
              tpu.vector_store_idx %arg11[%add3A_153], %gather3A_149 {add = true} : memref<89472xf32, #tpu.memory_space<vmem>>[vector<16xi32>], vector<16xf32>,
              %broadcast_in_dim3A_154 = vector.broadcast %while3A_76 : i32 to vector<16xi32>
              %add3A_155 = arith.constant 128 : i32
              %add3A_156 = vector.broadcast %add3A_155 : i32 to vector<16xi32>
              %add3A_157 = arith.addi %add3A_156, %iota3A : vector<16xi32>
              %gather3A_158 = tpu.vector_load_idx %arg10[%broadcast_in_dim3A_154, %add3A_157] : memref<32x384xf32, #tpu.memory_space<vmem>>[vector<16xi32>, vector<16xi32>], vector<16xf32>,
              %add3A_159 = arith.constant 128 : i32
              %add3A_160 = vector.broadcast %add3A_159 : i32 to vector<16xi32>
              %add3A_161 = arith.addi %mul3A_81, %add3A_160 : vector<16xi32>
              %add3A_162 = arith.addi %add3A_161, %iota3A : vector<16xi32>
              tpu.vector_store_idx %arg11[%add3A_162], %gather3A_158 {add = true} : memref<89472xf32, #tpu.memory_space<vmem>>[vector<16xi32>], vector<16xf32>,
              %broadcast_in_dim3A_163 = vector.broadcast %while3A_76 : i32 to vector<16xi32>
              %add3A_164 = arith.constant 144 : i32
              %add3A_165 = vector.broadcast %add3A_164 : i32 to vector<16xi32>
              %add3A_166 = arith.addi %add3A_165, %iota3A : vector<16xi32>
              %gather3A_167 = tpu.vector_load_idx %arg10[%broadcast_in_dim3A_163, %add3A_166] : memref<32x384xf32, #tpu.memory_space<vmem>>[vector<16xi32>, vector<16xi32>], vector<16xf32>,
              %add3A_168 = arith.constant 144 : i32
              %add3A_169 = vector.broadcast %add3A_168 : i32 to vector<16xi32>
              %add3A_170 = arith.addi %mul3A_81, %add3A_169 : vector<16xi32>
              %add3A_171 = arith.addi %add3A_170, %iota3A : vector<16xi32>
              tpu.vector_store_idx %arg11[%add3A_171], %gather3A_167 {add = true} : memref<89472xf32, #tpu.memory_space<vmem>>[vector<16xi32>], vector<16xf32>,
              %broadcast_in_dim3A_172 = vector.broadcast %while3A_76 : i32 to vector<16xi32>
              %add3A_173 = arith.constant 160 : i32
              %add3A_174 = vector.broadcast %add3A_173 : i32 to vector<16xi32>
              %add3A_175 = arith.addi %add3A_174, %iota3A : vector<16xi32>
              %gather3A_176 = tpu.vector_load_idx %arg10[%broadcast_in_dim3A_172, %add3A_175] : memref<32x384xf32, #tpu.memory_space<vmem>>[vector<16xi32>, vector<16xi32>], vector<16xf32>,
              %add3A_177 = arith.constant 160 : i32
              %add3A_178 = vector.broadcast %add3A_177 : i32 to vector<16xi32>
              %add3A_179 = arith.addi %mul3A_81, %add3A_178 : vector<16xi32>
              %add3A_180 = arith.addi %add3A_179, %iota3A : vector<16xi32>
              tpu.vector_store_idx %arg11[%add3A_180], %gather3A_176 {add = true} : memref<89472xf32, #tpu.memory_space<vmem>>[vector<16xi32>], vector<16xf32>,
              %broadcast_in_dim3A_181 = vector.broadcast %while3A_76 : i32 to vector<16xi32>
              %add3A_182 = arith.constant 176 : i32
              %add3A_183 = vector.broadcast %add3A_182 : i32 to vector<16xi32>
              %add3A_184 = arith.addi %add3A_183, %iota3A : vector<16xi32>
              %gather3A_185 = tpu.vector_load_idx %arg10[%broadcast_in_dim3A_181, %add3A_184] : memref<32x384xf32, #tpu.memory_space<vmem>>[vector<16xi32>, vector<16xi32>], vector<16xf32>,
              %add3A_186 = arith.constant 176 : i32
              %add3A_187 = vector.broadcast %add3A_186 : i32 to vector<16xi32>
              %add3A_188 = arith.addi %mul3A_81, %add3A_187 : vector<16xi32>
              %add3A_189 = arith.addi %add3A_188, %iota3A : vector<16xi32>
              tpu.vector_store_idx %arg11[%add3A_189], %gather3A_185 {add = true} : memref<89472xf32, #tpu.memory_space<vmem>>[vector<16xi32>], vector<16xf32>,
              %broadcast_in_dim3A_190 = vector.broadcast %while3A_76 : i32 to vector<16xi32>
              %add3A_191 = arith.constant 192 : i32
              %add3A_192 = vector.broadcast %add3A_191 : i32 to vector<16xi32>
              %add3A_193 = arith.addi %add3A_192, %iota3A : vector<16xi32>
              %gather3A_194 = tpu.vector_load_idx %arg10[%broadcast_in_dim3A_190, %add3A_193] : memref<32x384xf32, #tpu.memory_space<vmem>>[vector<16xi32>, vector<16xi32>], vector<16xf32>,
              %add3A_195 = arith.constant 192 : i32
              %add3A_196 = vector.broadcast %add3A_195 : i32 to vector<16xi32>
              %add3A_197 = arith.addi %mul3A_81, %add3A_196 : vector<16xi32>
              %add3A_198 = arith.addi %add3A_197, %iota3A : vector<16xi32>
              tpu.vector_store_idx %arg11[%add3A_198], %gather3A_194 {add = true} : memref<89472xf32, #tpu.memory_space<vmem>>[vector<16xi32>], vector<16xf32>,
              %broadcast_in_dim3A_199 = vector.broadcast %while3A_76 : i32 to vector<16xi32>
              %add3A_200 = arith.constant 208 : i32
              %add3A_201 = vector.broadcast %add3A_200 : i32 to vector<16xi32>
              %add3A_202 = arith.addi %add3A_201, %iota3A : vector<16xi32>
              %gather3A_203 = tpu.vector_load_idx %arg10[%broadcast_in_dim3A_199, %add3A_202] : memref<32x384xf32, #tpu.memory_space<vmem>>[vector<16xi32>, vector<16xi32>], vector<16xf32>,
              %add3A_204 = arith.constant 208 : i32
              %add3A_205 = vector.broadcast %add3A_204 : i32 to vector<16xi32>
              %add3A_206 = arith.addi %mul3A_81, %add3A_205 : vector<16xi32>
              %add3A_207 = arith.addi %add3A_206, %iota3A : vector<16xi32>
              tpu.vector_store_idx %arg11[%add3A_207], %gather3A_203 {add = true} : memref<89472xf32, #tpu.memory_space<vmem>>[vector<16xi32>], vector<16xf32>,
              %broadcast_in_dim3A_208 = vector.broadcast %while3A_76 : i32 to vector<16xi32>
              %add3A_209 = arith.constant 224 : i32
              %add3A_210 = vector.broadcast %add3A_209 : i32 to vector<16xi32>
              %add3A_211 = arith.addi %add3A_210, %iota3A : vector<16xi32>
              %gather3A_212 = tpu.vector_load_idx %arg10[%broadcast_in_dim3A_208, %add3A_211] : memref<32x384xf32, #tpu.memory_space<vmem>>[vector<16xi32>, vector<16xi32>], vector<16xf32>,
              %add3A_213 = arith.constant 224 : i32
              %add3A_214 = vector.broadcast %add3A_213 : i32 to vector<16xi32>
              %add3A_215 = arith.addi %mul3A_81, %add3A_214 : vector<16xi32>
              %add3A_216 = arith.addi %add3A_215, %iota3A : vector<16xi32>
              tpu.vector_store_idx %arg11[%add3A_216], %gather3A_212 {add = true} : memref<89472xf32, #tpu.memory_space<vmem>>[vector<16xi32>], vector<16xf32>,
              %broadcast_in_dim3A_217 = vector.broadcast %while3A_76 : i32 to vector<16xi32>
              %add3A_218 = arith.constant 240 : i32
              %add3A_219 = vector.broadcast %add3A_218 : i32 to vector<16xi32>
              %add3A_220 = arith.addi %add3A_219, %iota3A : vector<16xi32>
              %gather3A_221 = tpu.vector_load_idx %arg10[%broadcast_in_dim3A_217, %add3A_220] : memref<32x384xf32, #tpu.memory_space<vmem>>[vector<16xi32>, vector<16xi32>], vector<16xf32>,
              %add3A_222 = arith.constant 240 : i32
              %add3A_223 = vector.broadcast %add3A_222 : i32 to vector<16xi32>
              %add3A_224 = arith.addi %mul3A_81, %add3A_223 : vector<16xi32>
              %add3A_225 = arith.addi %add3A_224, %iota3A : vector<16xi32>
              tpu.vector_store_idx %arg11[%add3A_225], %gather3A_221 {add = true} : memref<89472xf32, #tpu.memory_space<vmem>>[vector<16xi32>], vector<16xf32>,
              %broadcast_in_dim3A_226 = vector.broadcast %while3A_76 : i32 to vector<16xi32>
              %add3A_227 = arith.constant 256 : i32
              %add3A_228 = vector.broadcast %add3A_227 : i32 to vector<16xi32>
              %add3A_229 = arith.addi %add3A_228, %iota3A : vector<16xi32>
              %gather3A_230 = tpu.vector_load_idx %arg10[%broadcast_in_dim3A_226, %add3A_229] : memref<32x384xf32, #tpu.memory_space<vmem>>[vector<16xi32>, vector<16xi32>], vector<16xf32>,
              %add3A_231 = arith.constant 256 : i32
              %add3A_232 = vector.broadcast %add3A_231 : i32 to vector<16xi32>
              %add3A_233 = arith.addi %mul3A_81, %add3A_232 : vector<16xi32>
              %add3A_234 = arith.addi %add3A_233, %iota3A : vector<16xi32>
              tpu.vector_store_idx %arg11[%add3A_234], %gather3A_230 {add = true} : memref<89472xf32, #tpu.memory_space<vmem>>[vector<16xi32>], vector<16xf32>,
              %broadcast_in_dim3A_235 = vector.broadcast %while3A_76 : i32 to vector<16xi32>
              %add3A_236 = arith.constant 272 : i32
              %add3A_237 = vector.broadcast %add3A_236 : i32 to vector<16xi32>
              %add3A_238 = arith.addi %add3A_237, %iota3A : vector<16xi32>
              %gather3A_239 = tpu.vector_load_idx %arg10[%broadcast_in_dim3A_235, %add3A_238] : memref<32x384xf32, #tpu.memory_space<vmem>>[vector<16xi32>, vector<16xi32>], vector<16xf32>,
              %add3A_240 = arith.constant 272 : i32
              %add3A_241 = vector.broadcast %add3A_240 : i32 to vector<16xi32>
              %add3A_242 = arith.addi %mul3A_81, %add3A_241 : vector<16xi32>
              %add3A_243 = arith.addi %add3A_242, %iota3A : vector<16xi32>
              tpu.vector_store_idx %arg11[%add3A_243], %gather3A_239 {add = true} : memref<89472xf32, #tpu.memory_space<vmem>>[vector<16xi32>], vector<16xf32>,
              %broadcast_in_dim3A_244 = vector.broadcast %while3A_76 : i32 to vector<16xi32>
              %add3A_245 = arith.constant 288 : i32
              %add3A_246 = vector.broadcast %add3A_245 : i32 to vector<16xi32>
              %add3A_247 = arith.addi %add3A_246, %iota3A : vector<16xi32>
              %gather3A_248 = tpu.vector_load_idx %arg10[%broadcast_in_dim3A_244, %add3A_247] : memref<32x384xf32, #tpu.memory_space<vmem>>[vector<16xi32>, vector<16xi32>], vector<16xf32>,
              %add3A_249 = arith.constant 288 : i32
              %add3A_250 = vector.broadcast %add3A_249 : i32 to vector<16xi32>
              %add3A_251 = arith.addi %mul3A_81, %add3A_250 : vector<16xi32>
              %add3A_252 = arith.addi %add3A_251, %iota3A : vector<16xi32>
              tpu.vector_store_idx %arg11[%add3A_252], %gather3A_248 {add = true} : memref<89472xf32, #tpu.memory_space<vmem>>[vector<16xi32>], vector<16xf32>,
              %broadcast_in_dim3A_253 = vector.broadcast %while3A_76 : i32 to vector<16xi32>
              %add3A_254 = arith.constant 304 : i32
              %add3A_255 = vector.broadcast %add3A_254 : i32 to vector<16xi32>
              %add3A_256 = arith.addi %add3A_255, %iota3A : vector<16xi32>
              %gather3A_257 = tpu.vector_load_idx %arg10[%broadcast_in_dim3A_253, %add3A_256] : memref<32x384xf32, #tpu.memory_space<vmem>>[vector<16xi32>, vector<16xi32>], vector<16xf32>,
              %add3A_258 = arith.constant 304 : i32
              %add3A_259 = vector.broadcast %add3A_258 : i32 to vector<16xi32>
              %add3A_260 = arith.addi %mul3A_81, %add3A_259 : vector<16xi32>
              %add3A_261 = arith.addi %add3A_260, %iota3A : vector<16xi32>
              tpu.vector_store_idx %arg11[%add3A_261], %gather3A_257 {add = true} : memref<89472xf32, #tpu.memory_space<vmem>>[vector<16xi32>], vector<16xf32>,
              %broadcast_in_dim3A_262 = vector.broadcast %while3A_76 : i32 to vector<16xi32>
              %add3A_263 = arith.constant 320 : i32
              %add3A_264 = vector.broadcast %add3A_263 : i32 to vector<16xi32>
              %add3A_265 = arith.addi %add3A_264, %iota3A : vector<16xi32>
              %gather3A_266 = tpu.vector_load_idx %arg10[%broadcast_in_dim3A_262, %add3A_265] : memref<32x384xf32, #tpu.memory_space<vmem>>[vector<16xi32>, vector<16xi32>], vector<16xf32>,
              %add3A_267 = arith.constant 320 : i32
              %add3A_268 = vector.broadcast %add3A_267 : i32 to vector<16xi32>
              %add3A_269 = arith.addi %mul3A_81, %add3A_268 : vector<16xi32>
              %add3A_270 = arith.addi %add3A_269, %iota3A : vector<16xi32>
              tpu.vector_store_idx %arg11[%add3A_270], %gather3A_266 {add = true} : memref<89472xf32, #tpu.memory_space<vmem>>[vector<16xi32>], vector<16xf32>,
              %broadcast_in_dim3A_271 = vector.broadcast %while3A_76 : i32 to vector<16xi32>
              %add3A_272 = arith.constant 336 : i32
              %add3A_273 = vector.broadcast %add3A_272 : i32 to vector<16xi32>
              %add3A_274 = arith.addi %add3A_273, %iota3A : vector<16xi32>
              %gather3A_275 = tpu.vector_load_idx %arg10[%broadcast_in_dim3A_271, %add3A_274] : memref<32x384xf32, #tpu.memory_space<vmem>>[vector<16xi32>, vector<16xi32>], vector<16xf32>,
              %add3A_276 = arith.constant 336 : i32
              %add3A_277 = vector.broadcast %add3A_276 : i32 to vector<16xi32>
              %add3A_278 = arith.addi %mul3A_81, %add3A_277 : vector<16xi32>
              %add3A_279 = arith.addi %add3A_278, %iota3A : vector<16xi32>
              tpu.vector_store_idx %arg11[%add3A_279], %gather3A_275 {add = true} : memref<89472xf32, #tpu.memory_space<vmem>>[vector<16xi32>], vector<16xf32>,
              %broadcast_in_dim3A_280 = vector.broadcast %while3A_76 : i32 to vector<16xi32>
              %add3A_281 = arith.constant 352 : i32
              %add3A_282 = vector.broadcast %add3A_281 : i32 to vector<16xi32>
              %add3A_283 = arith.addi %add3A_282, %iota3A : vector<16xi32>
              %gather3A_284 = tpu.vector_load_idx %arg10[%broadcast_in_dim3A_280, %add3A_283] : memref<32x384xf32, #tpu.memory_space<vmem>>[vector<16xi32>, vector<16xi32>], vector<16xf32>,
              %add3A_285 = arith.constant 352 : i32
              %add3A_286 = vector.broadcast %add3A_285 : i32 to vector<16xi32>
              %add3A_287 = arith.addi %mul3A_81, %add3A_286 : vector<16xi32>
              %add3A_288 = arith.addi %add3A_287, %iota3A : vector<16xi32>
              tpu.vector_store_idx %arg11[%add3A_288], %gather3A_284 {add = true} : memref<89472xf32, #tpu.memory_space<vmem>>[vector<16xi32>], vector<16xf32>,
              %broadcast_in_dim3A_289 = vector.broadcast %while3A_76 : i32 to vector<16xi32>
              %add3A_290 = arith.constant 368 : i32
              %add3A_291 = vector.broadcast %add3A_290 : i32 to vector<16xi32>
              %add3A_292 = arith.addi %add3A_291, %iota3A : vector<16xi32>
              %gather3A_293 = tpu.vector_load_idx %arg10[%broadcast_in_dim3A_289, %add3A_292] : memref<32x384xf32, #tpu.memory_space<vmem>>[vector<16xi32>, vector<16xi32>], vector<16xf32>,
              %add3A_294 = arith.constant 368 : i32
              %add3A_295 = vector.broadcast %add3A_294 : i32 to vector<16xi32>
              %add3A_296 = arith.addi %mul3A_81, %add3A_295 : vector<16xi32>
              %add3A_297 = arith.addi %add3A_296, %iota3A : vector<16xi32>
              tpu.vector_store_idx %arg11[%add3A_297], %gather3A_293 {add = true} : memref<89472xf32, #tpu.memory_space<vmem>>[vector<16xi32>], vector<16xf32>,
            }
          } else {
          }
        }
        %scan3A_53 = arith.constant 100 : i32
      }
      %scan3A_23 = arith.constant 256 : i32
      %mul3A_24 = arith.constant 384 : i32
      %mul3A_25 = arith.muli %add3A_11, %mul3A_24 : i32
      "tpu.region"() ({
        %run_scoped3A = tpu.sem_alloc : memref<!tpu.dma_semaphore, #tpu.memory_space<semaphore_mem>>
        %dma_start3A = arith.constant 0 : i32
        %dma_start3A_26 = tpu.memref_slice %arg11[%dma_start3A] : memref<89472xf32, #tpu.memory_space<vmem>> -> memref<89088xf32, #tpu.memory_space<vmem>>
        %dma_start3A_27 = tpu.memref_slice %arg5[%mul3A_25] : memref<19955712xf32, #tpu.memory_space<hbm>> -> memref<89088xf32, #tpu.memory_space<hbm>>
        %dma_start3A_28 = tpu.memref_slice %arg5[%mul3A_25] : memref<19955712xf32, #tpu.memory_space<hbm>> -> memref<89088xf32, #tpu.memory_space<hbm>>
        %dma_start3A_29 = arith.constant 0 : i32
        %dma_start3A_30 = tpu.memref_slice %arg11[%dma_start3A_29] : memref<89472xf32, #tpu.memory_space<vmem>> -> memref<89088xf32, #tpu.memory_space<vmem>>
        tpu.enqueue_dma source(%dma_start3A_30 : memref<89088xf32, #tpu.memory_space<vmem>>) target(%dma_start3A_28 : memref<89088xf32, #tpu.memory_space<hbm>>) target_semaphore(%run_scoped3A : memref<!tpu.dma_semaphore, #tpu.memory_space<semaphore_mem>>)
        %dma_wait3A = arith.constant 0 : i32
        %dma_wait3A_31 = tpu.memref_slice %arg11[%dma_wait3A] : memref<89472xf32, #tpu.memory_space<vmem>> -> memref<89088xf32, #tpu.memory_space<vmem>>
        %dma_wait3A_32 = tpu.memref_slice %arg5[%mul3A_25] : memref<19955712xf32, #tpu.memory_space<hbm>> -> memref<89088xf32, #tpu.memory_space<hbm>>
        %dma_wait3A_33 = tpu.memref_slice %arg5[%mul3A_25] : memref<19955712xf32, #tpu.memory_space<hbm>> -> memref<89088xf32, #tpu.memory_space<hbm>>
        %dma_wait3A_34 = arith.constant 0 : i32
        %dma_wait3A_35 = tpu.memref_slice %arg11[%dma_wait3A_34] : memref<89472xf32, #tpu.memory_space<vmem>> -> memref<89088xf32, #tpu.memory_space<vmem>>
        tpu.wait_dma2 semaphore(%run_scoped3A : memref<!tpu.dma_semaphore, #tpu.memory_space<semaphore_mem>>) src(%dma_wait3A_35 : memref<89088xf32, #tpu.memory_space<vmem>>) dst(%dma_wait3A_33 : memref<89088xf32, #tpu.memory_space<hbm>>)
        tpu.yield
      }) : () -> ()
    }
    %scan3A_5 = arith.constant 7 : i32
    return
  }
}

#map = affine_map<(d0, d1) -> (0)>
#map1 = affine_map<(d0, d1) -> (0, 0)>
module attributes {stable_mosaic.version = 14 : i64} {
  func.func @_agg1_kernel(%arg0: i32, %arg1: i32, %arg2: memref<819200xi32, #tpu.memory_space<hbm>>, %arg3: memref<819200xi32, #tpu.memory_space<hbm>>, %arg4: memref<50000x256xf32, #tpu.memory_space<hbm>>, %arg5: memref<835584xf32, #tpu.memory_space<hbm>>, %arg6: memref<3200xi32, #tpu.memory_space<vmem>>, %arg7: memref<3200xi32, #tpu.memory_space<vmem>>, %arg8: memref<3344xi32, #tpu.memory_space<vmem>>, %arg9: memref<3344xi32, #tpu.memory_space<vmem>>, %arg10: memref<128x256xf32, #tpu.memory_space<vmem>>, %arg11: memref<26256xf32, #tpu.memory_space<vmem>>, %arg12: memref<!tpu.dma_semaphore, #tpu.memory_space<semaphore_mem>>) attributes {dimension_semantics = [#tpu.dimension_semantics<core_parallel>, #tpu.dimension_semantics<subcore_parallel>], iteration_bounds = array<i64: 2, 16>, scalar_prefetch = 0 : i64, scratch_operands = 7 : i64, tpu.core_type = #tpu.core_type<sc_vector_subcore>, window_params = [{transform_indices = #map}, {transform_indices = #map}, {transform_indices = #map1}, {transform_indices = #map}]} {
    %mul3A = arith.constant 16 : i32
    %mul3A_0 = arith.muli %arg0, %mul3A : i32
    %add3A = arith.addi %mul3A_0, %arg1 : i32
    %mul3A_1 = arith.constant 1632 : i32
    %mul3A_2 = arith.muli %add3A, %mul3A_1 : i32
    %scan3A = arith.constant 0 : i32
    %scan3A_3 = arith.constant 0 : i32
    %scan3A_4 = arith.constant 1633 : i32
    %scan3A_5 = arith.addi %scan3A_3, %scan3A_4 : i32
    %scan3A_6 = arith.constant 1 : i32
    scf.for %scan3A_16 = %scan3A_3 to %scan3A_5 step %scan3A_6  : i32 {
      %broadcast_in_dim3A = arith.constant 0.000000e+00 : f32
      %broadcast_in_dim3A_17 = vector.broadcast %broadcast_in_dim3A : f32 to vector<16xf32>
      %mul3A_18 = arith.constant 16 : i32
      %mul3A_19 = arith.muli %scan3A_16, %mul3A_18 : i32
      %swap3A = arith.index_cast %mul3A_19 : i32 to index
      %swap3A_20 = tpu.vector_load %arg11[%swap3A] {strides = array<i32>} : memref<26256xf32, #tpu.memory_space<vmem>>, vector<16xf32>,
      tpu.vector_store %arg11[%swap3A], %broadcast_in_dim3A_17 {strides = array<i32>} : memref<26256xf32, #tpu.memory_space<vmem>>, vector<16xf32>,
    }
    %scan3A_7 = arith.constant 1633 : i32
    %iota3A = tpu.iota {dimensions = array<i32: 0>} : vector<16xi32>
    %scan3A_8 = arith.constant 0 : i32
    %scan3A_9 = arith.constant 0 : i32
    %scan3A_10 = arith.constant 256 : i32
    %scan3A_11 = arith.addi %scan3A_9, %scan3A_10 : i32
    %scan3A_12 = arith.constant 1 : i32
    scf.for %scan3A_16 = %scan3A_9 to %scan3A_11 step %scan3A_12  : i32 {
      %mul3A_17 = arith.constant 3200 : i32
      %mul3A_18 = arith.muli %scan3A_16, %mul3A_17 : i32
      "tpu.region"() ({
        %run_scoped3A = tpu.sem_alloc : memref<!tpu.dma_semaphore, #tpu.memory_space<semaphore_mem>>
        %dma_start3A = tpu.memref_slice %arg2[%mul3A_18] : memref<819200xi32, #tpu.memory_space<hbm>> -> memref<3200xi32, #tpu.memory_space<hbm>>
        %dma_start3A_80 = tpu.memref_slice %arg2[%mul3A_18] : memref<819200xi32, #tpu.memory_space<hbm>> -> memref<3200xi32, #tpu.memory_space<hbm>>
        tpu.enqueue_dma source(%dma_start3A_80 : memref<3200xi32, #tpu.memory_space<hbm>>) target(%arg6 : memref<3200xi32, #tpu.memory_space<vmem>>) target_semaphore(%run_scoped3A : memref<!tpu.dma_semaphore, #tpu.memory_space<semaphore_mem>>)
        %dma_wait3A = tpu.memref_slice %arg2[%mul3A_18] : memref<819200xi32, #tpu.memory_space<hbm>> -> memref<3200xi32, #tpu.memory_space<hbm>>
        %dma_wait3A_81 = tpu.memref_slice %arg2[%mul3A_18] : memref<819200xi32, #tpu.memory_space<hbm>> -> memref<3200xi32, #tpu.memory_space<hbm>>
        tpu.wait_dma2 semaphore(%run_scoped3A : memref<!tpu.dma_semaphore, #tpu.memory_space<semaphore_mem>>) src(%dma_wait3A_81 : memref<3200xi32, #tpu.memory_space<hbm>>) dst(%arg6 : memref<3200xi32, #tpu.memory_space<vmem>>)
        tpu.yield
      }) : () -> ()
      %mul3A_19 = arith.constant 3200 : i32
      %mul3A_20 = arith.muli %scan3A_16, %mul3A_19 : i32
      "tpu.region"() ({
        %run_scoped3A = tpu.sem_alloc : memref<!tpu.dma_semaphore, #tpu.memory_space<semaphore_mem>>
        %dma_start3A = tpu.memref_slice %arg3[%mul3A_20] : memref<819200xi32, #tpu.memory_space<hbm>> -> memref<3200xi32, #tpu.memory_space<hbm>>
        %dma_start3A_80 = tpu.memref_slice %arg3[%mul3A_20] : memref<819200xi32, #tpu.memory_space<hbm>> -> memref<3200xi32, #tpu.memory_space<hbm>>
        tpu.enqueue_dma source(%dma_start3A_80 : memref<3200xi32, #tpu.memory_space<hbm>>) target(%arg7 : memref<3200xi32, #tpu.memory_space<vmem>>) target_semaphore(%run_scoped3A : memref<!tpu.dma_semaphore, #tpu.memory_space<semaphore_mem>>)
        %dma_wait3A = tpu.memref_slice %arg3[%mul3A_20] : memref<819200xi32, #tpu.memory_space<hbm>> -> memref<3200xi32, #tpu.memory_space<hbm>>
        %dma_wait3A_81 = tpu.memref_slice %arg3[%mul3A_20] : memref<819200xi32, #tpu.memory_space<hbm>> -> memref<3200xi32, #tpu.memory_space<hbm>>
        tpu.wait_dma2 semaphore(%run_scoped3A : memref<!tpu.dma_semaphore, #tpu.memory_space<semaphore_mem>>) src(%dma_wait3A_81 : memref<3200xi32, #tpu.memory_space<hbm>>) dst(%arg7 : memref<3200xi32, #tpu.memory_space<vmem>>)
        tpu.yield
      }) : () -> ()
      %scan3A_21 = arith.constant 0 : i32
      %scan3A_22 = arith.constant 0 : i32
      %scan3A_23 = arith.constant 200 : i32
      %scan3A_24 = arith.addi %scan3A_22, %scan3A_23 : i32
      %scan3A_25 = arith.constant 1 : i32
      %scan3A_26 = scf.for %scan3A_80 = %scan3A_22 to %scan3A_24 step %scan3A_25 iter_args(%scan3A_81 = %scan3A_21) -> (i32)  : i32 {
        %mul3A_82 = arith.constant 16 : i32
        %mul3A_83 = arith.muli %scan3A_80, %mul3A_82 : i32
        %get3A = arith.index_cast %mul3A_83 : i32 to index
        %get3A_84 = tpu.vector_load %arg7[%get3A] {strides = array<i32>} : memref<3200xi32, #tpu.memory_space<vmem>>, vector<16xi32>,
        %sub3A = vector.broadcast %mul3A_2 : i32 to vector<16xi32>
        %sub3A_85 = arith.subi %get3A_84, %sub3A : vector<16xi32>
        %ge3A = arith.constant 0 : i32
        %ge3A_86 = vector.broadcast %ge3A : i32 to vector<16xi32>
        %ge3A_87 = arith.cmpi sge, %sub3A_85, %ge3A_86 : vector<16xi32>
        %lt3A = arith.constant 1632 : i32
        %lt3A_88 = vector.broadcast %lt3A : i32 to vector<16xi32>
        %lt3A_89 = arith.cmpi slt, %sub3A_85, %lt3A_88 : vector<16xi32>
        %and3A = arith.andi %ge3A_87, %lt3A_89 : vector<16xi1>
        %convert_element_type3A = arith.extui %and3A : vector<16xi1> to vector<16xi32>
        %broadcast_in_dim3A_90 = arith.constant true
        %broadcast_in_dim3A_91 = vector.broadcast %broadcast_in_dim3A_90 : i1 to vector<16xi1>
        %masked_cumsum3A = tpu.scan <sum>, %convert_element_type3A masked %broadcast_in_dim3A_91 : vector<16xi32>, vector<16xi1> -> vector<16xi32>
        %sub3A_92 = arith.constant 1 : i32
        %sub3A_93 = arith.subi %scan3A_81, %sub3A_92 : i32
        %add3A_94 = vector.broadcast %sub3A_93 : i32 to vector<16xi32>
        %add3A_95 = arith.addi %add3A_94, %masked_cumsum3A : vector<16xi32>
        %jit3A = arith.constant 3336 : i32
        %broadcast_in_dim3A_96 = vector.broadcast %jit3A : i32 to vector<16xi32>
        %select_n3A = arith.select %and3A, %add3A_95, %broadcast_in_dim3A_96 : vector<16xi1>, vector<16xi32>
        %mul3A_97 = arith.constant 16 : i32
        %mul3A_98 = arith.muli %scan3A_80, %mul3A_97 : i32
        %get3A_99 = arith.index_cast %mul3A_98 : i32 to index
        %get3A_100 = tpu.vector_load %arg6[%get3A_99] {strides = array<i32>} : memref<3200xi32, #tpu.memory_space<vmem>>, vector<16xi32>,
        tpu.vector_store_idx %arg8[%select_n3A], %get3A_100 : memref<3344xi32, #tpu.memory_space<vmem>>[vector<16xi32>], vector<16xi32>,
        tpu.vector_store_idx %arg9[%select_n3A], %sub3A_85 : memref<3344xi32, #tpu.memory_space<vmem>>[vector<16xi32>], vector<16xi32>,
        %reduce_sum3A = arith.constant true
        %reduce_sum3A_101 = vector.broadcast %reduce_sum3A : i1 to vector<16xi1>
        %reduce_sum3A_102 = tpu.scan <sum>, %convert_element_type3A masked %reduce_sum3A_101 : vector<16xi32>, vector<16xi1> -> vector<16xi32>
        %reduce_sum3A_103 = vector.extract %reduce_sum3A_102[15] : i32 from vector<16xi32>
        %add3A_104 = arith.addi %scan3A_81, %reduce_sum3A_103 : i32
        scf.yield %add3A_104 : i32
      }
      %scan3A_27 = arith.constant 200 : i32
      %broadcast_in_dim3A = arith.constant 0 : i32
      %broadcast_in_dim3A_28 = vector.broadcast %broadcast_in_dim3A : i32 to vector<16xi32>
      %add3A_29 = arith.constant 0 : i32
      %add3A_30 = arith.addi %scan3A_26, %add3A_29 : i32
      %swap3A = arith.index_cast %add3A_30 : i32 to index
      %swap3A_31 = tpu.vector_load %arg8[%swap3A] {strides = array<i32>} : memref<3344xi32, #tpu.memory_space<vmem>>, vector<16xi32>,
      tpu.vector_store %arg8[%swap3A], %broadcast_in_dim3A_28 {strides = array<i32>} : memref<3344xi32, #tpu.memory_space<vmem>>, vector<16xi32>,
      %broadcast_in_dim3A_32 = arith.constant 0 : i32
      %broadcast_in_dim3A_33 = vector.broadcast %broadcast_in_dim3A_32 : i32 to vector<16xi32>
      %add3A_34 = arith.constant 16 : i32
      %add3A_35 = arith.addi %scan3A_26, %add3A_34 : i32
      %swap3A_36 = arith.index_cast %add3A_35 : i32 to index
      %swap3A_37 = tpu.vector_load %arg8[%swap3A_36] {strides = array<i32>} : memref<3344xi32, #tpu.memory_space<vmem>>, vector<16xi32>,
      tpu.vector_store %arg8[%swap3A_36], %broadcast_in_dim3A_33 {strides = array<i32>} : memref<3344xi32, #tpu.memory_space<vmem>>, vector<16xi32>,
      %broadcast_in_dim3A_38 = arith.constant 0 : i32
      %broadcast_in_dim3A_39 = vector.broadcast %broadcast_in_dim3A_38 : i32 to vector<16xi32>
      %add3A_40 = arith.constant 32 : i32
      %add3A_41 = arith.addi %scan3A_26, %add3A_40 : i32
      %swap3A_42 = arith.index_cast %add3A_41 : i32 to index
      %swap3A_43 = tpu.vector_load %arg8[%swap3A_42] {strides = array<i32>} : memref<3344xi32, #tpu.memory_space<vmem>>, vector<16xi32>,
      tpu.vector_store %arg8[%swap3A_42], %broadcast_in_dim3A_39 {strides = array<i32>} : memref<3344xi32, #tpu.memory_space<vmem>>, vector<16xi32>,
      %broadcast_in_dim3A_44 = arith.constant 0 : i32
      %broadcast_in_dim3A_45 = vector.broadcast %broadcast_in_dim3A_44 : i32 to vector<16xi32>
      %add3A_46 = arith.constant 48 : i32
      %add3A_47 = arith.addi %scan3A_26, %add3A_46 : i32
      %swap3A_48 = arith.index_cast %add3A_47 : i32 to index
      %swap3A_49 = tpu.vector_load %arg8[%swap3A_48] {strides = array<i32>} : memref<3344xi32, #tpu.memory_space<vmem>>, vector<16xi32>,
      tpu.vector_store %arg8[%swap3A_48], %broadcast_in_dim3A_45 {strides = array<i32>} : memref<3344xi32, #tpu.memory_space<vmem>>, vector<16xi32>,
      %broadcast_in_dim3A_50 = arith.constant 0 : i32
      %broadcast_in_dim3A_51 = vector.broadcast %broadcast_in_dim3A_50 : i32 to vector<16xi32>
      %add3A_52 = arith.constant 64 : i32
      %add3A_53 = arith.addi %scan3A_26, %add3A_52 : i32
      %swap3A_54 = arith.index_cast %add3A_53 : i32 to index
      %swap3A_55 = tpu.vector_load %arg8[%swap3A_54] {strides = array<i32>} : memref<3344xi32, #tpu.memory_space<vmem>>, vector<16xi32>,
      tpu.vector_store %arg8[%swap3A_54], %broadcast_in_dim3A_51 {strides = array<i32>} : memref<3344xi32, #tpu.memory_space<vmem>>, vector<16xi32>,
      %broadcast_in_dim3A_56 = arith.constant 0 : i32
      %broadcast_in_dim3A_57 = vector.broadcast %broadcast_in_dim3A_56 : i32 to vector<16xi32>
      %add3A_58 = arith.constant 80 : i32
      %add3A_59 = arith.addi %scan3A_26, %add3A_58 : i32
      %swap3A_60 = arith.index_cast %add3A_59 : i32 to index
      %swap3A_61 = tpu.vector_load %arg8[%swap3A_60] {strides = array<i32>} : memref<3344xi32, #tpu.memory_space<vmem>>, vector<16xi32>,
      tpu.vector_store %arg8[%swap3A_60], %broadcast_in_dim3A_57 {strides = array<i32>} : memref<3344xi32, #tpu.memory_space<vmem>>, vector<16xi32>,
      %broadcast_in_dim3A_62 = arith.constant 0 : i32
      %broadcast_in_dim3A_63 = vector.broadcast %broadcast_in_dim3A_62 : i32 to vector<16xi32>
      %add3A_64 = arith.constant 96 : i32
      %add3A_65 = arith.addi %scan3A_26, %add3A_64 : i32
      %swap3A_66 = arith.index_cast %add3A_65 : i32 to index
      %swap3A_67 = tpu.vector_load %arg8[%swap3A_66] {strides = array<i32>} : memref<3344xi32, #tpu.memory_space<vmem>>, vector<16xi32>,
      tpu.vector_store %arg8[%swap3A_66], %broadcast_in_dim3A_63 {strides = array<i32>} : memref<3344xi32, #tpu.memory_space<vmem>>, vector<16xi32>,
      %broadcast_in_dim3A_68 = arith.constant 0 : i32
      %broadcast_in_dim3A_69 = vector.broadcast %broadcast_in_dim3A_68 : i32 to vector<16xi32>
      %add3A_70 = arith.constant 112 : i32
      %add3A_71 = arith.addi %scan3A_26, %add3A_70 : i32
      %swap3A_72 = arith.index_cast %add3A_71 : i32 to index
      %swap3A_73 = tpu.vector_load %arg8[%swap3A_72] {strides = array<i32>} : memref<3344xi32, #tpu.memory_space<vmem>>, vector<16xi32>,
      tpu.vector_store %arg8[%swap3A_72], %broadcast_in_dim3A_69 {strides = array<i32>} : memref<3344xi32, #tpu.memory_space<vmem>>, vector<16xi32>,
      %scan3A_74 = arith.constant 0 : i32
      %scan3A_75 = arith.constant 0 : i32
      %scan3A_76 = arith.constant 25 : i32
      %scan3A_77 = arith.addi %scan3A_75, %scan3A_76 : i32
      %scan3A_78 = arith.constant 1 : i32
      scf.for %scan3A_80 = %scan3A_75 to %scan3A_77 step %scan3A_78  : i32 {
        %mul3A_81 = arith.constant 128 : i32
        %mul3A_82 = arith.muli %scan3A_80, %mul3A_81 : i32
        %lt3A = arith.cmpi slt, %mul3A_82, %scan3A_26 : i32
        %convert_element_type3A = arith.extui %lt3A : i1 to i32
        %cond3A = arith.constant 0 : i32
        %cond3A_83 = arith.cmpi ne, %convert_element_type3A, %cond3A : i32
        scf.if %cond3A_83 {
          %mul3A_84 = arith.constant 128 : i32
          %mul3A_85 = arith.muli %scan3A_80, %mul3A_84 : i32
          %dma_start3A = tpu.memref_slice %arg8[%mul3A_85] : memref<3344xi32, #tpu.memory_space<vmem>> -> memref<128xi32, #tpu.memory_space<vmem>>
          %dma_start3A_86 = arith.constant 0 : i32
          %dma_start3A_87 = arith.constant 0 : i32
          %dma_start3A_88 = tpu.memref_slice %arg4[%dma_start3A_86, %dma_start3A_87] : memref<50000x256xf32, #tpu.memory_space<hbm>> -> memref<50000x256xf32, #tpu.memory_space<hbm>>
          tpu.enqueue_indirect_dma source(%dma_start3A_88 : memref<50000x256xf32, #tpu.memory_space<hbm>>) target(%arg10 : memref<128x256xf32, #tpu.memory_space<vmem>>) offsets(%dma_start3A : memref<128xi32, #tpu.memory_space<vmem>>) semaphore(%arg12 : memref<!tpu.dma_semaphore, #tpu.memory_space<semaphore_mem>>)
          %dma_wait3A = tpu.memref_slice %arg8[%mul3A_85] : memref<3344xi32, #tpu.memory_space<vmem>> -> memref<128xi32, #tpu.memory_space<vmem>>
          %dma_wait3A_89 = arith.constant 0 : i32
          %dma_wait3A_90 = arith.constant 0 : i32
          %dma_wait3A_91 = tpu.memref_slice %arg4[%dma_wait3A_89, %dma_wait3A_90] : memref<50000x256xf32, #tpu.memory_space<hbm>> -> memref<50000x256xf32, #tpu.memory_space<hbm>>
          tpu.wait_indirect_dma semaphore(%arg12 : memref<!tpu.dma_semaphore, #tpu.memory_space<semaphore_mem>>) src(%dma_wait3A_91 : memref<50000x256xf32, #tpu.memory_space<hbm>>) dst(%arg10 : memref<128x256xf32, #tpu.memory_space<vmem>>)
          %sub3A = arith.subi %scan3A_26, %mul3A_82 : i32
          %min3A = arith.constant 128 : i32
          %min3A_92 = arith.minsi %sub3A, %min3A : i32
          %while3A = arith.constant 0 : i32
          %while3A_93 = arith.constant 0 : i32
          %while3A_94 = arith.subi %min3A_92, %while3A_93 : i32
          %while3A_95 = arith.addi %while3A_93, %while3A_94 : i32
          %while3A_96 = arith.constant 1 : i32
          %while3A_97 = arith.divsi %while3A_94, %while3A_96 : i32
          %while3A_98 = arith.muli %while3A_97, %while3A_96 : i32
          %while3A_99 = arith.addi %while3A_93, %while3A_98 : i32
          %while3A_100 = arith.constant 1 : i32
          scf.for %while3A_102 = %while3A_93 to %while3A_99 step %while3A_100  : i32 {
            %add3A_103 = arith.addi %mul3A_82, %while3A_102 : i32
            %broadcast_in_dim3A_104 = vector.broadcast %add3A_103 : i32 to vector<16xi32>
            %gather3A = tpu.vector_load_idx %arg9[%broadcast_in_dim3A_104] : memref<3344xi32, #tpu.memory_space<vmem>>[vector<16xi32>], vector<16xi32>,
            %broadcast_in_dim3A_105 = vector.broadcast %while3A_102 : i32 to vector<16xi32>
            %gather3A_106 = tpu.vector_load_idx %arg10[%broadcast_in_dim3A_105, %iota3A] : memref<128x256xf32, #tpu.memory_space<vmem>>[vector<16xi32>, vector<16xi32>], vector<16xf32>,
            %mul3A_107 = arith.constant 16 : i32
            %mul3A_108 = vector.broadcast %mul3A_107 : i32 to vector<16xi32>
            %mul3A_109 = arith.muli %gather3A, %mul3A_108 : vector<16xi32>
            %add3A_110 = arith.addi %mul3A_109, %iota3A : vector<16xi32>
            tpu.vector_store_idx %arg11[%add3A_110], %gather3A_106 {add = true} : memref<26256xf32, #tpu.memory_space<vmem>>[vector<16xi32>], vector<16xf32>,
          }
          %while3A_101 = arith.constant 1 : i32
          scf.for %while3A_102 = %while3A_99 to %while3A_95 step %while3A_101  : i32 {
            %add3A_103 = arith.addi %mul3A_82, %while3A_102 : i32
            %broadcast_in_dim3A_104 = vector.broadcast %add3A_103 : i32 to vector<16xi32>
            %gather3A = tpu.vector_load_idx %arg9[%broadcast_in_dim3A_104] : memref<3344xi32, #tpu.memory_space<vmem>>[vector<16xi32>], vector<16xi32>,
            %broadcast_in_dim3A_105 = vector.broadcast %while3A_102 : i32 to vector<16xi32>
            %gather3A_106 = tpu.vector_load_idx %arg10[%broadcast_in_dim3A_105, %iota3A] : memref<128x256xf32, #tpu.memory_space<vmem>>[vector<16xi32>, vector<16xi32>], vector<16xf32>,
            %mul3A_107 = arith.constant 16 : i32
            %mul3A_108 = vector.broadcast %mul3A_107 : i32 to vector<16xi32>
            %mul3A_109 = arith.muli %gather3A, %mul3A_108 : vector<16xi32>
            %add3A_110 = arith.addi %mul3A_109, %iota3A : vector<16xi32>
            tpu.vector_store_idx %arg11[%add3A_110], %gather3A_106 {add = true} : memref<26256xf32, #tpu.memory_space<vmem>>[vector<16xi32>], vector<16xf32>,
          }
        } else {
        }
      }
      %scan3A_79 = arith.constant 25 : i32
    }
    %scan3A_13 = arith.constant 256 : i32
    %mul3A_14 = arith.constant 16 : i32
    %mul3A_15 = arith.muli %mul3A_2, %mul3A_14 : i32
    "tpu.region"() ({
      %run_scoped3A = tpu.sem_alloc : memref<!tpu.dma_semaphore, #tpu.memory_space<semaphore_mem>>
      %dma_start3A = arith.constant 0 : i32
      %dma_start3A_16 = tpu.memref_slice %arg11[%dma_start3A] : memref<26256xf32, #tpu.memory_space<vmem>> -> memref<26112xf32, #tpu.memory_space<vmem>>
      %dma_start3A_17 = tpu.memref_slice %arg5[%mul3A_15] : memref<835584xf32, #tpu.memory_space<hbm>> -> memref<26112xf32, #tpu.memory_space<hbm>>
      %dma_start3A_18 = tpu.memref_slice %arg5[%mul3A_15] : memref<835584xf32, #tpu.memory_space<hbm>> -> memref<26112xf32, #tpu.memory_space<hbm>>
      %dma_start3A_19 = arith.constant 0 : i32
      %dma_start3A_20 = tpu.memref_slice %arg11[%dma_start3A_19] : memref<26256xf32, #tpu.memory_space<vmem>> -> memref<26112xf32, #tpu.memory_space<vmem>>
      tpu.enqueue_dma source(%dma_start3A_20 : memref<26112xf32, #tpu.memory_space<vmem>>) target(%dma_start3A_18 : memref<26112xf32, #tpu.memory_space<hbm>>) target_semaphore(%run_scoped3A : memref<!tpu.dma_semaphore, #tpu.memory_space<semaphore_mem>>)
      %dma_wait3A = arith.constant 0 : i32
      %dma_wait3A_21 = tpu.memref_slice %arg11[%dma_wait3A] : memref<26256xf32, #tpu.memory_space<vmem>> -> memref<26112xf32, #tpu.memory_space<vmem>>
      %dma_wait3A_22 = tpu.memref_slice %arg5[%mul3A_15] : memref<835584xf32, #tpu.memory_space<hbm>> -> memref<26112xf32, #tpu.memory_space<hbm>>
      %dma_wait3A_23 = tpu.memref_slice %arg5[%mul3A_15] : memref<835584xf32, #tpu.memory_space<hbm>> -> memref<26112xf32, #tpu.memory_space<hbm>>
      %dma_wait3A_24 = arith.constant 0 : i32
      %dma_wait3A_25 = tpu.memref_slice %arg11[%dma_wait3A_24] : memref<26256xf32, #tpu.memory_space<vmem>> -> memref<26112xf32, #tpu.memory_space<vmem>>
      tpu.wait_dma2 semaphore(%run_scoped3A : memref<!tpu.dma_semaphore, #tpu.memory_space<semaphore_mem>>) src(%dma_wait3A_25 : memref<26112xf32, #tpu.memory_space<vmem>>) dst(%dma_wait3A_23 : memref<26112xf32, #tpu.memory_space<hbm>>)
      tpu.yield
    }) : () -> ()
    return
  }
}

module attributes {stable_mosaic.version = 14 : i64} {
  func.func @_k2_body(%arg0: i32, %arg1: memref<2000x16xf32, #tpu.memory_space<vmem>>, %arg2: memref<2000x256xf32, #tpu.memory_space<vmem>>, %arg3: memref<2000x256xf32, #tpu.memory_space<vmem>>, %arg4: memref<2000x1xf32, #tpu.memory_space<vmem>>) attributes {dimension_semantics = [#tpu.dimension_semantics<arbitrary>], iteration_bounds = array<i64: 25>, scalar_prefetch = 0 : i64, scratch_operands = 0 : i64, tpu.core_type = #tpu.core_type<tc>, window_params = [{transform_indices = @transform_0, window_bounds = array<i64: 2000, 16>}, {transform_indices = @transform_1, window_bounds = array<i64: 2000, 256>}, {transform_indices = @transform_2, window_bounds = array<i64: 2000, 256>}, {transform_indices = @transform_3, window_bounds = array<i64: 2000, 1>}]} {
    %get3A = arith.constant 0 : index
    %get3A_0 = arith.constant 0 : index
    %get3A_1 = vector.load %arg1[%get3A, %get3A_0] : memref<2000x16xf32, #tpu.memory_space<vmem>>, vector<2000x1xf32>
    %add3A = arith.constant 1.000000e+00 : f32
    %add3A_2 = vector.broadcast %add3A : f32 to vector<2000x1xf32>
    %add3A_3 = arith.addf %get3A_1, %add3A_2 : vector<2000x1xf32>
    %rsqrt3A = math.rsqrt %add3A_3 : vector<2000x1xf32>
    %swap3A = arith.constant 0 : index
    %swap3A_4 = arith.constant 0 : index
    %swap3A_5 = vector.load %arg4[%swap3A, %swap3A_4] : memref<2000x1xf32, #tpu.memory_space<vmem>>, vector<2000x1xf32>
    tpu.vector_store %arg4[%swap3A, %swap3A_4], %rsqrt3A {strides = array<i32>} : memref<2000x1xf32, #tpu.memory_space<vmem>>, vector<2000x1xf32>,
    %get3A_6 = arith.constant 0 : index
    %get3A_7 = arith.constant 0 : index
    %get3A_8 = vector.load %arg2[%get3A_6, %get3A_7] : memref<2000x256xf32, #tpu.memory_space<vmem>>, vector<2000x256xf32>
    %mul3A = vector.broadcast %rsqrt3A : vector<2000x1xf32> to vector<2000x256xf32>
    %mul3A_9 = arith.mulf %get3A_8, %mul3A : vector<2000x256xf32>
    %swap3A_10 = arith.constant 0 : index
    %swap3A_11 = arith.constant 0 : index
    %swap3A_12 = vector.load %arg3[%swap3A_10, %swap3A_11] : memref<2000x256xf32, #tpu.memory_space<vmem>>, vector<2000x256xf32>
    tpu.vector_store %arg3[%swap3A_10, %swap3A_11], %mul3A_9 {strides = array<i32>} : memref<2000x256xf32, #tpu.memory_space<vmem>>, vector<2000x256xf32>,
    return
  }
  func.func @transform_0(%arg0: i32) -> (i32, i32) {
    %c0_i32 = arith.constant 0 : i32
    %c0_i32_0 = arith.constant 0 : i32
    return %arg0, %c0_i32 : i32, i32
  }
  func.func @transform_1(%arg0: i32) -> (i32, i32) {
    %c0_i32 = arith.constant 0 : i32
    %c0_i32_0 = arith.constant 0 : i32
    return %arg0, %c0_i32 : i32, i32
  }
  func.func @transform_2(%arg0: i32) -> (i32, i32) {
    %c0_i32 = arith.constant 0 : i32
    %c0_i32_0 = arith.constant 0 : i32
    return %arg0, %c0_i32 : i32, i32
  }
  func.func @transform_3(%arg0: i32) -> (i32, i32) {
    %c0_i32 = arith.constant 0 : i32
    %c0_i32_0 = arith.constant 0 : i32
    return %arg0, %c0_i32 : i32, i32
  }
}

module attributes {stable_mosaic.version = 14 : i64} {
  func.func @_k4_body(%arg0: i32, %arg1: memref<2000x16xf32, #tpu.memory_space<vmem>>, %arg2: memref<2000x16xf32, #tpu.memory_space<vmem>>, %arg3: memref<2000x1xf32, #tpu.memory_space<vmem>>, %arg4: memref<16x384xf32, #tpu.memory_space<vmem>>, %arg5: memref<1x384xf32, #tpu.memory_space<vmem>>, %arg6: memref<2000x384xf32, #tpu.memory_space<vmem>>) attributes {dimension_semantics = [#tpu.dimension_semantics<arbitrary>], iteration_bounds = array<i64: 25>, scalar_prefetch = 0 : i64, scratch_operands = 0 : i64, tpu.core_type = #tpu.core_type<tc>, window_params = [{transform_indices = @transform_0, window_bounds = array<i64: 2000, 16>}, {transform_indices = @transform_1, window_bounds = array<i64: 2000, 16>}, {transform_indices = @transform_2, window_bounds = array<i64: 2000, 1>}, {pipeline_mode = #tpu.pipeline_mode<synchronous>, transform_indices = @transform_3, window_bounds = array<i64: 16, 384>}, {pipeline_mode = #tpu.pipeline_mode<synchronous>, transform_indices = @transform_4, window_bounds = array<i64: 1, 384>}, {transform_indices = @transform_5, window_bounds = array<i64: 2000, 384>}]} {
    %get3A = arith.constant 0 : index
    %get3A_0 = arith.constant 0 : index
    %get3A_1 = vector.load %arg3[%get3A, %get3A_0] : memref<2000x1xf32, #tpu.memory_space<vmem>>, vector<2000x1xf32>
    %get3A_2 = arith.constant 0 : index
    %get3A_3 = arith.constant 0 : index
    %get3A_4 = vector.load %arg1[%get3A_2, %get3A_3] : memref<2000x16xf32, #tpu.memory_space<vmem>>, vector<2000x16xf32>
    %get3A_5 = arith.constant 0 : index
    %get3A_6 = arith.constant 0 : index
    %get3A_7 = vector.load %arg2[%get3A_5, %get3A_6] : memref<2000x16xf32, #tpu.memory_space<vmem>>, vector<2000x16xf32>
    %mul3A = vector.broadcast %get3A_1 : vector<2000x1xf32> to vector<2000x16xf32>
    %mul3A_8 = arith.mulf %get3A_7, %mul3A : vector<2000x16xf32>
    %add3A = arith.addf %get3A_4, %mul3A_8 : vector<2000x16xf32>
    %mul3A_9 = vector.broadcast %get3A_1 : vector<2000x1xf32> to vector<2000x16xf32>
    %mul3A_10 = arith.mulf %add3A, %mul3A_9 : vector<2000x16xf32>
    %get3A_11 = arith.constant 0 : index
    %get3A_12 = arith.constant 0 : index
    %get3A_13 = vector.load %arg4[%get3A_11, %get3A_12] : memref<16x384xf32, #tpu.memory_space<vmem>>, vector<16x384xf32>
    %dot_general3A = arith.constant dense<0.000000e+00> : vector<2000x384xf32>
    %dot_general3A_14 = tpu.matmul %mul3A_10, %get3A_13, %dot_general3A {dimension_numbers = #tpu.dot_dimension_numbers<[1], [0], [0], [1], [0, 0, 1, 1], [], []>, transpose_lhs_hint = false} : vector<2000x16xf32>, vector<16x384xf32>, vector<2000x384xf32> -> vector<2000x384xf32>
    %get3A_15 = arith.constant 0 : index
    %get3A_16 = arith.constant 0 : index
    %get3A_17 = vector.load %arg5[%get3A_15, %get3A_16] : memref<1x384xf32, #tpu.memory_space<vmem>>, vector<1x384xf32>
    %add3A_18 = vector.broadcast %get3A_17 : vector<1x384xf32> to vector<2000x384xf32>
    %add3A_19 = arith.addf %dot_general3A_14, %add3A_18 : vector<2000x384xf32>
    %max3A = arith.constant 0.000000e+00 : f32
    %max3A_20 = vector.broadcast %max3A : f32 to vector<2000x384xf32>
    %max3A_21 = arith.maximumf %add3A_19, %max3A_20 : vector<2000x384xf32>
    %mul3A_22 = vector.broadcast %get3A_1 : vector<2000x1xf32> to vector<2000x384xf32>
    %mul3A_23 = arith.mulf %max3A_21, %mul3A_22 : vector<2000x384xf32>
    %swap3A = arith.constant 0 : index
    %swap3A_24 = arith.constant 0 : index
    %swap3A_25 = vector.load %arg6[%swap3A, %swap3A_24] : memref<2000x384xf32, #tpu.memory_space<vmem>>, vector<2000x384xf32>
    tpu.vector_store %arg6[%swap3A, %swap3A_24], %mul3A_23 {strides = array<i32>} : memref<2000x384xf32, #tpu.memory_space<vmem>>, vector<2000x384xf32>,
    return
  }
  func.func @transform_0(%arg0: i32) -> (i32, i32) {
    %c0_i32 = arith.constant 0 : i32
    %c0_i32_0 = arith.constant 0 : i32
    return %arg0, %c0_i32 : i32, i32
  }
  func.func @transform_1(%arg0: i32) -> (i32, i32) {
    %c0_i32 = arith.constant 0 : i32
    %c0_i32_0 = arith.constant 0 : i32
    return %arg0, %c0_i32 : i32, i32
  }
  func.func @transform_2(%arg0: i32) -> (i32, i32) {
    %c0_i32 = arith.constant 0 : i32
    %c0_i32_0 = arith.constant 0 : i32
    return %arg0, %c0_i32 : i32, i32
  }
  func.func @transform_3(%arg0: i32) -> (i32, i32) {
    %c0_i32 = arith.constant 0 : i32
    %c0_i32_0 = arith.constant 0 : i32
    %c0_i32_1 = arith.constant 0 : i32
    return %c0_i32, %c0_i32_0 : i32, i32
  }
  func.func @transform_4(%arg0: i32) -> (i32, i32) {
    %c0_i32 = arith.constant 0 : i32
    %c0_i32_0 = arith.constant 0 : i32
    %c0_i32_1 = arith.constant 0 : i32
    return %c0_i32, %c0_i32_0 : i32, i32
  }
  func.func @transform_5(%arg0: i32) -> (i32, i32) {
    %c0_i32 = arith.constant 0 : i32
    %c0_i32_0 = arith.constant 0 : i32
    return %arg0, %c0_i32 : i32, i32
  }
}

module attributes {stable_mosaic.version = 14 : i64} {
  func.func @_k6_body(%arg0: i32, %arg1: memref<2000x384xf32, #tpu.memory_space<vmem>>, %arg2: memref<2000x384xf32, #tpu.memory_space<vmem>>, %arg3: memref<2000x1xf32, #tpu.memory_space<vmem>>, %arg4: memref<2000x1xi32, #tpu.memory_space<vmem>>, %arg5: memref<384x384xf32, #tpu.memory_space<vmem>>, %arg6: memref<1x384xf32, #tpu.memory_space<vmem>>, %arg7: memref<384x128xf32, #tpu.memory_space<vmem>>, %arg8: memref<1x128xf32, #tpu.memory_space<vmem>>, %arg9: memref<64x128xf32, #tpu.memory_space<vmem>>, %arg10: memref<64x384xf32, #tpu.memory_space<vmem>>, %arg11: memref<64x1xf32, #tpu.memory_space<vmem>>) attributes {dimension_semantics = [#tpu.dimension_semantics<arbitrary>], iteration_bounds = array<i64: 25>, scalar_prefetch = 0 : i64, scratch_operands = 2 : i64, tpu.core_type = #tpu.core_type<tc>, window_params = [{transform_indices = @transform_0, window_bounds = array<i64: 2000, 384>}, {transform_indices = @transform_1, window_bounds = array<i64: 2000, 384>}, {transform_indices = @transform_2, window_bounds = array<i64: 2000, 1>}, {transform_indices = @transform_3, window_bounds = array<i64: 2000, 1>}, {pipeline_mode = #tpu.pipeline_mode<synchronous>, transform_indices = @transform_4, window_bounds = array<i64: 384, 384>}, {pipeline_mode = #tpu.pipeline_mode<synchronous>, transform_indices = @transform_5, window_bounds = array<i64: 1, 384>}, {pipeline_mode = #tpu.pipeline_mode<synchronous>, transform_indices = @transform_6, window_bounds = array<i64: 384, 128>}, {pipeline_mode = #tpu.pipeline_mode<synchronous>, transform_indices = @transform_7, window_bounds = array<i64: 1, 128>}, {pipeline_mode = #tpu.pipeline_mode<synchronous>, transform_indices = @transform_8, window_bounds = array<i64: 64, 128>}]} {
    %get3A = arith.constant 0 : index
    %get3A_0 = arith.constant 0 : index
    %get3A_1 = vector.load %arg1[%get3A, %get3A_0] : memref<2000x384xf32, #tpu.memory_space<vmem>>, vector<2000x384xf32>
    %get3A_2 = arith.constant 0 : index
    %get3A_3 = arith.constant 0 : index
    %get3A_4 = vector.load %arg2[%get3A_2, %get3A_3] : memref<2000x384xf32, #tpu.memory_space<vmem>>, vector<2000x384xf32>
    %add3A = arith.addf %get3A_1, %get3A_4 : vector<2000x384xf32>
    %get3A_5 = arith.constant 0 : index
    %get3A_6 = arith.constant 0 : index
    %get3A_7 = vector.load %arg3[%get3A_5, %get3A_6] : memref<2000x1xf32, #tpu.memory_space<vmem>>, vector<2000x1xf32>
    %mul3A = vector.broadcast %get3A_7 : vector<2000x1xf32> to vector<2000x384xf32>
    %mul3A_8 = arith.mulf %add3A, %mul3A : vector<2000x384xf32>
    %get3A_9 = arith.constant 0 : index
    %get3A_10 = arith.constant 0 : index
    %get3A_11 = vector.load %arg5[%get3A_9, %get3A_10] : memref<384x384xf32, #tpu.memory_space<vmem>>, vector<384x384xf32>
    %dot_general3A = arith.constant dense<0.000000e+00> : vector<2000x384xf32>
    %dot_general3A_12 = tpu.matmul %mul3A_8, %get3A_11, %dot_general3A {dimension_numbers = #tpu.dot_dimension_numbers<[1], [0], [0], [1], [0, 0, 1, 1], [], []>, transpose_lhs_hint = false} : vector<2000x384xf32>, vector<384x384xf32>, vector<2000x384xf32> -> vector<2000x384xf32>
    %get3A_13 = arith.constant 0 : index
    %get3A_14 = arith.constant 0 : index
    %get3A_15 = vector.load %arg6[%get3A_13, %get3A_14] : memref<1x384xf32, #tpu.memory_space<vmem>>, vector<1x384xf32>
    %add3A_16 = vector.broadcast %get3A_15 : vector<1x384xf32> to vector<2000x384xf32>
    %add3A_17 = arith.addf %dot_general3A_12, %add3A_16 : vector<2000x384xf32>
    %max3A = arith.constant 0.000000e+00 : f32
    %max3A_18 = vector.broadcast %max3A : f32 to vector<2000x384xf32>
    %max3A_19 = arith.maximumf %add3A_17, %max3A_18 : vector<2000x384xf32>
    %get3A_20 = arith.constant 0 : index
    %get3A_21 = arith.constant 0 : index
    %get3A_22 = vector.load %arg4[%get3A_20, %get3A_21] : memref<2000x1xi32, #tpu.memory_space<vmem>>, vector<2000x1xi32>
    %iota3A = tpu.iota {dimensions = array<i32: 1>} : vector<2000x64xi32>
    %eq3A = vector.broadcast %get3A_22 : vector<2000x1xi32> to vector<2000x64xi32>
    %eq3A_23 = arith.cmpi eq, %eq3A, %iota3A : vector<2000x64xi32>
    %convert_element_type3A = arith.extui %eq3A_23 : vector<2000x64xi1> to vector<2000x64xi32>
    %convert_element_type3A_24 = arith.sitofp %convert_element_type3A : vector<2000x64xi32> to vector<2000x64xf32>
    %dot_general3A_25 = arith.constant dense<0.000000e+00> : vector<64x384xf32>
    %dot_general3A_26 = tpu.matmul %convert_element_type3A_24, %max3A_19, %dot_general3A_25 {dimension_numbers = #tpu.dot_dimension_numbers<[0], [0], [1], [1], [0, 1, 1, 1], [], []>, transpose_lhs_hint = false} : vector<2000x64xf32>, vector<2000x384xf32>, vector<64x384xf32> -> vector<64x384xf32>
    %broadcast_in_dim3A = arith.constant 1.000000e+00 : f32
    %broadcast_in_dim3A_27 = vector.broadcast %broadcast_in_dim3A : f32 to vector<2000x1xf32>
    %dot_general3A_28 = arith.constant dense<0.000000e+00> : vector<64x1xf32>
    %dot_general3A_29 = tpu.matmul %convert_element_type3A_24, %broadcast_in_dim3A_27, %dot_general3A_28 {dimension_numbers = #tpu.dot_dimension_numbers<[0], [0], [1], [1], [0, 1, 1, 1], [], []>, transpose_lhs_hint = false} : vector<2000x64xf32>, vector<2000x1xf32>, vector<64x1xf32> -> vector<64x1xf32>
    %eq3A_30 = arith.constant 0 : i32
    %eq3A_31 = arith.cmpi eq, %arg0, %eq3A_30 : i32
    %convert_element_type3A_32 = arith.extui %eq3A_31 : i1 to i32
    %cond3A = arith.constant 0 : i32
    %cond3A_33 = arith.cmpi ne, %convert_element_type3A_32, %cond3A : i32
    scf.if %cond3A_33 {
      %broadcast_in_dim3A_52 = arith.constant 0.000000e+00 : f32
      %broadcast_in_dim3A_53 = vector.broadcast %broadcast_in_dim3A_52 : f32 to vector<64x384xf32>
      %swap3A_54 = arith.constant 0 : index
      %swap3A_55 = arith.constant 0 : index
      %swap3A_56 = vector.load %arg10[%swap3A_54, %swap3A_55] : memref<64x384xf32, #tpu.memory_space<vmem>>, vector<64x384xf32>
      tpu.vector_store %arg10[%swap3A_54, %swap3A_55], %broadcast_in_dim3A_53 {strides = array<i32>} : memref<64x384xf32, #tpu.memory_space<vmem>>, vector<64x384xf32>,
      %broadcast_in_dim3A_57 = arith.constant 0.000000e+00 : f32
      %broadcast_in_dim3A_58 = vector.broadcast %broadcast_in_dim3A_57 : f32 to vector<64x1xf32>
      %swap3A_59 = arith.constant 0 : index
      %swap3A_60 = arith.constant 0 : index
      %swap3A_61 = vector.load %arg11[%swap3A_59, %swap3A_60] : memref<64x1xf32, #tpu.memory_space<vmem>>, vector<64x1xf32>
      tpu.vector_store %arg11[%swap3A_59, %swap3A_60], %broadcast_in_dim3A_58 {strides = array<i32>} : memref<64x1xf32, #tpu.memory_space<vmem>>, vector<64x1xf32>,
    } else {
    }
    %get3A_34 = arith.constant 0 : index
    %get3A_35 = arith.constant 0 : index
    %get3A_36 = vector.load %arg10[%get3A_34, %get3A_35] : memref<64x384xf32, #tpu.memory_space<vmem>>, vector<64x384xf32>
    %add3A_37 = arith.addf %get3A_36, %dot_general3A_26 : vector<64x384xf32>
    %swap3A = arith.constant 0 : index
    %swap3A_38 = arith.constant 0 : index
    %swap3A_39 = vector.load %arg10[%swap3A, %swap3A_38] : memref<64x384xf32, #tpu.memory_space<vmem>>, vector<64x384xf32>
    tpu.vector_store %arg10[%swap3A, %swap3A_38], %add3A_37 {strides = array<i32>} : memref<64x384xf32, #tpu.memory_space<vmem>>, vector<64x384xf32>,
    %get3A_40 = arith.constant 0 : index
    %get3A_41 = arith.constant 0 : index
    %get3A_42 = vector.load %arg11[%get3A_40, %get3A_41] : memref<64x1xf32, #tpu.memory_space<vmem>>, vector<64x1xf32>
    %add3A_43 = arith.addf %get3A_42, %dot_general3A_29 : vector<64x1xf32>
    %swap3A_44 = arith.constant 0 : index
    %swap3A_45 = arith.constant 0 : index
    %swap3A_46 = vector.load %arg11[%swap3A_44, %swap3A_45] : memref<64x1xf32, #tpu.memory_space<vmem>>, vector<64x1xf32>
    tpu.vector_store %arg11[%swap3A_44, %swap3A_45], %add3A_43 {strides = array<i32>} : memref<64x1xf32, #tpu.memory_space<vmem>>, vector<64x1xf32>,
    %eq3A_47 = arith.constant 24 : i32
    %eq3A_48 = arith.cmpi eq, %arg0, %eq3A_47 : i32
    %convert_element_type3A_49 = arith.extui %eq3A_48 : i1 to i32
    %cond3A_50 = arith.constant 0 : i32
    %cond3A_51 = arith.cmpi ne, %convert_element_type3A_49, %cond3A_50 : i32
    scf.if %cond3A_51 {
      %get3A_52 = arith.constant 0 : index
      %get3A_53 = arith.constant 0 : index
      %get3A_54 = vector.load %arg10[%get3A_52, %get3A_53] : memref<64x384xf32, #tpu.memory_space<vmem>>, vector<64x384xf32>
      %get3A_55 = arith.constant 0 : index
      %get3A_56 = arith.constant 0 : index
      %get3A_57 = vector.load %arg11[%get3A_55, %get3A_56] : memref<64x1xf32, #tpu.memory_space<vmem>>, vector<64x1xf32>
      %max3A_58 = arith.constant 1.000000e+00 : f32
      %max3A_59 = vector.broadcast %max3A_58 : f32 to vector<64x1xf32>
      %max3A_60 = arith.maximumf %get3A_57, %max3A_59 : vector<64x1xf32>
      %div3A = vector.broadcast %max3A_60 : vector<64x1xf32> to vector<64x384xf32>
      %div3A_61 = arith.divf %get3A_54, %div3A : vector<64x384xf32>
      %get3A_62 = arith.constant 0 : index
      %get3A_63 = arith.constant 0 : index
      %get3A_64 = vector.load %arg7[%get3A_62, %get3A_63] : memref<384x128xf32, #tpu.memory_space<vmem>>, vector<384x128xf32>
      %dot_general3A_65 = arith.constant dense<0.000000e+00> : vector<64x128xf32>
      %dot_general3A_66 = tpu.matmul %div3A_61, %get3A_64, %dot_general3A_65 {dimension_numbers = #tpu.dot_dimension_numbers<[1], [0], [0], [1], [0, 0, 1, 1], [], []>, transpose_lhs_hint = false} : vector<64x384xf32>, vector<384x128xf32>, vector<64x128xf32> -> vector<64x128xf32>
      %get3A_67 = arith.constant 0 : index
      %get3A_68 = arith.constant 0 : index
      %get3A_69 = vector.load %arg8[%get3A_67, %get3A_68] : memref<1x128xf32, #tpu.memory_space<vmem>>, vector<1x128xf32>
      %add3A_70 = vector.broadcast %get3A_69 : vector<1x128xf32> to vector<64x128xf32>
      %add3A_71 = arith.addf %dot_general3A_66, %add3A_70 : vector<64x128xf32>
      %swap3A_72 = arith.constant 0 : index
      %swap3A_73 = arith.constant 0 : index
      %swap3A_74 = vector.load %arg9[%swap3A_72, %swap3A_73] : memref<64x128xf32, #tpu.memory_space<vmem>>, vector<64x128xf32>
      tpu.vector_store %arg9[%swap3A_72, %swap3A_73], %add3A_71 {strides = array<i32>} : memref<64x128xf32, #tpu.memory_space<vmem>>, vector<64x128xf32>,
    } else {
    }
    return
  }
  func.func @transform_0(%arg0: i32) -> (i32, i32) {
    %c0_i32 = arith.constant 0 : i32
    %c0_i32_0 = arith.constant 0 : i32
    return %arg0, %c0_i32 : i32, i32
  }
  func.func @transform_1(%arg0: i32) -> (i32, i32) {
    %c0_i32 = arith.constant 0 : i32
    %c0_i32_0 = arith.constant 0 : i32
    return %arg0, %c0_i32 : i32, i32
  }
  func.func @transform_2(%arg0: i32) -> (i32, i32) {
    %c0_i32 = arith.constant 0 : i32
    %c0_i32_0 = arith.constant 0 : i32
    return %arg0, %c0_i32 : i32, i32
  }
  func.func @transform_3(%arg0: i32) -> (i32, i32) {
    %c0_i32 = arith.constant 0 : i32
    %c0_i32_0 = arith.constant 0 : i32
    return %arg0, %c0_i32 : i32, i32
  }
  func.func @transform_4(%arg0: i32) -> (i32, i32) {
    %c0_i32 = arith.constant 0 : i32
    %c0_i32_0 = arith.constant 0 : i32
    %c0_i32_1 = arith.constant 0 : i32
    return %c0_i32, %c0_i32_0 : i32, i32
  }
  func.func @transform_5(%arg0: i32) -> (i32, i32) {
    %c0_i32 = arith.constant 0 : i32
    %c0_i32_0 = arith.constant 0 : i32
    %c0_i32_1 = arith.constant 0 : i32
    return %c0_i32, %c0_i32_0 : i32, i32
  }
  func.func @transform_6(%arg0: i32) -> (i32, i32) {
    %c0_i32 = arith.constant 0 : i32
    %c0_i32_0 = arith.constant 0 : i32
    %c0_i32_1 = arith.constant 0 : i32
    return %c0_i32, %c0_i32_0 : i32, i32
  }
  func.func @transform_7(%arg0: i32) -> (i32, i32) {
    %c0_i32 = arith.constant 0 : i32
    %c0_i32_0 = arith.constant 0 : i32
    %c0_i32_1 = arith.constant 0 : i32
    return %c0_i32, %c0_i32_0 : i32, i32
  }
  func.func @transform_8(%arg0: i32) -> (i32, i32) {
    %c0_i32 = arith.constant 0 : i32
    %c0_i32_0 = arith.constant 0 : i32
    %c0_i32_1 = arith.constant 0 : i32
    return %c0_i32, %c0_i32_0 : i32, i32
  }
}

</mosaic_0001>

<sc_bundles>
// kernel: kernel.11.cloned.1.call-start
scs
__scs_entry_jumppad:
0x0: {  	(pc) =	sbr.rel $0x88, $3  }
0x1: {  	(tag) =	ssettag $0x0;
	lr =	simm.s32 $0x1  }
0x2: {  	[smem:$0x3F98] =	sst lr;
	_ =	strace $0xD0000000  }
0x3: {  	_ = 	snop  }
0x4: {  	_ = 	snop  }
0x5: {  	_ = 	snop  }
0x6: {  	_ = 	snop  }
0x7: {  	_ = 	snop  }
__scs_overlays_trampoline_lowered:
0x8: {  	[smem:$0x3FA7] =	sst s0  }
0x9: {  	[smem:$0x3FA8] =	sst s1  }
0xa: {  	[smem:$0x3FA9] =	sst s2  }
0xb: {  	[smem:$0x3FAA] =	sst s3  }
0xc: {  	[smem:$0x3FAB] =	sst s4  }
0xd: {  	[smem:$0x3FAC] =	sst s5  }
0xe: {  	[smem:$0x3FAD] =	sst s6  }
0xf: {  	[smem:$0x3FAE] =	sst s7  }
0x10: {  	[smem:$0x3FAF] =	sst s8  }
0x11: {  	[smem:$0x3FB0] =	sst s9;
	s0 =	simm.s32 @!p0 $0x0  }
0x12: {  	s1 =	sld [smem:$0x3F96];
	s0 =	simm.s32 @p0 $0x1  }
0x13: {  	[smem:$0x3FB1] =	sst s0;
	s0 =	simm.s32 @!p1 $0x0  }
0x14: {  	s2 =	sld [smem:$0x3F95];
	s0 =	simm.s32 @p1 $0x1  }
0x15: {  	[smem:$0x3FB2] =	sst s0;
	s0 =	simm.s32 @!p2 $0x0  }
0x16: {  	s3 =	sld [smem:$0x3FDB];
	s0 =	simm.s32 @p2 $0x1  }
0x17: {  	s4 =	simm.s32 $0x1BF5;
	[smem:$0x3FB4] =	sst s0  }
0x18: {  	s0 =	sld [smem:$0x3F97];
	_ =	swait.ge [sflag:s4], $0x0  }
0x19: {  	s7 =	sld [smem:$0x3F98]  }
0x1a: {  	s8 =	sadd.s32 $0xFFFFE003, lr  }
0x1b: {  	s9 =	sadd.s32 $0xFFFFFEF7, lr;
	s5 =	simm.s32 $0xFFFFFFFF;
	p2 =	slt.u32 s8, $0xFFFFF086  }
0x1c: {  	p1 =	slt.u32 s9, $0xF7A;
	s5 =	simm.s32 @!p2 $0x0  }
0x1d: {  	s5 =	simm.s32 @p1 $0x1;
	p0 =	seq.s32 s7, s2  }
0x1e: {  	s7 =	smul.u32 @!p0 $0xF7A, s2;
	p2 =	seq.s32 @!p0 s5, $0x0  }
0x1f: {  	s9 =	smul.u32 $0xF7A, s1;
	s8 =	simm.s32 @!p0 $0x1BF5;
	p2 =	por !p2, p0  }
0x20: {  	[sflag:s8] =	ssyncset.s32 @!p0 $0xFFFFF086;
	s6 =	sadd.s32 @!p0 s3, s7;
	s7 =	simm.s32 @!p0 $0x108  }
0x21: {  	s3 =	sadd.s32 s3, s9;
	s6 =	sadd.s32 @!p0 $0x88, s6;
	s7 =	simm.s32 @p2 $0x1082  }
0x22: {  	[simem:s7], [sflag:s8] =	dma.local @!p0 [hbm:s6], $0xF7A  }
0x23: {  	s9 =	sor.u32 $0xD0000000, s2;
	s6 =	simm.s32 $0x108;
	_ =	swait.ge @!p0 [sflag:s8], $0x0  }
0x24: {  	s3 =	sadd.s32 $0x88, s3;
	s6 =	simm.s32 @!p1 $0x1082;
	[sflag:s4] =	ssyncset.s32 $0xFFFFF086  }
0x25: {  	[simem:s6], [sflag:s4] =	dma.local [hbm:s3], $0xF7A  }
0x26: {  	[smem:$0x3F98] =	sst s1;
	(tag) =	ssettag s2;
	_ =	strace s9  }
0x27: {  	s1 =	sld [smem:$0x3FA8]  }
0x28: {  	s2 =	sld [smem:$0x3FA9]  }
0x29: {  	s4 =	sld [smem:$0x3FAB]  }
0x2a: {  	p0 =	seq.s32 s5, $0x0;
	s5 =	sld [smem:$0x3FAC]  }
0x2b: {  	s6 =	sld [smem:$0x3FAD]  }
0x2c: {  	s7 =	sld [smem:$0x3FAE]  }
0x2d: {  	s3 =	simm.s32 $0x108;
	s8 =	sld [smem:$0x3FAF]  }
0x2e: {  	s3 =	simm.s32 @!p0 $0x1082;
	s9 =	sld [smem:$0x3FB0]  }
0x2f: {  	lr =	sadd.s32 s0, s3;
	s0 =	sld [smem:$0x3FA7]  }
0x30: {  	s3 =	sld [smem:$0x3FAA]  }
0x31: {  	[smem:$0x3FB3] =	sst s10  }
0x32: {  	s10 =	sld [smem:$0x3FB1];
	_ =	sdelay $0x3  }
0x33: {  	p0 =	seq.s32 s10, $0x1;
	s10 =	sld [smem:$0x3FB3];
	_ =	sdelay $0x3  }
0x34: {  	[smem:$0x3FB3] =	sst s10  }
0x35: {  	s10 =	sld [smem:$0x3FB2];
	_ =	sdelay $0x3  }
0x36: {  	p1 =	seq.s32 s10, $0x1;
	s10 =	sld [smem:$0x3FB3];
	_ =	sdelay $0x3  }
0x37: {  	[smem:$0x3FB3] =	sst s10  }
0x38: {  	s10 =	sld [smem:$0x3FB4]  }
0x39: {  	_ = 	snop;
	(pc) =	sbr.ind lr, $3  }
0x3a: {  	_ = 	snop  }
0x3b: {  	_ = 	snop  }
0x3c: {  	p2 =	seq.s32 s10, $0x1;
	s10 =	sld [smem:$0x3FB3]  }
0x3d: {  	_ =	shalt  }
0x3e: {  	_ =	shalt  }
0x3f: {  	_ =	shalt  }
0x40: {  	_ =	shalt  }
0x41: {  	_ =	shalt  }
0x42: {  	_ =	shalt  }
0x43: {  	_ =	shalt  }
0x44: {  	_ =	shalt  }
0x45: {  	_ =	shalt  }
0x46: {  	_ =	shalt  }
0x47: {  	_ =	shalt  }
0x48: {  	_ =	shalt  }
0x49: {  	_ =	shalt  }
0x4a: {  	_ =	shalt  }
0x4b: {  	_ =	shalt  }
0x4c: {  	_ =	shalt  }
0x4d: {  	_ =	shalt  }
0x4e: {  	_ =	shalt  }
0x4f: {  	_ =	shalt  }
0x50: {  	_ =	shalt  }
0x51: {  	_ =	shalt  }
0x52: {  	_ =	shalt  }
0x53: {  	_ =	shalt  }
0x54: {  	_ =	shalt  }
0x55: {  	_ =	shalt  }
0x56: {  	_ =	shalt  }
0x57: {  	_ =	shalt  }
0x58: {  	_ =	shalt  }
0x59: {  	_ =	shalt  }
0x5a: {  	_ =	shalt  }
0x5b: {  	_ =	shalt  }
0x5c: {  	_ =	shalt  }
0x5d: {  	_ =	shalt  }
0x5e: {  	_ =	shalt  }
0x5f: {  	_ =	shalt  }
0x60: {  	_ =	shalt  }
0x61: {  	_ =	shalt  }
0x62: {  	_ =	shalt  }
0x63: {  	_ =	shalt  }
0x64: {  	_ =	shalt  }
0x65: {  	_ =	shalt  }
0x66: {  	_ =	shalt  }
0x67: {  	_ =	shalt  }
0x68: {  	_ =	shalt  }
0x69: {  	_ =	shalt  }
0x6a: {  	_ =	shalt  }
0x6b: {  	_ =	shalt  }
0x6c: {  	_ =	shalt  }
0x6d: {  	_ =	shalt  }
0x6e: {  	_ =	shalt  }
0x6f: {  	_ =	shalt  }
0x70: {  	_ =	shalt  }
0x71: {  	_ =	shalt  }
0x72: {  	_ =	shalt  }
0x73: {  	_ =	shalt  }
0x74: {  	_ =	shalt  }
0x75: {  	_ =	shalt  }
0x76: {  	_ =	shalt  }
0x77: {  	_ =	shalt  }
0x78: {  	_ =	shalt  }
0x79: {  	_ =	shalt  }
0x7a: {  	_ =	shalt  }
0x7b: {  	_ =	shalt  }
0x7c: {  	_ =	shalt  }
0x7d: {  	_ =	shalt  }
0x7e: {  	_ =	shalt  }
0x7f: {  	_ =	shalt  }
0x80: {  	_ =	shalt  }
0x81: {  	_ =	shalt  }
0x82: {  	_ =	shalt  }
0x83: {  	_ =	shalt  }
0x84: {  	_ =	shalt  }
0x85: {  	_ =	shalt  }
0x86: {  	_ =	shalt  }
0x87: {  	_ =	shalt  }
.Lfunc_end0:
.L_simem_size_0:
called_computation.1_lowered:
.L_overlay_start_0:
0x88: {  	s2 =	sld [smem:$0x3FD9]  }
0x89: {  	s3 =	sld [smem:$0x3FFE];
	_ =	sdelay $0x1  }
0x8a: {  	s1 =	srdreg.scid  }
0x8b: {  	s0 =	sand.u32 $0x1, s1  }
0x8c: {  	s16 =	sshll.u32 s0, $0xA;
	s2 =	sadd.s32 s3, s2  }
0x8d: {  	s2 =	sadd.s32 s2, s16  }
0x8e: {  	[smem:$0x3FBF] =	sst s2  }
0x8f: {  	_ = 	snop  }
0x90: {  	(tm) =	ssettm $0x1  }
0x91: {  	s17 =	sld [smem:$0x3FFB];
	_ =	sdelay $0x3  }
0x92: {  	_ =	strace s17  }
0x93: {  	s2 =	sld [smem:$0x3FFC];
	_ =	sdelay $0x3  }
0x94: {  	_ =	strace s2  }
0x95: {  	s2 =	sld [smem:$0x3FFD];
	_ =	sdelay $0x3  }
0x96: {  	_ =	strace s2  }
0x97: {  	_ =	strace $0x8FFFFFFF  }
0x98: {  	s18 =	sld [smem:$0x3FDB];
	_ =	sdelay $0x1  }
0x99: {  	s19 =	simm.s32 $_scs_section_size  }
0x9a: {  	s4 =	simm.s32 $_size__tile_overlayer_lowered;
	s5 =	simm.s32 $_tile_overlayer_lowered  }
0x9b: {  	s22 =	simm.s32 $0x1BFF;
	s21 =	sshll.u32 s5, $0x1;
	s2 =	sadd.s32 s19, s18  }
0x9c: {  	s6 =	simm.s32 $0x0;
	s20 =	sshll.u32 s4, $0x1;
	s4 =	sadd.s32 s21, s2  }
0x9d: {  	[timem:s6], [sflag:s22] =	dma.local [hbm:s4], s20  }
0x9e: {  	_ =	swait.ge [sflag:s22], s20  }
0x9f: {  	s3 =	ssub.s32 $0x0, s20;
	[sflag:s22] =	ssyncset.done $0x0  }
0xa0: {  	[sflag:s22] =	ssyncadd.s32 s3;
	_ =	sdelay $0x1  }
0xa1: {  	s23 =	simm.s32 $0x1B8B  }
0xa2: {  	_ =	swait.ge [sflag:s23], $0x1  }
0xa3: {  	[sflag:s23] =	ssyncset.done $0x0  }
0xa4: {  	s25 =	simm.s32 $0x1B8E;
	s24 =	sld [smem:$0x3FFE];
	[sflag:s23] =	ssyncadd.s32 $0xFFFFFFFF  }
0xa5: {  	s26 =	simm.s32 $execute0_lowered;
	[smem:$0x3FD2] =	sst s25  }
0xa6: {  	s4 =	sshll.u32 s26, $0x1;
	_ =	strace $0x80000049;
	[dreg:$0x1] =	wrdreg $0xFFFFFFFF  }
0xa7: {  	s28 =	simm.s32 $_size_execute0_lowered;
	s2 =	sadd.s32 s2, s4;
	[dreg:$0x0] =	wrdreg $0x0  }
0xa8: {  	s4 =	sshll.u32 s28, $0x1;
	[dreg:$0x2] =	wrdreg s2  }
0xa9: {  	[dreg:$0x3] =	wrdreg s4  }
0xaa: {  	[dreg:$0x4] =	wrdreg $0xC0  }
0xab: {  	_ =	task [dreg:s6], $0x5FFFF  }
0xac: {  	[dreg:$0x1] =	wrdreg $0xFFFFFFFF  }
0xad: {  	[dreg:$0x0] =	wrdreg $0x60  }
0xae: {  	[dreg:$0x2] =	wrdreg s24  }
0xaf: {  	[dreg:$0x3] =	wrdreg $0x9  }
0xb0: {  	_ =	task.clear_ibuf [dreg:s6], $0x4FFFF;
	_ =	strace $0x90000049  }
0xb1: {  	s29 =	simm.s32 $0x9;
	_ =	strace $0x8000004B  }
0xb2: {  	_ =	swait.ge [sflag:s29], $0x1  }
0xb3: {  	[sflag:s29] =	ssyncadd.s32 $0xFFFFFFFF  }
0xb4: {  	_ =	strace $0x9000004B  }
0xb5: {  	_ =	sfence  }
0xb6: {  	s30 =	sld [smem:$0x0];
	_ =	sdelay $0x2  }
0xb7: {  	s31 =	sshll.u32 s1, $0xD;
	s1 =	sshrl.u32 s1, $0x2  }
0xb8: {  	s3 =	sand.u32 $0x4000, s31;
	s1 =	sadd.s32 s1, s30  }
0xb9: {  	s0 =	sor.u32 s3, s0;
	s1 =	sshll.u32 s1, $0x11  }
0xba: {  	s0 =	sor.u32 s1, s0  }
0xbb: {  	s0 =	sadd.s32 $0x8F2B, s0  }
0xbc: {  	[sflag:s0] =	ssyncadd.remote.s32 $0x1  }
0xbd: {  	_ =	sfence.sel $0xFFFF  }
0xbe: {  	[dreg:$0x0] =	wrdreg $0xFFFFFFFF;
	(pc) =	sbr.abs _section_cstart, $3  }
0xbf: {  	[dreg:$0x1] =	wrdreg $0xFFFFFFFF  }
0xc0: {  	_ =	task.clear_ibuf [dreg:s6], $0x2FFFF;
	_ =	strace $0x9FFFFFFF  }
0xc1: {  	(tm) =	ssettm $0x7FFFFFFF  }
tec
execute0_lowered:
.L_overlay_start_1:
0x0: {  	(tag) =	ssettag $0x1  }
0x1: {  	s0 =	rddreg [dreg:$0x0];
	s1 =	srdreg.scid  }
0x2: {  	s4 =	simm.s32 $0x0;
	s3 =	stileid.u32;
	s8 =	simm.s32 $0x2  }
0x3: {  	s10 =	simm.s32 $0x1900;
	s11 =	simm.s32 $0x2680;
	s12 =	simm.s32 $0x3400  }
0x4: {  	s13 =	simm.s32 $0x3C00;
	s14 =	simm.s32 $0x4400;
	s15 =	simm.s32 $0x4C00  }
0x5: {  	s16 =	simm.s32 $0x5400;
	s17 =	simm.s32 $0x5C00;
	s18 =	simm.s32 $0x6400  }
0x6: {  	s19 =	simm.s32 $0x6C00;
	s20 =	simm.s32 $0x7400;
	s21 =	simm.s32 $0x7C00  }
0x7: {  	s22 =	simm.s32 $0x8400;
	s23 =	simm.s32 $0x8C00;
	s28 =	simm.s32 $0xAC00  }
0x8: {  	s29 =	simm.s32 $0x1;
	s30 =	simm.s32 $0xB400;
	s1 =	sand.u32 $0x1, s1  }
0x9: {  	[smem:$0x7FF] =	sst s4;
	s24 =	sadd.s32 $0x1BA800, s0;
	s2 =	sshll.u32 s1, $0x4  }
0xa: {  	s25 =	sadd.s32 $0x1600, s0;
	s5 =	sadd.s32 $0x29F800, s0;
	s2 =	sor.u32 s3, s2  }
0xb: {  	_ =	strace $0x8000004A;
	s1 =	ssub.s32 $0x2, s1;
	s3 =	smul.u32 $0xCC0, s2  }
.Ltmp0:
0xc: {  	[dreg:$0x2] =	wrdreg s24;
	s26 =	sshrl.u32 s1, $0x1;
	(pc) =	sbr.rel .LBB2_1-.Ltmp0, $4  }
0xd: {  	[dreg:$0x3] =	wrdreg s25;
	s24 =	simm.s32 $0x9400;
	s1 =	ssub.s32 s1, s26  }
0xe: {  	v1 =	vimm.f32 $0.0e+00;
	v2 =	vlaneseq.u32;
	v3 =	vimm.s32 $0x0;
	s2 =	smul.u32 $0xFFFFF9A0, s2;
	s31 =	smax.u32 s1, $0x1;
	s0 =	sadd.s32 s3, s0  }
0xf: {  	vm0 =	vmmov $0xffff;
	v4 =	vand.u32 $0x7, v2;
	v5 =	vshrl.u32 v2, $0x3;
	s25 =	simm.s32 $0x9C00;
	[dreg:$0x5] =	wrdreg s31;
	s0 =	sadd.s32 $0x1D3800, s0  }
0x10: {  	v6 =	vor.u32 $0x8, v2;
	v5 =	vmul.u32 $0x8, v5;
	s26 =	simm.s32 $0xA400;
	s1 =	simm.s32 $0x0;
	v0 =	vmov s2;
	[dreg:$0x4] =	wrdreg s0  }
.LBB2_13:
0x11: {  	s0 =	simm.s32 $0x0;
	s1 =	rddreg [dreg:$0x4]  }
0x12: {  	[hbm4b:s1+s0] =	stream.linear.scatter [tilespmem:s30], [sflag:$0x2], $0x6600, $0x38;
	[tilespmem:$0x11B00] =	vst v63  }
0x13: {  	_ =	swait.ge [sflag:s8], $0x6600  }
0x14: {  	s9 =	rddreg [dreg:$0x6]  }
0x15: {  	s31 =	rddreg [dreg:$0x5];
	s1 =	sadd.s32 $0x1, s9  }
0x16: {  	p0 =	sne.s32 s1, s31  }
.Ltmp1:
0x17: {  	_ = 	snop;
	(pc) =	sbr.rel @!p0 .LBB2_14-.Ltmp1, $3  }
0x18: {  	_ =	sdelay $0x1  }
0x19: {  	[sflag:s8] =	ssyncset.done $0x0  }
0x1a: {  	[sflag:s8] =	ssyncadd.s32 $0xFFFF9A00  }
.LBB2_1:
0x1b: {  	[dreg:$0x6] =	wrdreg s1;
	s0 =	simm.s32 $0x40;
	s1 =	simm.s32 $0x0  }
.LBB2_2:
0x1c: {  	p0 =	sne.s32 s0, $0x19800;
	[tilespmem:s1+$0xB400] =	vst v1;
	s1 =	smov.u32 s0;
	s0 =	sadd.s32 $0x40, s0  }
.Ltmp2:
0x1d: {  	(pc) =	sbr.rel @p0 .LBB2_2-.Ltmp2, $2  }
0x1e: {  	_ =	sdelay $0x2  }
0x1f: {  	s1 =	sshra.s32 s1, $0x2  }
.Ltmp3:
0x20: {  	(pc) =	sbr.rel .LBB2_4-.Ltmp3, $2  }
0x21: {  	_ =	sdelay $0x2  }
0x22: {  	[tilespmem:s1+$0xB400] =	vst v1;
	s1 =	simm.s32 $0x0  }
.LBB2_12:
0x23: {  	s1 =	sadd.s32 $0x1, s1  }
0x24: {  	p0 =	sne.s32 s1, $0x100  }
.Ltmp4:
0x25: {  	_ = 	snop;
	(pc) =	sbr.rel @!p0 .LBB2_13-.Ltmp4, $1  }
0x26: {  	_ =	sdelay $0x3  }
.LBB2_4:
0x27: {  	s2 =	smul.u32 $0x190, s1  }
0x28: {  	s0 =	rddreg [dreg:$0x2]  }
0x29: {  	s4 =	simm.s32 $0x0;
	s3 =	sadd.s32 s0, s2  }
0x2a: {  	[tilespmem:s4], [sflag:$0x2] =	stream.linear.gather [hbm4b:s3+s4], $0xC80, $0x38;
	[tilespmem:$0x11B00] =	vst v63  }
0x2b: {  	_ =	swait.ge [sflag:s8], $0xC80  }
0x2c: {  	[sflag:s8] =	ssyncset.done $0x0;
	s6 =	rddreg [dreg:$0x3]  }
0x2d: {  	s7 =	simm.s32 $0xC80;
	[sflag:s8] =	ssyncadd.s32 $0xFFFFF380;
	s2 =	sadd.s32 s6, s2  }
0x2e: {  	[tilespmem:s7], [sflag:$0x2] =	stream.linear.gather [hbm4b:s2+s4], $0xC80, $0x38;
	[tilespmem:$0x11B00] =	vst v63  }
0x2f: {  	_ =	swait.ge [sflag:s8], $0xC80  }
0x30: {  	[sflag:s8] =	ssyncset.done $0x0  }
0x31: {  	s9 =	simm.s32 $0x0;
	[sflag:s8] =	ssyncadd.s32 $0xFFFFF380  }
0x32: {  	v7 =	vld [tilespmem:s9+$0xC80];
	_ =	sdelay $0x4  }
0x33: {  	v7 =	vadd.s32 v0, v7  }
0x34: {  	vm1 =	vlt.u32 v7, $0x660  }
0x35: {  	v8 =	vsel vm1, $0x1, v3  }
0x36: {  	(xrf0) =	vadd.scan.msk.s32 $0xffff, v8;
	_ =	sdelay $0x5  }
0x37: {  	s31 =	simm.s32 $0xFFFFFFFF;
	v8, _, _ =	vpop (xrf0)  }
0x38: {  	v9 =	vadd.s32 s31, v8;
	(v2sf) =	vpush v8, $0xF  }
0x39: {  	v10 =	vld [tilespmem:s9+$0x0];
	v9 =	vnsel vm1, $0xD08, v9;
	_ =	sdelay $0x4  }
0x3a: {  	[tilespmem:v9+s10+$0x0] =	vst.idx.msk $0xffff, v10  }
0x3b: {  	s3 =	simm.s32 $0x10;
	s6 =	simm.s32 $0x80;
	s2 =	simm.s32 $0x0;
	[tilespmem:v9+s11+$0x0] =	vst.idx.msk $0xffff, v7  }
.LBB2_5:
0x3c: {  	p0 =	sne.s32 s6, $0x31C0;
	v7 =	vld [tilespmem:s3+$0xC80];
	_ =	sdelay $0x4  }
0x3d: {  	v7 =	vadd.s32 v0, v7  }
0x3e: {  	vm1 =	vlt.u32 v7, $0x660  }
0x3f: {  	v8 =	vsel vm1, $0x1, v3;
	s7 =	spop (v2sf)  }
0x40: {  	(xrf0) =	vadd.scan.msk.s32 $0xffff, v8;
	s2 =	sadd.s32 s2, s7  }
0x41: {  	s7 =	sadd.s32 $0xFFFFFFFF, s2;
	_ =	sdelay $0x4  }
0x42: {  	v8, _, _ =	vpop (xrf0)  }
0x43: {  	v9 =	vadd.s32 s7, v8;
	(v2sf) =	vpush v8, $0xF  }
0x44: {  	v8 =	vnsel vm1, $0xD08, v9;
	v9 =	vld [tilespmem:s3+$0x0];
	_ =	sdelay $0x1  }
.Ltmp5:
0x45: {  	(pc) =	sbr.rel @p0 .LBB2_5-.Ltmp5, $3  }
0x46: {  	_ =	sdelay $0x1  }
0x47: {  	[tilespmem:v8+s10+$0x0] =	vst.idx.msk $0xffff, v9  }
0x48: {  	s3 =	sshra.s32 s6, $0x2;
	s6 =	sadd.s32 $0x40, s6;
	[tilespmem:v8+s11+$0x0] =	vst.idx.msk $0xffff, v7  }
0x49: {  	v7 =	vld [tilespmem:s3+$0xC80];
	_ =	sdelay $0x4  }
0x4a: {  	v7 =	vadd.s32 v0, v7  }
0x4b: {  	vm1 =	vlt.u32 v7, $0x660  }
0x4c: {  	v8 =	vsel vm1, $0x1, v3  }
0x4d: {  	(xrf0) =	vadd.scan.msk.s32 $0xffff, v8;
	_ =	sdelay $0x5  }
0x4e: {  	v8, _, _ =	vpop (xrf0)  }
0x4f: {  	(v2sf) =	vpush v8, $0xF;
	_ =	sdelay $0x5  }
0x50: {  	s6 =	spop (v2sf)  }
0x51: {  	s2 =	sadd.s32 s2, s6  }
0x52: {  	s6 =	sadd.s32 $0xFFFFFFFF, s2  }
0x53: {  	v8 =	vadd.s32 s6, v8  }
0x54: {  	v9 =	vld [tilespmem:s3+$0x0];
	v8 =	vnsel vm1, $0xD08, v8;
	_ =	sdelay $0x4  }
0x55: {  	[tilespmem:v8+s10+$0x0] =	vst.idx.msk $0xffff, v9;
	s9 =	spop (v2sf)  }
0x56: {  	[tilespmem:v8+s11+$0x0] =	vst.idx.msk $0xffff, v7;
	s7 =	sadd.s32 s2, s9  }
0x57: {  	[tilespmem:s7+$0x1900] =	vst v3  }
0x58: {  	[tilespmem:s7+$0x1910] =	vst v3  }
0x59: {  	[tilespmem:s7+$0x1920] =	vst v3  }
.Ltmp6:
0x5a: {  	[tilespmem:s7+$0x1930] =	vst v3;
	(pc) =	sbr.rel .LBB2_7-.Ltmp6, $4  }
0x5b: {  	[tilespmem:s7+$0x1940] =	vst v3  }
0x5c: {  	[tilespmem:s7+$0x1950] =	vst v3  }
0x5d: {  	[tilespmem:s7+$0x1960] =	vst v3  }
0x5e: {  	s31 =	simm.s32 $0x0;
	s6 =	simm.s32 $0x0;
	[tilespmem:s7+$0x1970] =	vst v3;
	s2 =	smov.u32 s7  }
.LBB2_10:
0x5f: {  	v8 =	vor.u32 v2, v8;
	_ =	sdelay $0x4  }
0x60: {  	[tilespmem:v8+s30+$0x0] =	vst.idx.add.f32.msk $0xffff, v7  }
.LBB2_11:
0x61: {  	s31 =	sadd.s32 $0x1, s31  }
0x62: {  	p0 =	sne.s32 s31, $0x19  }
.Ltmp7:
0x63: {  	_ = 	snop;
	(pc) =	sbr.rel @!p0 .LBB2_12-.Ltmp7, $2  }
0x64: {  	_ =	sdelay $0x2  }
0x65: {  	s2 =	sadd.s32 $0xFFFFFF80, s2;
	s6 =	sadd.s32 $0x80, s6  }
.LBB2_7:
0x66: {  	s3 =	sshll.u32 s31, $0x7  }
0x67: {  	p0 =	sge.s32 s3, s7  }
.Ltmp8:
0x68: {  	_ = 	snop;
	(pc) =	sbr.rel @p0 .LBB2_11-.Ltmp8, $1  }
0x69: {  	_ =	sdelay $0x3  }
0x6a: {  	s3 =	sand.u32 $0x3FFFFF80, s3  }
0x6b: {  	v7 =	vld [tilespmem:s3+$0x1900];
	_ =	sdelay $0x4  }
0x6c: {  	v8 =	vshll.u32 v7, $0x1  }
0x6d: {  	v7 =	vand.u32 $0x7, v7;
	v8 =	vand.u32 $0xFFFFFFF0, v8  }
0x6e: {  	v7 =	vor.u32 v7, v8  }
0x6f: {  	v8 =	vperm.xlane v7, v4;
	_ =	sdelay $0x1  }
0x70: {  	v7 =	vperm.xlane v7, v6;
	v8 =	vadd.s32 v5, v8;
	_ =	sdelay $0x1  }
0x71: {  	v7 =	vadd.s32 v5, v7;
	_ =	sdelay $0x1  }
0x72: {  	s9 =	simm.s32 $0x0  }
0x73: {  	[tilespmem:s12], [sflag:$0x1] =	stream.indirect_vreg.gather [hbm4b:s5+s9], $0x80, v8, vm0, $0xb8;
	[tilespmem:$0x11B00] =	vst v63  }
0x74: {  	_ = 	snop  }
0x75: {  	[tilespmem:s13], [sflag:$0x1] =	stream.indirect_vreg.gather [hbm4b:s5+s9], $0x80, v7, vm0, $0xb8;
	[tilespmem:$0x11B00] =	vst v63  }
0x76: {  	v7 =	vld [tilespmem:s3+$0x1910];
	_ =	sdelay $0x4  }
0x77: {  	v8 =	vshll.u32 v7, $0x1  }
0x78: {  	v7 =	vand.u32 $0x7, v7;
	v8 =	vand.u32 $0xFFFFFFF0, v8  }
0x79: {  	v7 =	vor.u32 v7, v8  }
0x7a: {  	v8 =	vperm.xlane v7, v4;
	_ =	sdelay $0x1  }
0x7b: {  	v7 =	vperm.xlane v7, v6;
	v8 =	vadd.s32 v5, v8;
	_ =	sdelay $0x1  }
0x7c: {  	v7 =	vadd.s32 v5, v7;
	_ =	sdelay $0x2  }
0x7d: {  	[tilespmem:s14], [sflag:$0x1] =	stream.indirect_vreg.gather [hbm4b:s5+s9], $0x80, v8, vm0, $0xb8;
	[tilespmem:$0x11B00] =	vst v63  }
0x7e: {  	_ = 	snop  }
0x7f: {  	[tilespmem:s15], [sflag:$0x1] =	stream.indirect_vreg.gather [hbm4b:s5+s9], $0x80, v7, vm0, $0xb8;
	[tilespmem:$0x11B00] =	vst v63  }
0x80: {  	v7 =	vld [tilespmem:s3+$0x1920];
	_ =	sdelay $0x4  }
0x81: {  	v8 =	vshll.u32 v7, $0x1  }
0x82: {  	v7 =	vand.u32 $0x7, v7;
	v8 =	vand.u32 $0xFFFFFFF0, v8  }
0x83: {  	v7 =	vor.u32 v7, v8  }
0x84: {  	v8 =	vperm.xlane v7, v4;
	_ =	sdelay $0x1  }
0x85: {  	v7 =	vperm.xlane v7, v6;
	v8 =	vadd.s32 v5, v8;
	_ =	sdelay $0x1  }
0x86: {  	v7 =	vadd.s32 v5, v7;
	_ =	sdelay $0x2  }
0x87: {  	[tilespmem:s16], [sflag:$0x1] =	stream.indirect_vreg.gather [hbm4b:s5+s9], $0x80, v8, vm0, $0xb8;
	[tilespmem:$0x11B00] =	vst v63  }
0x88: {  	_ = 	snop  }
0x89: {  	[tilespmem:s17], [sflag:$0x1] =	stream.indirect_vreg.gather [hbm4b:s5+s9], $0x80, v7, vm0, $0xb8;
	[tilespmem:$0x11B00] =	vst v63  }
0x8a: {  	v7 =	vld [tilespmem:s3+$0x1930];
	_ =	sdelay $0x4  }
0x8b: {  	v8 =	vshll.u32 v7, $0x1  }
0x8c: {  	v7 =	vand.u32 $0x7, v7;
	v8 =	vand.u32 $0xFFFFFFF0, v8  }
0x8d: {  	v7 =	vor.u32 v7, v8  }
0x8e: {  	v8 =	vperm.xlane v7, v4;
	_ =	sdelay $0x1  }
0x8f: {  	v7 =	vperm.xlane v7, v6;
	v8 =	vadd.s32 v5, v8;
	_ =	sdelay $0x1  }
0x90: {  	v7 =	vadd.s32 v5, v7;
	_ =	sdelay $0x2  }
0x91: {  	[tilespmem:s18], [sflag:$0x1] =	stream.indirect_vreg.gather [hbm4b:s5+s9], $0x80, v8, vm0, $0xb8;
	[tilespmem:$0x11B00] =	vst v63  }
0x92: {  	_ = 	snop  }
0x93: {  	[tilespmem:s19], [sflag:$0x1] =	stream.indirect_vreg.gather [hbm4b:s5+s9], $0x80, v7, vm0, $0xb8;
	[tilespmem:$0x11B00] =	vst v63  }
0x94: {  	v7 =	vld [tilespmem:s3+$0x1940];
	_ =	sdelay $0x4  }
0x95: {  	v8 =	vshll.u32 v7, $0x1  }
0x96: {  	v7 =	vand.u32 $0x7, v7;
	v8 =	vand.u32 $0xFFFFFFF0, v8  }
0x97: {  	v7 =	vor.u32 v7, v8  }
0x98: {  	v8 =	vperm.xlane v7, v4;
	_ =	sdelay $0x1  }
0x99: {  	v7 =	vperm.xlane v7, v6;
	v8 =	vadd.s32 v5, v8;
	_ =	sdelay $0x1  }
0x9a: {  	v7 =	vadd.s32 v5, v7;
	_ =	sdelay $0x2  }
0x9b: {  	[tilespmem:s20], [sflag:$0x1] =	stream.indirect_vreg.gather [hbm4b:s5+s9], $0x80, v8, vm0, $0xb8;
	[tilespmem:$0x11B00] =	vst v63  }
0x9c: {  	_ = 	snop  }
0x9d: {  	[tilespmem:s21], [sflag:$0x1] =	stream.indirect_vreg.gather [hbm4b:s5+s9], $0x80, v7, vm0, $0xb8;
	[tilespmem:$0x11B00] =	vst v63  }
0x9e: {  	v7 =	vld [tilespmem:s3+$0x1950];
	_ =	sdelay $0x4  }
0x9f: {  	v8 =	vshll.u32 v7, $0x1  }
0xa0: {  	v7 =	vand.u32 $0x7, v7;
	v8 =	vand.u32 $0xFFFFFFF0, v8  }
0xa1: {  	v7 =	vor.u32 v7, v8  }
0xa2: {  	v8 =	vperm.xlane v7, v4;
	_ =	sdelay $0x1  }
0xa3: {  	v7 =	vperm.xlane v7, v6;
	v8 =	vadd.s32 v5, v8;
	_ =	sdelay $0x1  }
0xa4: {  	v7 =	vadd.s32 v5, v7;
	_ =	sdelay $0x2  }
0xa5: {  	[tilespmem:s22], [sflag:$0x1] =	stream.indirect_vreg.gather [hbm4b:s5+s9], $0x80, v8, vm0, $0xb8;
	[tilespmem:$0x11B00] =	vst v63  }
0xa6: {  	_ = 	snop  }
0xa7: {  	[tilespmem:s23], [sflag:$0x1] =	stream.indirect_vreg.gather [hbm4b:s5+s9], $0x80, v7, vm0, $0xb8;
	[tilespmem:$0x11B00] =	vst v63  }
0xa8: {  	v7 =	vld [tilespmem:s3+$0x1960];
	_ =	sdelay $0x4  }
0xa9: {  	v8 =	vshll.u32 v7, $0x1  }
0xaa: {  	v7 =	vand.u32 $0x7, v7;
	v8 =	vand.u32 $0xFFFFFFF0, v8  }
0xab: {  	v7 =	vor.u32 v7, v8  }
0xac: {  	v8 =	vperm.xlane v7, v4;
	_ =	sdelay $0x1  }
0xad: {  	v7 =	vperm.xlane v7, v6;
	v8 =	vadd.s32 v5, v8;
	_ =	sdelay $0x1  }
0xae: {  	v7 =	vadd.s32 v5, v7;
	_ =	sdelay $0x2  }
0xaf: {  	[tilespmem:s24], [sflag:$0x1] =	stream.indirect_vreg.gather [hbm4b:s5+s9], $0x80, v8, vm0, $0xb8;
	[tilespmem:$0x11B00] =	vst v63  }
0xb0: {  	_ = 	snop  }
0xb1: {  	[tilespmem:s25], [sflag:$0x1] =	stream.indirect_vreg.gather [hbm4b:s5+s9], $0x80, v7, vm0, $0xb8;
	[tilespmem:$0x11B00] =	vst v63  }
0xb2: {  	v7 =	vld [tilespmem:s3+$0x1970];
	_ =	sdelay $0x4  }
0xb3: {  	v8 =	vshll.u32 v7, $0x1  }
0xb4: {  	v7 =	vand.u32 $0x7, v7;
	v8 =	vand.u32 $0xFFFFFFF0, v8  }
0xb5: {  	v7 =	vor.u32 v7, v8  }
0xb6: {  	v8 =	vperm.xlane v7, v4;
	_ =	sdelay $0x1  }
0xb7: {  	v7 =	vperm.xlane v7, v6;
	v8 =	vadd.s32 v5, v8;
	_ =	sdelay $0x1  }
0xb8: {  	v7 =	vadd.s32 v5, v7;
	_ =	sdelay $0x1  }
0xb9: {  	s4 =	sadd.s32 $0x0, s6  }
0xba: {  	[tilespmem:s26], [sflag:$0x1] =	stream.indirect_vreg.gather [hbm4b:s5+s9], $0x80, v8, vm0, $0xb8;
	[tilespmem:$0x11B00] =	vst v63  }
0xbb: {  	v8 =	vmov s4  }
0xbc: {  	[tilespmem:s28], [sflag:$0x1] =	stream.indirect_vreg.gather [hbm4b:s5+s9], $0x80, v7, vm0, $0xb8;
	v7 =	vmov s9;
	[tilespmem:$0x11B00] =	vst v63  }
0xbd: {  	p0 =	sgt.s32 s2, $0x1;
	s3 =	smov.u32 s2;
	_ =	swait.ge [sflag:s29], $0x8000;
	v9 =	vshll.u32 v7, $0x8;
	v7 =	vshll.u32 v7, $0x7  }
0xbe: {  	s3 =	simm.s32 @!p0 $0x1;
	[sflag:s29] =	ssyncset.done $0x0;
	v9 =	vand.u32 $0xFFFFF800, v9;
	v7 =	vand.u32 $0x380, v7  }
0xbf: {  	s3 =	smin.u32 s3, $0x80;
	[sflag:s29] =	ssyncadd.s32 $0xFFFF8000;
	v7 =	vor.u32 v9, v7  }
0xc0: {  	p0 =	sne.s32 s3, $0x1;
	v8 =	vld.idx.msk [tilespmem:v8+s11+$0x0], $0xffff;
	v7 =	vor.u32 v2, v7  }
.Ltmp9:
0xc1: {  	_ = 	snop;
	(pc) =	sbr.rel @!p0 .LBB2_10-.Ltmp9, $2  }
0xc2: {  	_ =	sdelay $0x2  }
0xc3: {  	s9 =	simm.s32 $0x1;
	v7 =	vld.idx.msk [tilespmem:v7+s12+$0x0], $0xffff;
	v8 =	vshll.u32 v8, $0x4  }
.LBB2_9:
0xc4: {  	s4 =	sadd.s32 s9, s6;
	v8 =	vor.u32 v2, v8;
	s0 =	smov.u32 s9;
	s9 =	sadd.s32 $0x1, s9  }
0xc5: {  	v9 =	vmov s4;
	p0 =	sne.s32 s3, s9;
	_ =	sdelay $0x1  }
0xc6: {  	v10 =	vmov s0  }
0xc7: {  	v11 =	vshll.u32 v10, $0x8;
	v10 =	vshll.u32 v10, $0x7  }
0xc8: {  	v11 =	vand.u32 $0xFFFFF800, v11;
	v10 =	vand.u32 $0x380, v10;
	[tilespmem:v8+s30+$0x0] =	vst.idx.add.f32.msk $0xffff, v7  }
0xc9: {  	v7 =	vor.u32 v11, v10;
	v8 =	vld.idx.msk [tilespmem:v9+s11+$0x0], $0xffff  }
0xca: {  	v7 =	vor.u32 v2, v7  }
.Ltmp10:
0xcb: {  	(pc) =	sbr.rel @p0 .LBB2_9-.Ltmp10, $2  }
0xcc: {  	_ =	sdelay $0x2  }
0xcd: {  	v8 =	vshll.u32 v8, $0x4;
	v7 =	vld.idx.msk [tilespmem:v7+s12+$0x0], $0xffff  }
.Ltmp11:
0xce: {  	_ = 	snop;
	(pc) =	sbr.rel .LBB2_10-.Ltmp11, $1  }
0xcf: {  	_ =	sdelay $0x3  }
.LBB2_14:
0xd0: {  	_ =	sfence.sel $0x180000  }
0xd1: {  	[bflag:$0x0] =	sbarrier.arrive $0xFFFF  }
0xd2: {  	_ =	strace $0x9000004A  }
0xd3: {  	s0 =	stileid.u32;
	[bflag:$0x2] =	sbarrier.arrive $0xFFFF  }
0xd4: {  	p0 =	sne.s32 s0, $0x0;
	s0 =	rddreg [dreg:$0x1]  }
0xd5: {  	s0 =	sadd.s32 @!p0 $0x100000, s0  }
0xd6: {  	[sflag:s0] =	ssyncadd.tile.s32 @!p0 $0x1;
	_ =	shalt  }
.Lfunc_end2:
_tile_overlayer_lowered:
.L_overlay_start_2:
0xd7: {  	(tag) =	ssettag $0x2  }
0xd8: {  	s0 =	rddreg [dreg:$0x0];
	s2 =	stileid.u32  }
0xd9: {  	s1 =	rddreg [dreg:$0x1];
	p0 =	sne.s32 s2, $0x0  }
0xda: {  	s3 =	rddreg [dreg:$0x2];
	[bflag:$0x3] =	sbarrier.arrive $0xFFFF;
	s2 =	simm.s32 @!p0 $0x1C02  }
0xdb: {  	[timem:s3], [sflag:s2] =	dma.local @!p0 [hbm:s0], s1  }
0xdc: {  	s0 =	simm.s32 @!p0 $0x2  }
0xdd: {  	_ =	swait.ge @!p0 [sflag:s0], s1  }
0xde: {  	s1 =	ssub.s32 @!p0 $0x0, s1;
	[sflag:s0] =	ssyncset.done @!p0 $0x0  }
0xdf: {  	[sflag:s0] =	ssyncadd.s32 @!p0 s1  }
0xe0: {  	[bflag:$0x3] =	sbarrier.arrive $0xFFFF  }
0xe1: {  	_ =	shalt  }

// kernel: kernel.14.cloned.1.call-start
scs
__scs_entry_jumppad:
0x0: {  	(pc) =	sbr.rel $0x88, $3  }
0x1: {  	(tag) =	ssettag $0x0;
	lr =	simm.s32 $0x1  }
0x2: {  	[smem:$0x3F98] =	sst lr;
	_ =	strace $0xD0000000  }
0x3: {  	_ = 	snop  }
0x4: {  	_ = 	snop  }
0x5: {  	_ = 	snop  }
0x6: {  	_ = 	snop  }
0x7: {  	_ = 	snop  }
__scs_overlays_trampoline_lowered:
0x8: {  	[smem:$0x3FA7] =	sst s0  }
0x9: {  	[smem:$0x3FA8] =	sst s1  }
0xa: {  	[smem:$0x3FA9] =	sst s2  }
0xb: {  	[smem:$0x3FAA] =	sst s3  }
0xc: {  	[smem:$0x3FAB] =	sst s4  }
0xd: {  	[smem:$0x3FAC] =	sst s5  }
0xe: {  	[smem:$0x3FAD] =	sst s6  }
0xf: {  	[smem:$0x3FAE] =	sst s7  }
0x10: {  	[smem:$0x3FAF] =	sst s8  }
0x11: {  	[smem:$0x3FB0] =	sst s9;
	s0 =	simm.s32 @!p0 $0x0  }
0x12: {  	s1 =	sld [smem:$0x3F96];
	s0 =	simm.s32 @p0 $0x1  }
0x13: {  	[smem:$0x3FB1] =	sst s0;
	s0 =	simm.s32 @!p1 $0x0  }
0x14: {  	s2 =	sld [smem:$0x3F95];
	s0 =	simm.s32 @p1 $0x1  }
0x15: {  	[smem:$0x3FB2] =	sst s0;
	s0 =	simm.s32 @!p2 $0x0  }
0x16: {  	s3 =	sld [smem:$0x3FDB];
	s0 =	simm.s32 @p2 $0x1  }
0x17: {  	s4 =	simm.s32 $0x1BF5;
	[smem:$0x3FB4] =	sst s0  }
0x18: {  	s0 =	sld [smem:$0x3F97];
	_ =	swait.ge [sflag:s4], $0x0  }
0x19: {  	s7 =	sld [smem:$0x3F98]  }
0x1a: {  	s8 =	sadd.s32 $0xFFFFE003, lr  }
0x1b: {  	s9 =	sadd.s32 $0xFFFFFEF7, lr;
	s5 =	simm.s32 $0xFFFFFFFF;
	p2 =	slt.u32 s8, $0xFFFFF086  }
0x1c: {  	p1 =	slt.u32 s9, $0xF7A;
	s5 =	simm.s32 @!p2 $0x0  }
0x1d: {  	s5 =	simm.s32 @p1 $0x1;
	p0 =	seq.s32 s7, s2  }
0x1e: {  	s7 =	smul.u32 @!p0 $0xF7A, s2;
	p2 =	seq.s32 @!p0 s5, $0x0  }
0x1f: {  	s9 =	smul.u32 $0xF7A, s1;
	s8 =	simm.s32 @!p0 $0x1BF5;
	p2 =	por !p2, p0  }
0x20: {  	[sflag:s8] =	ssyncset.s32 @!p0 $0xFFFFF086;
	s6 =	sadd.s32 @!p0 s3, s7;
	s7 =	simm.s32 @!p0 $0x108  }
0x21: {  	s3 =	sadd.s32 s3, s9;
	s6 =	sadd.s32 @!p0 $0x88, s6;
	s7 =	simm.s32 @p2 $0x1082  }
0x22: {  	[simem:s7], [sflag:s8] =	dma.local @!p0 [hbm:s6], $0xF7A  }
0x23: {  	s9 =	sor.u32 $0xD0000000, s2;
	s6 =	simm.s32 $0x108;
	_ =	swait.ge @!p0 [sflag:s8], $0x0  }
0x24: {  	s3 =	sadd.s32 $0x88, s3;
	s6 =	simm.s32 @!p1 $0x1082;
	[sflag:s4] =	ssyncset.s32 $0xFFFFF086  }
0x25: {  	[simem:s6], [sflag:s4] =	dma.local [hbm:s3], $0xF7A  }
0x26: {  	[smem:$0x3F98] =	sst s1;
	(tag) =	ssettag s2;
	_ =	strace s9  }
0x27: {  	s1 =	sld [smem:$0x3FA8]  }
0x28: {  	s2 =	sld [smem:$0x3FA9]  }
0x29: {  	s4 =	sld [smem:$0x3FAB]  }
0x2a: {  	p0 =	seq.s32 s5, $0x0;
	s5 =	sld [smem:$0x3FAC]  }
0x2b: {  	s6 =	sld [smem:$0x3FAD]  }
0x2c: {  	s7 =	sld [smem:$0x3FAE]  }
0x2d: {  	s3 =	simm.s32 $0x108;
	s8 =	sld [smem:$0x3FAF]  }
0x2e: {  	s3 =	simm.s32 @!p0 $0x1082;
	s9 =	sld [smem:$0x3FB0]  }
0x2f: {  	lr =	sadd.s32 s0, s3;
	s0 =	sld [smem:$0x3FA7]  }
0x30: {  	s3 =	sld [smem:$0x3FAA]  }
0x31: {  	[smem:$0x3FB3] =	sst s10  }
0x32: {  	s10 =	sld [smem:$0x3FB1];
	_ =	sdelay $0x3  }
0x33: {  	p0 =	seq.s32 s10, $0x1;
	s10 =	sld [smem:$0x3FB3];
	_ =	sdelay $0x3  }
0x34: {  	[smem:$0x3FB3] =	sst s10  }
0x35: {  	s10 =	sld [smem:$0x3FB2];
	_ =	sdelay $0x3  }
0x36: {  	p1 =	seq.s32 s10, $0x1;
	s10 =	sld [smem:$0x3FB3];
	_ =	sdelay $0x3  }
0x37: {  	[smem:$0x3FB3] =	sst s10  }
0x38: {  	s10 =	sld [smem:$0x3FB4]  }
0x39: {  	_ = 	snop;
	(pc) =	sbr.ind lr, $3  }
0x3a: {  	_ = 	snop  }
0x3b: {  	_ = 	snop  }
0x3c: {  	p2 =	seq.s32 s10, $0x1;
	s10 =	sld [smem:$0x3FB3]  }
0x3d: {  	_ =	shalt  }
0x3e: {  	_ =	shalt  }
0x3f: {  	_ =	shalt  }
0x40: {  	_ =	shalt  }
0x41: {  	_ =	shalt  }
0x42: {  	_ =	shalt  }
0x43: {  	_ =	shalt  }
0x44: {  	_ =	shalt  }
0x45: {  	_ =	shalt  }
0x46: {  	_ =	shalt  }
0x47: {  	_ =	shalt  }
0x48: {  	_ =	shalt  }
0x49: {  	_ =	shalt  }
0x4a: {  	_ =	shalt  }
0x4b: {  	_ =	shalt  }
0x4c: {  	_ =	shalt  }
0x4d: {  	_ =	shalt  }
0x4e: {  	_ =	shalt  }
0x4f: {  	_ =	shalt  }
0x50: {  	_ =	shalt  }
0x51: {  	_ =	shalt  }
0x52: {  	_ =	shalt  }
0x53: {  	_ =	shalt  }
0x54: {  	_ =	shalt  }
0x55: {  	_ =	shalt  }
0x56: {  	_ =	shalt  }
0x57: {  	_ =	shalt  }
0x58: {  	_ =	shalt  }
0x59: {  	_ =	shalt  }
0x5a: {  	_ =	shalt  }
0x5b: {  	_ =	shalt  }
0x5c: {  	_ =	shalt  }
0x5d: {  	_ =	shalt  }
0x5e: {  	_ =	shalt  }
0x5f: {  	_ =	shalt  }
0x60: {  	_ =	shalt  }
0x61: {  	_ =	shalt  }
0x62: {  	_ =	shalt  }
0x63: {  	_ =	shalt  }
0x64: {  	_ =	shalt  }
0x65: {  	_ =	shalt  }
0x66: {  	_ =	shalt  }
0x67: {  	_ =	shalt  }
0x68: {  	_ =	shalt  }
0x69: {  	_ =	shalt  }
0x6a: {  	_ =	shalt  }
0x6b: {  	_ =	shalt  }
0x6c: {  	_ =	shalt  }
0x6d: {  	_ =	shalt  }
0x6e: {  	_ =	shalt  }
0x6f: {  	_ =	shalt  }
0x70: {  	_ =	shalt  }
0x71: {  	_ =	shalt  }
0x72: {  	_ =	shalt  }
0x73: {  	_ =	shalt  }
0x74: {  	_ =	shalt  }
0x75: {  	_ =	shalt  }
0x76: {  	_ =	shalt  }
0x77: {  	_ =	shalt  }
0x78: {  	_ =	shalt  }
0x79: {  	_ =	shalt  }
0x7a: {  	_ =	shalt  }
0x7b: {  	_ =	shalt  }
0x7c: {  	_ =	shalt  }
0x7d: {  	_ =	shalt  }
0x7e: {  	_ =	shalt  }
0x7f: {  	_ =	shalt  }
0x80: {  	_ =	shalt  }
0x81: {  	_ =	shalt  }
0x82: {  	_ =	shalt  }
0x83: {  	_ =	shalt  }
0x84: {  	_ =	shalt  }
0x85: {  	_ =	shalt  }
0x86: {  	_ =	shalt  }
0x87: {  	_ =	shalt  }
.Lfunc_end0:
.L_simem_size_0:
called_computation.2_lowered:
.L_overlay_start_0:
0x88: {  	s2 =	sld [smem:$0x3FD9]  }
0x89: {  	s3 =	sld [smem:$0x3FFE];
	_ =	sdelay $0x1  }
0x8a: {  	s1 =	srdreg.scid  }
0x8b: {  	s0 =	sand.u32 $0x1, s1  }
0x8c: {  	s16 =	sshll.u32 s0, $0xA;
	s2 =	sadd.s32 s3, s2  }
0x8d: {  	s2 =	sadd.s32 s2, s16  }
0x8e: {  	[smem:$0x3FBF] =	sst s2  }
0x8f: {  	_ = 	snop  }
0x90: {  	(tm) =	ssettm $0x1  }
0x91: {  	s17 =	sld [smem:$0x3FFB];
	_ =	sdelay $0x3  }
0x92: {  	_ =	strace s17  }
0x93: {  	s2 =	sld [smem:$0x3FFC];
	_ =	sdelay $0x3  }
0x94: {  	_ =	strace s2  }
0x95: {  	s2 =	sld [smem:$0x3FFD];
	_ =	sdelay $0x3  }
0x96: {  	_ =	strace s2  }
0x97: {  	_ =	strace $0x8FFFFFFF  }
0x98: {  	s18 =	sld [smem:$0x3FDB];
	_ =	sdelay $0x1  }
0x99: {  	s19 =	simm.s32 $_scs_section_size  }
0x9a: {  	s4 =	simm.s32 $_size__tile_overlayer_lowered;
	s5 =	simm.s32 $_tile_overlayer_lowered  }
0x9b: {  	s22 =	simm.s32 $0x1BFF;
	s21 =	sshll.u32 s5, $0x1;
	s2 =	sadd.s32 s19, s18  }
0x9c: {  	s6 =	simm.s32 $0x0;
	s20 =	sshll.u32 s4, $0x1;
	s4 =	sadd.s32 s21, s2  }
0x9d: {  	[timem:s6], [sflag:s22] =	dma.local [hbm:s4], s20  }
0x9e: {  	_ =	swait.ge [sflag:s22], s20  }
0x9f: {  	s3 =	ssub.s32 $0x0, s20;
	[sflag:s22] =	ssyncset.done $0x0  }
0xa0: {  	[sflag:s22] =	ssyncadd.s32 s3;
	_ =	sdelay $0x1  }
0xa1: {  	s23 =	simm.s32 $0x1B8B  }
0xa2: {  	_ =	swait.ge [sflag:s23], $0x1  }
0xa3: {  	[sflag:s23] =	ssyncset.done $0x0  }
0xa4: {  	s25 =	simm.s32 $0x1B8E;
	s24 =	sld [smem:$0x3FFE];
	[sflag:s23] =	ssyncadd.s32 $0xFFFFFFFF  }
0xa5: {  	s26 =	simm.s32 $execute0_lowered;
	[smem:$0x3FD2] =	sst s25  }
0xa6: {  	s4 =	sshll.u32 s26, $0x1;
	_ =	strace $0x8000004C;
	[dreg:$0x1] =	wrdreg $0xFFFFFFFF  }
0xa7: {  	s28 =	simm.s32 $_size_execute0_lowered;
	s2 =	sadd.s32 s2, s4;
	[dreg:$0x0] =	wrdreg $0x0  }
0xa8: {  	s4 =	sshll.u32 s28, $0x1;
	[dreg:$0x2] =	wrdreg s2  }
0xa9: {  	[dreg:$0x3] =	wrdreg s4  }
0xaa: {  	[dreg:$0x4] =	wrdreg $0xC0  }
0xab: {  	_ =	task [dreg:s6], $0x5FFFF  }
0xac: {  	[dreg:$0x1] =	wrdreg $0xFFFFFFFF  }
0xad: {  	[dreg:$0x0] =	wrdreg $0x60  }
0xae: {  	[dreg:$0x2] =	wrdreg s24  }
0xaf: {  	[dreg:$0x3] =	wrdreg $0x9  }
0xb0: {  	_ =	task.clear_ibuf [dreg:s6], $0x4FFFF;
	_ =	strace $0x9000004C  }
0xb1: {  	s29 =	simm.s32 $0x9;
	_ =	strace $0x8000004E  }
0xb2: {  	_ =	swait.ge [sflag:s29], $0x1  }
0xb3: {  	[sflag:s29] =	ssyncadd.s32 $0xFFFFFFFF  }
0xb4: {  	_ =	strace $0x9000004E  }
0xb5: {  	_ =	sfence  }
0xb6: {  	s30 =	sld [smem:$0x0];
	_ =	sdelay $0x2  }
0xb7: {  	s31 =	sshll.u32 s1, $0xD;
	s1 =	sshrl.u32 s1, $0x2  }
0xb8: {  	s3 =	sand.u32 $0x4000, s31;
	s1 =	sadd.s32 s1, s30  }
0xb9: {  	s0 =	sor.u32 s3, s0;
	s1 =	sshll.u32 s1, $0x11  }
0xba: {  	s0 =	sor.u32 s1, s0  }
0xbb: {  	s0 =	sadd.s32 $0x8F2B, s0  }
0xbc: {  	[sflag:s0] =	ssyncadd.remote.s32 $0x1  }
0xbd: {  	_ =	sfence.sel $0xFFFF  }
0xbe: {  	[dreg:$0x0] =	wrdreg $0xFFFFFFFF;
	(pc) =	sbr.abs _section_cstart, $3  }
0xbf: {  	[dreg:$0x1] =	wrdreg $0xFFFFFFFF  }
0xc0: {  	_ =	task.clear_ibuf [dreg:s6], $0x2FFFF;
	_ =	strace $0x9FFFFFFF  }
0xc1: {  	(tm) =	ssettm $0x7FFFFFFF  }
tec
execute0_lowered:
.L_overlay_start_1:
0x0: {  	(tag) =	ssettag $0x1  }
0x1: {  	v0 =	vlaneseq.u32;
	v1 =	vimm.f32 $0.0e+00;
	v2 =	vimm.s32 $0x0  }
0x2: {  	vm0 =	vmmov $0xffff;
	vm1 =	vmmov $0xff;
	v4 =	vshrl.u32 v0, $0x3  }
0x3: {  	v3 =	vand.u32 $0x7, v0;
	v6 =	vor.u32 $0x10, v0;
	v7 =	vor.u32 $0x20, v0  }
0x4: {  	s0 =	rddreg [dreg:$0x0];
	s1 =	simm.s32 $0x0;
	v8 =	vor.u32 $0x30, v0;
	v9 =	vor.u32 $0x40, v0;
	v10 =	vor.u32 $0x50, v0  }
0x5: {  	s30 =	srdreg.scid;
	s6 =	stileid.u32;
	s10 =	simm.s32 $0x2;
	v11 =	vor.u32 $0x60, v0;
	v12 =	vor.u32 $0x70, v0;
	v13 =	vor.u32 $0x400, v0  }
0x6: {  	s11 =	simm.s32 $0xC80;
	s12 =	simm.s32 $0x1900;
	s13 =	simm.s32 $0x2680;
	v14 =	vor.u32 $0x80, v0;
	v15 =	vor.u32 $0x410, v0;
	v16 =	vor.u32 $0x90, v0  }
0x7: {  	s14 =	simm.s32 $0x3400;
	s15 =	simm.s32 $0x3C00;
	s16 =	simm.s32 $0x4000;
	v17 =	vor.u32 $0x420, v0;
	v18 =	vor.u32 $0xA0, v0;
	v19 =	vor.u32 $0x430, v0  }
0x8: {  	s17 =	simm.s32 $0x4800;
	s18 =	simm.s32 $0x4C00;
	s19 =	simm.s32 $0x5400;
	v20 =	vor.u32 $0xB0, v0;
	v21 =	vor.u32 $0x440, v0;
	v22 =	vor.u32 $0xC0, v0  }
0x9: {  	s20 =	simm.s32 $0x5800;
	s21 =	simm.s32 $0x6000;
	s22 =	simm.s32 $0x1;
	v23 =	vor.u32 $0x450, v0;
	v24 =	vor.u32 $0xD0, v0;
	v25 =	vor.u32 $0x460, v0  }
0xa: {  	s23 =	simm.s32 $0x6400;
	s28 =	simm.s32 $0x0;
	[smem:$0x7FF] =	sst s1;
	v26 =	vor.u32 $0xE0, v0;
	v27 =	vor.u32 $0x470, v0;
	v28 =	vor.u32 $0xF0, v0  }
0xb: {  	s2 =	sadd.s32 $0x1BA800, s0;
	s1 =	sand.u32 $0x1, s30;
	s3 =	sadd.s32 $0x1600, s0;
	v29 =	vor.u32 $0x800, v0;
	v30 =	vor.u32 $0x100, v0;
	v31 =	vor.u32 $0x810, v0  }
.Ltmp0:
0xc: {  	s4 =	sadd.s32 $0x1D3800, s0;
	v32 =	vor.u32 $0x110, v0;
	v33 =	vor.u32 $0x820, v0;
	[tilespmem:$0x1FFE0] =	vst v3;
	v3 =	vor.u32 $0x8, v0;
	s5 =	ssub.s32 $0x2, s1;
	(pc) =	sbr.rel .LBB2_1-.Ltmp0, $4  }
0xd: {  	s8 =	sadd.s32 $0x4E9800, s0;
	v34 =	vor.u32 $0x120, v0;
	v35 =	vor.u32 $0x830, v0;
	v36 =	vor.u32 $0x130, v0;
	s1 =	sshll.u32 s1, $0x4;
	[tilespmem:$0x1FFF0] =	vst v3;
	s7 =	sshrl.u32 s5, $0x1  }
0xe: {  	v37 =	vor.u32 $0x840, v0;
	v38 =	vor.u32 $0x140, v0;
	v39 =	vor.u32 $0x850, v0;
	s1 =	sor.u32 s6, s1;
	_ =	strace $0x8000004D;
	s5 =	ssub.s32 s5, s7  }
0xf: {  	v40 =	vor.u32 $0x150, v0;
	v41 =	vor.u32 $0x860, v0;
	v42 =	vor.u32 $0x160, v0;
	[dreg:$0x2] =	wrdreg s8;
	s7 =	smul.u32 $0xE8, s1;
	s31 =	smax.u32 s5, $0x1  }
0x10: {  	v43 =	vor.u32 $0x870, v0;
	v44 =	vor.u32 $0x170, v0;
	v4 =	vmul.u32 $0x8, v4;
	s8 =	sadd.s32 $0x1D3900, s0;
	s1 =	simm.s32 $0x0;
	[dreg:$0x3] =	wrdreg s31  }
.LBB2_17:
0x11: {  	s1 =	rddreg [dreg:$0x4]  }
0x12: {  	s0 =	rddreg [dreg:$0x3];
	s1 =	sadd.s32 $0x1, s1  }
0x13: {  	p0 =	sne.s32 s1, s0  }
.Ltmp1:
0x14: {  	_ = 	snop;
	(pc) =	sbr.rel @!p0 .LBB2_18-.Ltmp1, $1  }
0x15: {  	_ =	sdelay $0x3  }
.LBB2_1:
.Ltmp2:
0x16: {  	(pc) =	sbr.rel .LBB2_2-.Ltmp2, $2  }
0x17: {  	_ =	sdelay $0x2  }
0x18: {  	[dreg:$0x4] =	wrdreg s1;
	s25 =	simm.s32 $0x0  }
.LBB2_16:
0x19: {  	s0 =	smul.u32 $0x30, s26;
	s25 =	sadd.s32 $0x1, s25  }
0x1a: {  	s1 =	rddreg [dreg:$0x2];
	p0 =	sne.s32 s25, $0x7  }
.Ltmp3:
0x1b: {  	s31 =	simm.s32 $0x0;
	s0 =	sadd.s32 s1, s0;
	(pc) =	sbr.rel @!p0 .LBB2_17-.Ltmp3, $4  }
0x1c: {  	[hbm4b:s0+s31] =	stream.linear.scatter [tilespmem:s23], [sflag:$0x2], $0x15C00, $0x38;
	[tilespmem:$0x1C180] =	vst v63  }
0x1d: {  	_ =	swait.ge [sflag:s10], $0x15C00  }
0x1e: {  	[sflag:s10] =	ssyncset.done $0x0  }
0x1f: {  	v1 =	vimm.f32 $0.0e+00;
	[sflag:s10] =	ssyncadd.s32 $0xFFFEA400  }
.LBB2_2:
0x20: {  	s0 =	simm.s32 $0x40;
	s1 =	simm.s32 $0x0  }
.LBB2_3:
0x21: {  	p0 =	seq.s32 s0, $0x575C0;
	[tilespmem:s1+$0x6400] =	vst v1;
	s1 =	smov.u32 s0;
	s0 =	sadd.s32 $0x40, s0  }
.Ltmp4:
0x22: {  	(pc) =	sbr.rel @!p0 .LBB2_3-.Ltmp4, $2  }
0x23: {  	_ =	sdelay $0x2  }
0x24: {  	s1 =	sshra.s32 s1, $0x2  }
.Ltmp5:
0x25: {  	(pc) =	sbr.rel .LBB2_5-.Ltmp5, $3  }
0x26: {  	s0 =	smul.u32 $0x1D00, s25;
	_ =	sdelay $0x1  }
0x27: {  	s26 =	sadd.s32 s7, s0  }
0x28: {  	[tilespmem:s1+$0x6400] =	vst v1;
	s29 =	simm.s32 $0x0;
	v45 =	vmov s26  }
.LBB2_15:
0x29: {  	s29 =	sadd.s32 $0x1, s29  }
0x2a: {  	p0 =	sne.s32 s29, $0x100  }
.Ltmp6:
0x2b: {  	_ = 	snop;
	(pc) =	sbr.rel @!p0 .LBB2_16-.Ltmp6, $1  }
0x2c: {  	_ =	sdelay $0x3  }
.LBB2_5:
0x2d: {  	s0 =	smul.u32 $0x190, s29;
	_ =	sdelay $0x1  }
0x2e: {  	s1 =	sadd.s32 s2, s0  }
0x2f: {  	[tilespmem:s28], [sflag:$0x2] =	stream.linear.gather [hbm4b:s1+s28], $0xC80, $0x38;
	[tilespmem:$0x1C180] =	vst v63  }
0x30: {  	_ =	swait.ge [sflag:s10], $0xC80  }
0x31: {  	[sflag:s10] =	ssyncset.done $0x0  }
0x32: {  	s0 =	sadd.s32 s3, s0;
	[sflag:s10] =	ssyncadd.s32 $0xFFFFF380  }
0x33: {  	[tilespmem:s11], [sflag:$0x2] =	stream.linear.gather [hbm4b:s0+s28], $0xC80, $0x38;
	[tilespmem:$0x1C180] =	vst v63  }
0x34: {  	_ =	swait.ge [sflag:s10], $0xC80  }
0x35: {  	[sflag:s10] =	ssyncset.done $0x0  }
0x36: {  	s30 =	simm.s32 $0x0;
	[sflag:s10] =	ssyncadd.s32 $0xFFFFF380  }
0x37: {  	v46 =	vld [tilespmem:s30+$0xC80];
	_ =	sdelay $0x4  }
0x38: {  	v46 =	vsub.s32 v46, v45  }
0x39: {  	vm2 =	vlt.u32 v46, $0xE8  }
0x3a: {  	v47 =	vsel vm2, $0x1, v2  }
0x3b: {  	(xrf0) =	vadd.scan.msk.s32 $0xffff, v47;
	_ =	sdelay $0x5  }
0x3c: {  	s31 =	simm.s32 $0xFFFFFFFF;
	v47, _, _ =	vpop (xrf0)  }
0x3d: {  	v48 =	vadd.s32 s31, v47;
	(v2sf) =	vpush v47, $0xF  }
0x3e: {  	v49 =	vld [tilespmem:s30+$0x0];
	v48 =	vnsel vm2, $0xD08, v48;
	_ =	sdelay $0x4  }
0x3f: {  	[tilespmem:v48+s12+$0x0] =	vst.idx.msk $0xffff, v49  }
0x40: {  	s5 =	simm.s32 $0x80;
	s1 =	simm.s32 $0x10;
	s0 =	simm.s32 $0x0;
	[tilespmem:v48+s13+$0x0] =	vst.idx.msk $0xffff, v46  }
.LBB2_6:
0x41: {  	p0 =	sne.s32 s5, $0x31C0;
	v46 =	vld [tilespmem:s1+$0xC80];
	_ =	sdelay $0x4  }
0x42: {  	v46 =	vsub.s32 v46, v45  }
0x43: {  	vm2 =	vlt.u32 v46, $0xE8  }
0x44: {  	v47 =	vsel vm2, $0x1, v2;
	s9 =	spop (v2sf)  }
0x45: {  	(xrf0) =	vadd.scan.msk.s32 $0xffff, v47;
	s0 =	sadd.s32 s0, s9  }
0x46: {  	s9 =	sadd.s32 $0xFFFFFFFF, s0;
	_ =	sdelay $0x4  }
0x47: {  	v47, _, _ =	vpop (xrf0)  }
0x48: {  	v48 =	vadd.s32 s9, v47;
	(v2sf) =	vpush v47, $0xF  }
0x49: {  	v47 =	vnsel vm2, $0xD08, v48;
	v48 =	vld [tilespmem:s1+$0x0];
	_ =	sdelay $0x1  }
.Ltmp7:
0x4a: {  	(pc) =	sbr.rel @p0 .LBB2_6-.Ltmp7, $3  }
0x4b: {  	_ =	sdelay $0x1  }
0x4c: {  	[tilespmem:v47+s12+$0x0] =	vst.idx.msk $0xffff, v48  }
0x4d: {  	s1 =	sshra.s32 s5, $0x2;
	s5 =	sadd.s32 $0x40, s5;
	[tilespmem:v47+s13+$0x0] =	vst.idx.msk $0xffff, v46  }
0x4e: {  	v46 =	vld [tilespmem:s1+$0xC80];
	_ =	sdelay $0x4  }
0x4f: {  	v46 =	vsub.s32 v46, v45  }
0x50: {  	vm2 =	vlt.u32 v46, $0xE8  }
0x51: {  	v47 =	vsel vm2, $0x1, v2  }
0x52: {  	(xrf0) =	vadd.scan.msk.s32 $0xffff, v47;
	_ =	sdelay $0x5  }
0x53: {  	v47, _, _ =	vpop (xrf0)  }
0x54: {  	(v2sf) =	vpush v47, $0xF;
	_ =	sdelay $0x5  }
0x55: {  	s5 =	spop (v2sf)  }
0x56: {  	s0 =	sadd.s32 s0, s5  }
0x57: {  	s5 =	sadd.s32 $0xFFFFFFFF, s0  }
0x58: {  	v47 =	vadd.s32 s5, v47  }
0x59: {  	v48 =	vld [tilespmem:s1+$0x0];
	v47 =	vnsel vm2, $0xD08, v47;
	_ =	sdelay $0x3  }
.Ltmp8:
0x5a: {  	_ = 	snop;
	(pc) =	sbr.rel .LBB2_8-.Ltmp8, $4  }
0x5b: {  	[tilespmem:v47+s12+$0x0] =	vst.idx.msk $0xffff, v48;
	s24 =	spop (v2sf)  }
0x5c: {  	[tilespmem:v47+s13+$0x0] =	vst.idx.msk $0xffff, v46;
	s0 =	sadd.s32 s0, s24  }
0x5d: {  	[tilespmem:s0+$0x1900] =	vst v2  }
0x5e: {  	s31 =	simm.s32 $0x0;
	s5 =	simm.s32 $0x0;
	[tilespmem:s0+$0x1910] =	vst v2;
	s30 =	smov.u32 s0  }
.LBB2_10:
0x5f: {  	_ = 	snop  }
.LBB2_13:
0x60: {  	_ =	sdelay $0x3  }
0x61: {  	v1 =	vmul.u32 $0xC00, v50;
	[tilespmem:v49+s23+$0x0] =	vst.idx.add.f32.msk @p0 $0xffff, v48  }
0x62: {  	v5 =	vand.u32 $0x380, v47;
	v3 =	vld.idx.msk [tilespmem:v46+s13+$0x0], $0xffff  }
0x63: {  	v1 =	vor.u32 v5, v1  }
0x64: {  	v5 =	vor.u32 v0, v1;
	_ =	sdelay $0x2  }
0x65: {  	v3 =	vmul.u32 $0x180, v3;
	_ =	sdelay $0x1  }
0x66: {  	v5 =	vld.idx.msk [tilespmem:v5+s14+$0x0], $0xffff;
	v57 =	vor.u32 v0, v3  }
0x67: {  	v58 =	vor.u32 v6, v1;
	_ =	sdelay $0x3  }
0x68: {  	[tilespmem:v57+s23+$0x0] =	vst.idx.add.f32.msk $0xffff, v5  }
0x69: {  	v59 =	vor.u32 v6, v3;
	v5 =	vld.idx.msk [tilespmem:v58+s14+$0x0], $0xffff  }
0x6a: {  	v60 =	vor.u32 v7, v1;
	_ =	sdelay $0x3  }
0x6b: {  	[tilespmem:v59+s23+$0x0] =	vst.idx.add.f32.msk $0xffff, v5  }
0x6c: {  	v61 =	vor.u32 v7, v3;
	v5 =	vld.idx.msk [tilespmem:v60+s14+$0x0], $0xffff  }
0x6d: {  	v62 =	vor.u32 v8, v1;
	_ =	sdelay $0x3  }
0x6e: {  	[tilespmem:v61+s23+$0x0] =	vst.idx.add.f32.msk $0xffff, v5  }
0x6f: {  	v63 =	vor.u32 v8, v3;
	v5 =	vld.idx.msk [tilespmem:v62+s14+$0x0], $0xffff  }
0x70: {  	v48 =	vor.u32 v9, v1;
	_ =	sdelay $0x3  }
0x71: {  	[tilespmem:v63+s23+$0x0] =	vst.idx.add.f32.msk $0xffff, v5  }
0x72: {  	v49 =	vor.u32 v9, v3;
	v5 =	vld.idx.msk [tilespmem:v48+s14+$0x0], $0xffff  }
0x73: {  	v50 =	vor.u32 v10, v1;
	_ =	sdelay $0x3  }
0x74: {  	[tilespmem:v49+s23+$0x0] =	vst.idx.add.f32.msk $0xffff, v5  }
0x75: {  	v51 =	vor.u32 v10, v3;
	v5 =	vld.idx.msk [tilespmem:v50+s14+$0x0], $0xffff  }
0x76: {  	v52 =	vor.u32 v11, v1;
	_ =	sdelay $0x3  }
0x77: {  	[tilespmem:v51+s23+$0x0] =	vst.idx.add.f32.msk $0xffff, v5  }
0x78: {  	v53 =	vor.u32 v11, v3;
	v5 =	vld.idx.msk [tilespmem:v52+s14+$0x0], $0xffff  }
0x79: {  	v54 =	vor.u32 v12, v1;
	_ =	sdelay $0x3  }
0x7a: {  	[tilespmem:v53+s23+$0x0] =	vst.idx.add.f32.msk $0xffff, v5  }
0x7b: {  	v55 =	vor.u32 v12, v3;
	v5 =	vld.idx.msk [tilespmem:v54+s14+$0x0], $0xffff  }
0x7c: {  	v56 =	vadd.s32 v13, v1;
	_ =	sdelay $0x2  }
0x7d: {  	v57 =	vadd.s32 v14, v3  }
0x7e: {  	v48 =	vand.u32 $0xFFFFFF80, v57;
	[tilespmem:v55+s23+$0x0] =	vst.idx.add.f32.msk $0xffff, v5  }
0x7f: {  	v58 =	vor.u32 v0, v48;
	v5 =	vld.idx.msk [tilespmem:v56+s14+$0x0], $0xffff  }
0x80: {  	v59 =	vadd.s32 v15, v1;
	_ =	sdelay $0x2  }
0x81: {  	v60 =	vadd.s32 v16, v3  }
0x82: {  	v48 =	vand.u32 $0xFFFFFF80, v60;
	[tilespmem:v58+s23+$0x0] =	vst.idx.add.f32.msk $0xffff, v5  }
0x83: {  	v61 =	vor.u32 v6, v48;
	v5 =	vld.idx.msk [tilespmem:v59+s14+$0x0], $0xffff  }
0x84: {  	v62 =	vadd.s32 v17, v1;
	_ =	sdelay $0x2  }
0x85: {  	v63 =	vadd.s32 v18, v3  }
0x86: {  	v48 =	vand.u32 $0xFFFFFF80, v63;
	[tilespmem:v61+s23+$0x0] =	vst.idx.add.f32.msk $0xffff, v5  }
0x87: {  	v52 =	vor.u32 v7, v48;
	v5 =	vld.idx.msk [tilespmem:v62+s14+$0x0], $0xffff  }
0x88: {  	v53 =	vadd.s32 v19, v1;
	_ =	sdelay $0x2  }
0x89: {  	v54 =	vadd.s32 v20, v3  }
0x8a: {  	v48 =	vand.u32 $0xFFFFFF80, v54;
	[tilespmem:v52+s23+$0x0] =	vst.idx.add.f32.msk $0xffff, v5  }
0x8b: {  	v55 =	vor.u32 v8, v48;
	v5 =	vld.idx.msk [tilespmem:v53+s14+$0x0], $0xffff  }
0x8c: {  	v56 =	vadd.s32 v21, v1;
	_ =	sdelay $0x2  }
0x8d: {  	v57 =	vadd.s32 v22, v3  }
0x8e: {  	v48 =	vand.u32 $0xFFFFFF80, v57;
	[tilespmem:v55+s23+$0x0] =	vst.idx.add.f32.msk $0xffff, v5  }
0x8f: {  	v58 =	vor.u32 v9, v48;
	v5 =	vld.idx.msk [tilespmem:v56+s14+$0x0], $0xffff  }
0x90: {  	v59 =	vadd.s32 v23, v1;
	_ =	sdelay $0x2  }
0x91: {  	v60 =	vadd.s32 v24, v3  }
0x92: {  	[tilespmem:v58+s23+$0x0] =	vst.idx.add.f32.msk $0xffff, v5;
	v5 =	vand.u32 $0xFFFFFF80, v60  }
0x93: {  	v46 =	vld.idx.msk [tilespmem:v59+s14+$0x0], $0xffff;
	v5 =	vor.u32 v10, v5  }
0x94: {  	v61 =	vadd.s32 v25, v1;
	_ =	sdelay $0x2  }
0x95: {  	v62 =	vadd.s32 v26, v3  }
0x96: {  	v48 =	vand.u32 $0xFFFFFF80, v62;
	[tilespmem:v5+s23+$0x0] =	vst.idx.add.f32.msk $0xffff, v46  }
0x97: {  	v63 =	vor.u32 v11, v48;
	v5 =	vld.idx.msk [tilespmem:v61+s14+$0x0], $0xffff  }
0x98: {  	v52 =	vadd.s32 v27, v1;
	_ =	sdelay $0x2  }
0x99: {  	v53 =	vadd.s32 v28, v3  }
0x9a: {  	v48 =	vand.u32 $0xFFFFFF80, v53;
	[tilespmem:v63+s23+$0x0] =	vst.idx.add.f32.msk $0xffff, v5  }
0x9b: {  	v54 =	vor.u32 v12, v48;
	v5 =	vld.idx.msk [tilespmem:v52+s14+$0x0], $0xffff  }
0x9c: {  	v55 =	vadd.s32 v29, v1;
	_ =	sdelay $0x2  }
0x9d: {  	v56 =	vadd.s32 v30, v3  }
0x9e: {  	v48 =	vand.u32 $0xFFFFFF80, v56;
	[tilespmem:v54+s23+$0x0] =	vst.idx.add.f32.msk $0xffff, v5  }
0x9f: {  	v57 =	vor.u32 v0, v48;
	v5 =	vld.idx.msk [tilespmem:v55+s14+$0x0], $0xffff  }
0xa0: {  	v58 =	vadd.s32 v31, v1;
	_ =	sdelay $0x2  }
0xa1: {  	v59 =	vadd.s32 v32, v3  }
0xa2: {  	v48 =	vand.u32 $0xFFFFFF80, v59;
	[tilespmem:v57+s23+$0x0] =	vst.idx.add.f32.msk $0xffff, v5  }
0xa3: {  	v60 =	vor.u32 v6, v48;
	v5 =	vld.idx.msk [tilespmem:v58+s14+$0x0], $0xffff  }
0xa4: {  	v61 =	vadd.s32 v33, v1;
	_ =	sdelay $0x2  }
0xa5: {  	v62 =	vadd.s32 v34, v3  }
0xa6: {  	v48 =	vand.u32 $0xFFFFFF80, v62;
	[tilespmem:v60+s23+$0x0] =	vst.idx.add.f32.msk $0xffff, v5  }
0xa7: {  	v63 =	vor.u32 v7, v48;
	v5 =	vld.idx.msk [tilespmem:v61+s14+$0x0], $0xffff  }
0xa8: {  	v52 =	vadd.s32 v35, v1;
	_ =	sdelay $0x2  }
0xa9: {  	v53 =	vadd.s32 v36, v3  }
0xaa: {  	v48 =	vand.u32 $0xFFFFFF80, v53;
	[tilespmem:v63+s23+$0x0] =	vst.idx.add.f32.msk $0xffff, v5  }
0xab: {  	v54 =	vor.u32 v8, v48;
	v5 =	vld.idx.msk [tilespmem:v52+s14+$0x0], $0xffff  }
0xac: {  	v55 =	vadd.s32 v37, v1;
	_ =	sdelay $0x2  }
0xad: {  	v56 =	vadd.s32 v38, v3  }
0xae: {  	v48 =	vand.u32 $0xFFFFFF80, v56;
	[tilespmem:v54+s23+$0x0] =	vst.idx.add.f32.msk $0xffff, v5  }
0xaf: {  	v57 =	vor.u32 v9, v48;
	v5 =	vld.idx.msk [tilespmem:v55+s14+$0x0], $0xffff  }
0xb0: {  	v58 =	vadd.s32 v39, v1;
	_ =	sdelay $0x2  }
0xb1: {  	v59 =	vadd.s32 v40, v3  }
0xb2: {  	v48 =	vand.u32 $0xFFFFFF80, v59;
	[tilespmem:v57+s23+$0x0] =	vst.idx.add.f32.msk $0xffff, v5  }
0xb3: {  	v60 =	vor.u32 v10, v48;
	v5 =	vld.idx.msk [tilespmem:v58+s14+$0x0], $0xffff  }
0xb4: {  	v61 =	vadd.s32 v41, v1;
	_ =	sdelay $0x2  }
0xb5: {  	v62 =	vadd.s32 v42, v3  }
0xb6: {  	v48 =	vand.u32 $0xFFFFFF80, v62;
	[tilespmem:v60+s23+$0x0] =	vst.idx.add.f32.msk $0xffff, v5  }
0xb7: {  	v63 =	vor.u32 v11, v48;
	v5 =	vld.idx.msk [tilespmem:v61+s14+$0x0], $0xffff  }
0xb8: {  	v1 =	vadd.s32 v43, v1;
	_ =	sdelay $0x2  }
0xb9: {  	v3 =	vadd.s32 v44, v3  }
0xba: {  	v3 =	vand.u32 $0xFFFFFF80, v3;
	[tilespmem:v63+s23+$0x0] =	vst.idx.add.f32.msk $0xffff, v5  }
0xbb: {  	v3 =	vor.u32 v12, v3;
	v1 =	vld.idx.msk [tilespmem:v1+s14+$0x0], $0xffff;
	_ =	sdelay $0x4  }
0xbc: {  	[tilespmem:v3+s23+$0x0] =	vst.idx.add.f32.msk $0xffff, v1  }
.LBB2_14:
0xbd: {  	s5 =	sadd.s32 $0x1, s5  }
0xbe: {  	p0 =	sne.s32 s5, $0x64  }
.Ltmp9:
0xbf: {  	_ = 	snop;
	(pc) =	sbr.rel @!p0 .LBB2_15-.Ltmp9, $2  }
0xc0: {  	_ =	sdelay $0x2  }
0xc1: {  	s30 =	sadd.s32 $0xFFFFFFE0, s30;
	s31 =	sadd.s32 $0x20, s31  }
.LBB2_8:
0xc2: {  	s1 =	sshll.u32 s5, $0x5  }
0xc3: {  	p0 =	sge.s32 s1, s0  }
.Ltmp10:
0xc4: {  	_ = 	snop;
	(pc) =	sbr.rel @p0 .LBB2_14-.Ltmp10, $1  }
0xc5: {  	_ =	sdelay $0x3  }
0xc6: {  	v46 =	vld [tilespmem:s1+$0x1900];
	_ =	sdelay $0x3  }
0xc7: {  	v1 =	vld [tilespmem:$0x1FFE0]  }
0xc8: {  	v47 =	vshrl.u32 v46, $0x3  }
0xc9: {  	v47 =	vmul.u32 $0x18, v47  }
0xca: {  	v46 =	vand.u32 $0x7, v46  }
0xcb: {  	v3 =	vld [tilespmem:$0x1FFF0];
	v46 =	vor.u32 v46, v47  }
0xcc: {  	v47 =	vperm.xlane v46, v1;
	_ =	sdelay $0x1  }
0xcd: {  	v47 =	vadd.s32 v4, v47;
	_ =	sdelay $0x1  }
0xce: {  	v46 =	vperm.xlane v46, v3;
	_ =	sdelay $0x1  }
0xcf: {  	s24 =	simm.s32 $0x0;
	v46 =	vadd.s32 v4, v46  }
0xd0: {  	[tilespmem:s14], [sflag:$0x1] =	stream.indirect_vreg.gather [hbm4b:s4+s24], $0x80, v47, vm0, $0xb8;
	[tilespmem:$0x1C180] =	vst v63  }
0xd1: {  	_ = 	snop  }
0xd2: {  	[tilespmem:s15], [sflag:$0x1] =	stream.indirect_vreg.gather [hbm4b:s8+s24], $0x80, v47, vm1, $0xb8;
	[tilespmem:$0x1C180] =	vst v63  }
0xd3: {  	_ = 	snop  }
0xd4: {  	[tilespmem:s16], [sflag:$0x1] =	stream.indirect_vreg.gather [hbm4b:s4+s24], $0x80, v46, vm0, $0xb8;
	[tilespmem:$0x1C180] =	vst v63  }
0xd5: {  	_ = 	snop  }
0xd6: {  	[tilespmem:s17], [sflag:$0x1] =	stream.indirect_vreg.gather [hbm4b:s8+s24], $0x80, v46, vm1, $0xb8;
	[tilespmem:$0x1C180] =	vst v63  }
0xd7: {  	v46 =	vld [tilespmem:s1+$0x1910];
	_ =	sdelay $0x4  }
0xd8: {  	v62 =	vshrl.u32 v46, $0x3  }
0xd9: {  	v47 =	vmul.u32 $0x18, v62  }
0xda: {  	v46 =	vand.u32 $0x7, v46  }
0xdb: {  	v46 =	vor.u32 v46, v47  }
0xdc: {  	v47 =	vperm.xlane v46, v1;
	_ =	sdelay $0x1  }
0xdd: {  	v47 =	vadd.s32 v4, v47;
	_ =	sdelay $0x1  }
0xde: {  	v46 =	vperm.xlane v46, v3  }
0xdf: {  	p0 =	sgt.s32 s30, $0x1;
	s1 =	smov.u32 s30  }
0xe0: {  	s1 =	simm.s32 @!p0 $0x1;
	v46 =	vadd.s32 v4, v46  }
0xe1: {  	[tilespmem:s18], [sflag:$0x1] =	stream.indirect_vreg.gather [hbm4b:s4+s24], $0x80, v47, vm0, $0xb8;
	[tilespmem:$0x1C180] =	vst v63  }
0xe2: {  	s9 =	smin.u32 s1, $0x20  }
0xe3: {  	[tilespmem:s19], [sflag:$0x1] =	stream.indirect_vreg.gather [hbm4b:s8+s24], $0x80, v47, vm1, $0xb8;
	[tilespmem:$0x1C180] =	vst v63  }
0xe4: {  	p1 =	sne.s32 s9, $0x1  }
0xe5: {  	[tilespmem:s20], [sflag:$0x1] =	stream.indirect_vreg.gather [hbm4b:s4+s24], $0x80, v46, vm0, $0xb8;
	[tilespmem:$0x1C180] =	vst v63  }
.Ltmp11:
0xe6: {  	_ = 	snop;
	(pc) =	sbr.rel @!p1 .LBB2_10-.Ltmp11, $4  }
0xe7: {  	[tilespmem:s21], [sflag:$0x1] =	stream.indirect_vreg.gather [hbm4b:s8+s24], $0x80, v46, vm1, $0xb8;
	[tilespmem:$0x1C180] =	vst v63  }
0xe8: {  	_ =	swait.ge [sflag:s22], $0x3000  }
0xe9: {  	s6 =	sadd.s32 $0x0, s31;
	v63 =	vmov s24;
	[sflag:s22] =	ssyncset.done $0x0  }
0xea: {  	v50 =	vshrl.u32 v63, $0x3;
	p0 =	por $0x0, $0x0;
	s1 =	simm.s32 $0x1;
	v47 =	vshll.u32 v63, $0x7;
	v46 =	vmov s6;
	[sflag:s22] =	ssyncadd.s32 $0xFFFFD000  }
0xeb: {  	_ =	sdelay $0x2  }
0xec: {  	v48 =	vmul.u32 $0xC00, v50  }
0xed: {  	v46 =	vld.idx.msk [tilespmem:v46+s13+$0x0], $0xffff;
	v47 =	vand.u32 $0x380, v47  }
0xee: {  	v47 =	vor.u32 v47, v48  }
0xef: {  	v48 =	vor.u32 v0, v47;
	_ =	sdelay $0x2  }
0xf0: {  	v46 =	vmul.u32 $0x180, v46;
	_ =	sdelay $0x1  }
0xf1: {  	v49 =	vor.u32 v0, v46;
	v48 =	vld.idx.msk [tilespmem:v48+s14+$0x0], $0xffff  }
0xf2: {  	v57 =	vor.u32 v6, v47;
	_ =	sdelay $0x3  }
0xf3: {  	[tilespmem:v49+s23+$0x0] =	vst.idx.add.f32.msk $0xffff, v48  }
0xf4: {  	v58 =	vor.u32 v6, v46;
	v48 =	vld.idx.msk [tilespmem:v57+s14+$0x0], $0xffff  }
0xf5: {  	v59 =	vor.u32 v7, v47;
	_ =	sdelay $0x3  }
0xf6: {  	[tilespmem:v58+s23+$0x0] =	vst.idx.add.f32.msk $0xffff, v48  }
0xf7: {  	v60 =	vor.u32 v7, v46;
	v48 =	vld.idx.msk [tilespmem:v59+s14+$0x0], $0xffff  }
0xf8: {  	v61 =	vor.u32 v8, v47;
	_ =	sdelay $0x3  }
0xf9: {  	[tilespmem:v60+s23+$0x0] =	vst.idx.add.f32.msk $0xffff, v48  }
0xfa: {  	v62 =	vor.u32 v8, v46;
	v48 =	vld.idx.msk [tilespmem:v61+s14+$0x0], $0xffff  }
0xfb: {  	v63 =	vor.u32 v9, v47;
	_ =	sdelay $0x3  }
0xfc: {  	[tilespmem:v62+s23+$0x0] =	vst.idx.add.f32.msk $0xffff, v48  }
0xfd: {  	v52 =	vor.u32 v9, v46;
	v48 =	vld.idx.msk [tilespmem:v63+s14+$0x0], $0xffff  }
0xfe: {  	v53 =	vor.u32 v10, v47;
	_ =	sdelay $0x3  }
0xff: {  	[tilespmem:v52+s23+$0x0] =	vst.idx.add.f32.msk $0xffff, v48  }
0x100: {  	v54 =	vor.u32 v10, v46;
	v48 =	vld.idx.msk [tilespmem:v53+s14+$0x0], $0xffff  }
0x101: {  	v55 =	vor.u32 v11, v47;
	_ =	sdelay $0x3  }
0x102: {  	[tilespmem:v54+s23+$0x0] =	vst.idx.add.f32.msk $0xffff, v48  }
0x103: {  	v56 =	vor.u32 v11, v46;
	v48 =	vld.idx.msk [tilespmem:v55+s14+$0x0], $0xffff  }
0x104: {  	v57 =	vor.u32 v12, v47;
	_ =	sdelay $0x3  }
0x105: {  	[tilespmem:v56+s23+$0x0] =	vst.idx.add.f32.msk $0xffff, v48  }
0x106: {  	v58 =	vor.u32 v12, v46;
	v48 =	vld.idx.msk [tilespmem:v57+s14+$0x0], $0xffff  }
0x107: {  	v59 =	vadd.s32 v13, v47;
	_ =	sdelay $0x2  }
0x108: {  	v51 =	vadd.s32 v14, v46  }
0x109: {  	v51 =	vand.u32 $0xFFFFFF80, v51;
	[tilespmem:v58+s23+$0x0] =	vst.idx.add.f32.msk $0xffff, v48  }
0x10a: {  	v60 =	vor.u32 v0, v51;
	v48 =	vld.idx.msk [tilespmem:v59+s14+$0x0], $0xffff  }
0x10b: {  	v61 =	vadd.s32 v15, v47;
	_ =	sdelay $0x2  }
0x10c: {  	v62 =	vadd.s32 v16, v46  }
0x10d: {  	v51 =	vand.u32 $0xFFFFFF80, v62;
	[tilespmem:v60+s23+$0x0] =	vst.idx.add.f32.msk $0xffff, v48  }
0x10e: {  	v63 =	vor.u32 v6, v51;
	v48 =	vld.idx.msk [tilespmem:v61+s14+$0x0], $0xffff  }
0x10f: {  	v54 =	vadd.s32 v17, v47;
	_ =	sdelay $0x2  }
0x110: {  	v55 =	vadd.s32 v18, v46  }
0x111: {  	v51 =	vand.u32 $0xFFFFFF80, v55;
	[tilespmem:v63+s23+$0x0] =	vst.idx.add.f32.msk $0xffff, v48  }
0x112: {  	v56 =	vor.u32 v7, v51;
	v48 =	vld.idx.msk [tilespmem:v54+s14+$0x0], $0xffff  }
0x113: {  	v57 =	vadd.s32 v19, v47;
	_ =	sdelay $0x2  }
0x114: {  	v58 =	vadd.s32 v20, v46  }
0x115: {  	v51 =	vand.u32 $0xFFFFFF80, v58;
	[tilespmem:v56+s23+$0x0] =	vst.idx.add.f32.msk $0xffff, v48  }
0x116: {  	v59 =	vor.u32 v8, v51;
	v48 =	vld.idx.msk [tilespmem:v57+s14+$0x0], $0xffff  }
0x117: {  	v60 =	vadd.s32 v21, v47;
	_ =	sdelay $0x2  }
0x118: {  	v61 =	vadd.s32 v22, v46  }
0x119: {  	v51 =	vand.u32 $0xFFFFFF80, v61;
	[tilespmem:v59+s23+$0x0] =	vst.idx.add.f32.msk $0xffff, v48  }
0x11a: {  	v62 =	vor.u32 v9, v51;
	v48 =	vld.idx.msk [tilespmem:v60+s14+$0x0], $0xffff  }
0x11b: {  	v63 =	vadd.s32 v23, v47;
	_ =	sdelay $0x2  }
0x11c: {  	v54 =	vadd.s32 v24, v46  }
0x11d: {  	v55 =	vand.u32 $0xFFFFFF80, v54;
	[tilespmem:v62+s23+$0x0] =	vst.idx.add.f32.msk $0xffff, v48  }
0x11e: {  	v48 =	vor.u32 v10, v55;
	v49 =	vld.idx.msk [tilespmem:v63+s14+$0x0], $0xffff  }
0x11f: {  	v56 =	vadd.s32 v25, v47;
	_ =	sdelay $0x2  }
0x120: {  	v57 =	vadd.s32 v26, v46  }
0x121: {  	v51 =	vand.u32 $0xFFFFFF80, v57;
	[tilespmem:v48+s23+$0x0] =	vst.idx.add.f32.msk $0xffff, v49  }
0x122: {  	v58 =	vor.u32 v11, v51;
	v48 =	vld.idx.msk [tilespmem:v56+s14+$0x0], $0xffff  }
0x123: {  	v59 =	vadd.s32 v27, v47;
	_ =	sdelay $0x2  }
0x124: {  	v60 =	vadd.s32 v28, v46  }
0x125: {  	v51 =	vand.u32 $0xFFFFFF80, v60;
	[tilespmem:v58+s23+$0x0] =	vst.idx.add.f32.msk $0xffff, v48  }
0x126: {  	v61 =	vor.u32 v12, v51;
	v48 =	vld.idx.msk [tilespmem:v59+s14+$0x0], $0xffff  }
0x127: {  	v62 =	vadd.s32 v29, v47;
	_ =	sdelay $0x2  }
0x128: {  	v63 =	vadd.s32 v30, v46  }
0x129: {  	v51 =	vand.u32 $0xFFFFFF80, v63;
	[tilespmem:v61+s23+$0x0] =	vst.idx.add.f32.msk $0xffff, v48  }
0x12a: {  	v54 =	vor.u32 v0, v51;
	v48 =	vld.idx.msk [tilespmem:v62+s14+$0x0], $0xffff  }
0x12b: {  	v55 =	vadd.s32 v31, v47;
	_ =	sdelay $0x2  }
0x12c: {  	v56 =	vadd.s32 v32, v46  }
0x12d: {  	v51 =	vand.u32 $0xFFFFFF80, v56;
	[tilespmem:v54+s23+$0x0] =	vst.idx.add.f32.msk $0xffff, v48  }
0x12e: {  	v57 =	vor.u32 v6, v51;
	v48 =	vld.idx.msk [tilespmem:v55+s14+$0x0], $0xffff  }
0x12f: {  	v58 =	vadd.s32 v33, v47;
	_ =	sdelay $0x2  }
0x130: {  	v59 =	vadd.s32 v34, v46  }
0x131: {  	v51 =	vand.u32 $0xFFFFFF80, v59;
	[tilespmem:v57+s23+$0x0] =	vst.idx.add.f32.msk $0xffff, v48  }
0x132: {  	v60 =	vor.u32 v7, v51;
	v48 =	vld.idx.msk [tilespmem:v58+s14+$0x0], $0xffff  }
0x133: {  	v61 =	vadd.s32 v35, v47;
	_ =	sdelay $0x2  }
0x134: {  	v62 =	vadd.s32 v36, v46  }
0x135: {  	v51 =	vand.u32 $0xFFFFFF80, v62;
	[tilespmem:v60+s23+$0x0] =	vst.idx.add.f32.msk $0xffff, v48  }
0x136: {  	v63 =	vor.u32 v8, v51;
	v48 =	vld.idx.msk [tilespmem:v61+s14+$0x0], $0xffff  }
0x137: {  	v54 =	vadd.s32 v37, v47;
	_ =	sdelay $0x2  }
0x138: {  	v55 =	vadd.s32 v38, v46  }
0x139: {  	v51 =	vand.u32 $0xFFFFFF80, v55;
	[tilespmem:v63+s23+$0x0] =	vst.idx.add.f32.msk $0xffff, v48  }
0x13a: {  	v56 =	vor.u32 v9, v51;
	v48 =	vld.idx.msk [tilespmem:v54+s14+$0x0], $0xffff  }
0x13b: {  	v57 =	vadd.s32 v39, v47;
	_ =	sdelay $0x2  }
0x13c: {  	v58 =	vadd.s32 v40, v46  }
0x13d: {  	v51 =	vand.u32 $0xFFFFFF80, v58;
	[tilespmem:v56+s23+$0x0] =	vst.idx.add.f32.msk $0xffff, v48  }
0x13e: {  	v59 =	vor.u32 v10, v51;
	v48 =	vld.idx.msk [tilespmem:v57+s14+$0x0], $0xffff  }
0x13f: {  	v60 =	vadd.s32 v41, v47;
	_ =	sdelay $0x2  }
0x140: {  	v61 =	vadd.s32 v42, v46  }
0x141: {  	v51 =	vand.u32 $0xFFFFFF80, v61;
	[tilespmem:v59+s23+$0x0] =	vst.idx.add.f32.msk $0xffff, v48  }
0x142: {  	v62 =	vor.u32 v11, v51;
	v48 =	vld.idx.msk [tilespmem:v60+s14+$0x0], $0xffff  }
0x143: {  	v47 =	vadd.s32 v43, v47;
	_ =	sdelay $0x2  }
0x144: {  	v46 =	vadd.s32 v44, v46  }
0x145: {  	p1 =	sne.s32 s9, $0x2;
	v46 =	vand.u32 $0xFFFFFF80, v46;
	[tilespmem:v62+s23+$0x0] =	vst.idx.add.f32.msk $0xffff, v48  }
.Ltmp12:
0x146: {  	s6 =	sadd.s32 $0x1, s31;
	v49 =	vor.u32 v12, v46;
	v48 =	vld.idx.msk [tilespmem:v47+s14+$0x0], $0xffff;
	(pc) =	sbr.rel @!p1 .LBB2_13-.Ltmp12, $3  }
0x147: {  	v46 =	vmov s6;
	_ =	sdelay $0x1  }
0x148: {  	v63 =	vmov s1  }
0x149: {  	s24 =	simm.s32 $0x2;
	p0 =	por $0x1, $0x1;
	v50 =	vshrl.u32 v63, $0x3;
	v47 =	vshll.u32 v63, $0x7  }
.LBB2_12:
0x14a: {  	v50 =	vmul.u32 $0xC00, v50;
	[tilespmem:v49+s23+$0x0] =	vst.idx.add.f32.msk $0xffff, v48;
	s1 =	smov.u32 s24;
	s24 =	sadd.s32 $0x1, s24  }
0x14b: {  	p1 =	sne.s32 s9, s24;
	v48 =	vld.idx.msk [tilespmem:v46+s13+$0x0], $0xffff;
	v46 =	vand.u32 $0x380, v47  }
0x14c: {  	v46 =	vor.u32 v46, v50  }
0x14d: {  	v47 =	vor.u32 v0, v46;
	_ =	sdelay $0x3  }
0x14e: {  	v61 =	vmul.u32 $0x180, v48  }
0x14f: {  	v62 =	vor.u32 v7, v46;
	v48 =	vor.u32 v6, v46;
	v47 =	vld.idx.msk [tilespmem:v47+s14+$0x0], $0xffff  }
0x150: {  	v49 =	vor.u32 v0, v61;
	v50 =	vadd.s32 v14, v61;
	v51 =	vadd.s32 v16, v61  }
0x151: {  	v63 =	vand.u32 $0xFFFFFF80, v50;
	v1 =	vand.u32 $0xFFFFFF80, v51;
	v50 =	vadd.s32 v18, v61  }
0x152: {  	v51 =	vadd.s32 v22, v61;
	v60 =	vand.u32 $0xFFFFFF80, v50;
	v50 =	vadd.s32 v20, v61  }
0x153: {  	v57 =	vadd.s32 v24, v61;
	v58 =	vand.u32 $0xFFFFFF80, v51;
	v59 =	vand.u32 $0xFFFFFF80, v50  }
0x154: {  	v52 =	vadd.s32 v30, v61;
	v51 =	vadd.s32 v28, v61;
	v50 =	vadd.s32 v26, v61  }
0x155: {  	v54 =	vand.u32 $0xFFFFFF80, v52;
	v55 =	vand.u32 $0xFFFFFF80, v51;
	v56 =	vand.u32 $0xFFFFFF80, v50;
	[tilespmem:v49+s23+$0x0] =	vst.idx.add.f32.msk $0xffff, v47  }
0x156: {  	v47 =	vadd.s32 v32, v61;
	v49 =	vadd.s32 v36, v61;
	v3 =	vld.idx.msk [tilespmem:v48+s14+$0x0], $0xffff;
	v48 =	vadd.s32 v34, v61  }
0x157: {  	v5 =	vor.u32 v6, v61;
	v53 =	vand.u32 $0xFFFFFF80, v47;
	v52 =	vand.u32 $0xFFFFFF80, v48  }
0x158: {  	v51 =	vand.u32 $0xFFFFFF80, v49;
	v47 =	vadd.s32 v38, v61;
	v48 =	vadd.s32 v40, v61  }
0x159: {  	v50 =	vand.u32 $0xFFFFFF80, v47;
	v47 =	vadd.s32 v42, v61;
	v49 =	vand.u32 $0xFFFFFF80, v48  }
0x15a: {  	v48 =	vand.u32 $0xFFFFFF80, v47;
	v47 =	vadd.s32 v44, v61  }
0x15b: {  	v47 =	vand.u32 $0xFFFFFF80, v47  }
0x15c: {  	[tilespmem:v5+s23+$0x0] =	vst.idx.add.f32.msk $0xffff, v3  }
0x15d: {  	v3 =	vld.idx.msk [tilespmem:v62+s14+$0x0], $0xffff  }
0x15e: {  	v5 =	vor.u32 v7, v61  }
0x15f: {  	v62 =	vor.u32 v8, v46;
	_ =	sdelay $0x3  }
0x160: {  	[tilespmem:v5+s23+$0x0] =	vst.idx.add.f32.msk $0xffff, v3  }
0x161: {  	v3 =	vld.idx.msk [tilespmem:v62+s14+$0x0], $0xffff  }
0x162: {  	v5 =	vor.u32 v8, v61  }
0x163: {  	v62 =	vor.u32 v9, v46;
	_ =	sdelay $0x3  }
0x164: {  	[tilespmem:v5+s23+$0x0] =	vst.idx.add.f32.msk $0xffff, v3  }
0x165: {  	v3 =	vld.idx.msk [tilespmem:v62+s14+$0x0], $0xffff  }
0x166: {  	v5 =	vor.u32 v9, v61  }
0x167: {  	v62 =	vor.u32 v10, v46;
	_ =	sdelay $0x3  }
0x168: {  	[tilespmem:v5+s23+$0x0] =	vst.idx.add.f32.msk $0xffff, v3  }
0x169: {  	v3 =	vld.idx.msk [tilespmem:v62+s14+$0x0], $0xffff  }
0x16a: {  	v5 =	vor.u32 v10, v61  }
0x16b: {  	v62 =	vor.u32 v11, v46;
	_ =	sdelay $0x3  }
0x16c: {  	[tilespmem:v5+s23+$0x0] =	vst.idx.add.f32.msk $0xffff, v3  }
0x16d: {  	v3 =	vld.idx.msk [tilespmem:v62+s14+$0x0], $0xffff  }
0x16e: {  	v5 =	vor.u32 v11, v61  }
0x16f: {  	v62 =	vor.u32 v12, v46;
	_ =	sdelay $0x3  }
0x170: {  	[tilespmem:v5+s23+$0x0] =	vst.idx.add.f32.msk $0xffff, v3  }
0x171: {  	v3 =	vld.idx.msk [tilespmem:v62+s14+$0x0], $0xffff  }
0x172: {  	v5 =	vor.u32 v12, v61  }
0x173: {  	v61 =	vadd.s32 v13, v46;
	_ =	sdelay $0x3  }
0x174: {  	[tilespmem:v5+s23+$0x0] =	vst.idx.add.f32.msk $0xffff, v3  }
0x175: {  	v3 =	vld.idx.msk [tilespmem:v61+s14+$0x0], $0xffff  }
0x176: {  	v5 =	vor.u32 v0, v63  }
0x177: {  	v61 =	vadd.s32 v15, v46;
	_ =	sdelay $0x3  }
0x178: {  	[tilespmem:v5+s23+$0x0] =	vst.idx.add.f32.msk $0xffff, v3  }
0x179: {  	v3 =	vld.idx.msk [tilespmem:v61+s14+$0x0], $0xffff  }
0x17a: {  	v1 =	vor.u32 v6, v1  }
0x17b: {  	v5 =	vadd.s32 v17, v46;
	_ =	sdelay $0x3  }
0x17c: {  	[tilespmem:v1+s23+$0x0] =	vst.idx.add.f32.msk $0xffff, v3  }
0x17d: {  	v1 =	vld.idx.msk [tilespmem:v5+s14+$0x0], $0xffff  }
0x17e: {  	v3 =	vor.u32 v7, v60  }
0x17f: {  	v5 =	vadd.s32 v19, v46;
	_ =	sdelay $0x3  }
0x180: {  	[tilespmem:v3+s23+$0x0] =	vst.idx.add.f32.msk $0xffff, v1  }
0x181: {  	v1 =	vld.idx.msk [tilespmem:v5+s14+$0x0], $0xffff  }
0x182: {  	v3 =	vor.u32 v8, v59  }
0x183: {  	v5 =	vadd.s32 v21, v46;
	_ =	sdelay $0x3  }
0x184: {  	[tilespmem:v3+s23+$0x0] =	vst.idx.add.f32.msk $0xffff, v1  }
0x185: {  	v1 =	vld.idx.msk [tilespmem:v5+s14+$0x0], $0xffff  }
0x186: {  	v3 =	vor.u32 v9, v58  }
0x187: {  	v5 =	vadd.s32 v23, v46;
	_ =	sdelay $0x3  }
0x188: {  	[tilespmem:v3+s23+$0x0] =	vst.idx.add.f32.msk $0xffff, v1  }
0x189: {  	v3 =	vand.u32 $0xFFFFFF80, v57;
	v1 =	vld.idx.msk [tilespmem:v5+s14+$0x0], $0xffff  }
0x18a: {  	v3 =	vor.u32 v10, v3  }
0x18b: {  	v5 =	vadd.s32 v25, v46;
	_ =	sdelay $0x3  }
0x18c: {  	[tilespmem:v3+s23+$0x0] =	vst.idx.add.f32.msk $0xffff, v1  }
0x18d: {  	v1 =	vld.idx.msk [tilespmem:v5+s14+$0x0], $0xffff  }
0x18e: {  	v3 =	vor.u32 v11, v56  }
0x18f: {  	v5 =	vadd.s32 v27, v46;
	_ =	sdelay $0x3  }
0x190: {  	[tilespmem:v3+s23+$0x0] =	vst.idx.add.f32.msk $0xffff, v1  }
0x191: {  	v1 =	vld.idx.msk [tilespmem:v5+s14+$0x0], $0xffff  }
0x192: {  	v3 =	vor.u32 v12, v55  }
0x193: {  	v5 =	vadd.s32 v29, v46;
	_ =	sdelay $0x3  }
0x194: {  	[tilespmem:v3+s23+$0x0] =	vst.idx.add.f32.msk $0xffff, v1  }
0x195: {  	v1 =	vld.idx.msk [tilespmem:v5+s14+$0x0], $0xffff  }
0x196: {  	v3 =	vor.u32 v0, v54  }
0x197: {  	v5 =	vadd.s32 v31, v46;
	_ =	sdelay $0x3  }
0x198: {  	[tilespmem:v3+s23+$0x0] =	vst.idx.add.f32.msk $0xffff, v1  }
0x199: {  	v1 =	vld.idx.msk [tilespmem:v5+s14+$0x0], $0xffff  }
0x19a: {  	v3 =	vor.u32 v6, v53  }
0x19b: {  	v5 =	vadd.s32 v33, v46;
	_ =	sdelay $0x3  }
0x19c: {  	[tilespmem:v3+s23+$0x0] =	vst.idx.add.f32.msk $0xffff, v1  }
0x19d: {  	v1 =	vld.idx.msk [tilespmem:v5+s14+$0x0], $0xffff  }
0x19e: {  	v3 =	vor.u32 v7, v52  }
0x19f: {  	v5 =	vadd.s32 v35, v46;
	_ =	sdelay $0x3  }
0x1a0: {  	[tilespmem:v3+s23+$0x0] =	vst.idx.add.f32.msk $0xffff, v1  }
0x1a1: {  	v1 =	vld.idx.msk [tilespmem:v5+s14+$0x0], $0xffff  }
0x1a2: {  	v3 =	vor.u32 v8, v51  }
0x1a3: {  	v5 =	vadd.s32 v37, v46;
	_ =	sdelay $0x3  }
0x1a4: {  	[tilespmem:v3+s23+$0x0] =	vst.idx.add.f32.msk $0xffff, v1  }
0x1a5: {  	v1 =	vld.idx.msk [tilespmem:v5+s14+$0x0], $0xffff  }
0x1a6: {  	v3 =	vor.u32 v9, v50  }
0x1a7: {  	v5 =	vadd.s32 v39, v46;
	_ =	sdelay $0x3  }
0x1a8: {  	[tilespmem:v3+s23+$0x0] =	vst.idx.add.f32.msk $0xffff, v1  }
0x1a9: {  	v1 =	vld.idx.msk [tilespmem:v5+s14+$0x0], $0xffff  }
0x1aa: {  	v3 =	vor.u32 v10, v49  }
0x1ab: {  	v5 =	vadd.s32 v41, v46;
	_ =	sdelay $0x3  }
0x1ac: {  	[tilespmem:v3+s23+$0x0] =	vst.idx.add.f32.msk $0xffff, v1  }
0x1ad: {  	v1 =	vld.idx.msk [tilespmem:v5+s14+$0x0], $0xffff  }
0x1ae: {  	v3 =	vor.u32 v11, v48  }
0x1af: {  	v5 =	vadd.s32 v43, v46;
	_ =	sdelay $0x3  }
0x1b0: {  	[tilespmem:v3+s23+$0x0] =	vst.idx.add.f32.msk $0xffff, v1  }
0x1b1: {  	v48 =	vld.idx.msk [tilespmem:v5+s14+$0x0], $0xffff  }
.Ltmp13:
0x1b2: {  	s6 =	sadd.s32 s1, s31;
	v49 =	vor.u32 v12, v47;
	(pc) =	sbr.rel @p1 .LBB2_12-.Ltmp13, $3  }
0x1b3: {  	v46 =	vmov s6;
	_ =	sdelay $0x1  }
0x1b4: {  	v1 =	vmov s1  }
0x1b5: {  	v50 =	vshrl.u32 v1, $0x3;
	v47 =	vshll.u32 v1, $0x7  }
.Ltmp14:
0x1b6: {  	_ = 	snop;
	(pc) =	sbr.rel .LBB2_13-.Ltmp14, $1  }
0x1b7: {  	_ =	sdelay $0x3  }
.LBB2_18:
0x1b8: {  	_ =	sfence.sel $0x180000  }
0x1b9: {  	[bflag:$0x0] =	sbarrier.arrive $0xFFFF  }
0x1ba: {  	_ =	strace $0x9000004D  }
0x1bb: {  	s0 =	stileid.u32;
	[bflag:$0x2] =	sbarrier.arrive $0xFFFF  }
0x1bc: {  	p0 =	sne.s32 s0, $0x0;
	s0 =	rddreg [dreg:$0x1]  }
0x1bd: {  	s0 =	sadd.s32 @!p0 $0x100000, s0  }
0x1be: {  	[sflag:s0] =	ssyncadd.tile.s32 @!p0 $0x1;
	_ =	shalt  }
.Lfunc_end2:
_tile_overlayer_lowered:
.L_overlay_start_2:
0x1bf: {  	(tag) =	ssettag $0x2  }
0x1c0: {  	s0 =	rddreg [dreg:$0x0];
	s2 =	stileid.u32  }
0x1c1: {  	s1 =	rddreg [dreg:$0x1];
	p0 =	sne.s32 s2, $0x0  }
0x1c2: {  	s3 =	rddreg [dreg:$0x2];
	[bflag:$0x3] =	sbarrier.arrive $0xFFFF;
	s2 =	simm.s32 @!p0 $0x1C02  }
0x1c3: {  	[timem:s3], [sflag:s2] =	dma.local @!p0 [hbm:s0], s1  }
0x1c4: {  	s0 =	simm.s32 @!p0 $0x2  }
0x1c5: {  	_ =	swait.ge @!p0 [sflag:s0], s1  }
0x1c6: {  	s1 =	ssub.s32 @!p0 $0x0, s1;
	[sflag:s0] =	ssyncset.done @!p0 $0x0  }
0x1c7: {  	[sflag:s0] =	ssyncadd.s32 @!p0 s1  }
0x1c8: {  	[bflag:$0x3] =	sbarrier.arrive $0xFFFF  }
0x1c9: {  	_ =	shalt  }

// kernel: kernel.8.cloned.1.call-start
scs
__scs_entry_jumppad:
0x0: {  	(pc) =	sbr.rel $0x88, $3  }
0x1: {  	(tag) =	ssettag $0x0;
	lr =	simm.s32 $0x1  }
0x2: {  	[smem:$0x3F98] =	sst lr;
	_ =	strace $0xD0000000  }
0x3: {  	_ = 	snop  }
0x4: {  	_ = 	snop  }
0x5: {  	_ = 	snop  }
0x6: {  	_ = 	snop  }
0x7: {  	_ = 	snop  }
__scs_overlays_trampoline_lowered:
0x8: {  	[smem:$0x3FA7] =	sst s0  }
0x9: {  	[smem:$0x3FA8] =	sst s1  }
0xa: {  	[smem:$0x3FA9] =	sst s2  }
0xb: {  	[smem:$0x3FAA] =	sst s3  }
0xc: {  	[smem:$0x3FAB] =	sst s4  }
0xd: {  	[smem:$0x3FAC] =	sst s5  }
0xe: {  	[smem:$0x3FAD] =	sst s6  }
0xf: {  	[smem:$0x3FAE] =	sst s7  }
0x10: {  	[smem:$0x3FAF] =	sst s8  }
0x11: {  	[smem:$0x3FB0] =	sst s9;
	s0 =	simm.s32 @!p0 $0x0  }
0x12: {  	s1 =	sld [smem:$0x3F96];
	s0 =	simm.s32 @p0 $0x1  }
0x13: {  	[smem:$0x3FB1] =	sst s0;
	s0 =	simm.s32 @!p1 $0x0  }
0x14: {  	s2 =	sld [smem:$0x3F95];
	s0 =	simm.s32 @p1 $0x1  }
0x15: {  	[smem:$0x3FB2] =	sst s0;
	s0 =	simm.s32 @!p2 $0x0  }
0x16: {  	s3 =	sld [smem:$0x3FDB];
	s0 =	simm.s32 @p2 $0x1  }
0x17: {  	s4 =	simm.s32 $0x1BF5;
	[smem:$0x3FB4] =	sst s0  }
0x18: {  	s0 =	sld [smem:$0x3F97];
	_ =	swait.ge [sflag:s4], $0x0  }
0x19: {  	s7 =	sld [smem:$0x3F98]  }
0x1a: {  	s8 =	sadd.s32 $0xFFFFE003, lr  }
0x1b: {  	s9 =	sadd.s32 $0xFFFFFEF7, lr;
	s5 =	simm.s32 $0xFFFFFFFF;
	p2 =	slt.u32 s8, $0xFFFFF086  }
0x1c: {  	p1 =	slt.u32 s9, $0xF7A;
	s5 =	simm.s32 @!p2 $0x0  }
0x1d: {  	s5 =	simm.s32 @p1 $0x1;
	p0 =	seq.s32 s7, s2  }
0x1e: {  	s7 =	smul.u32 @!p0 $0xF7A, s2;
	p2 =	seq.s32 @!p0 s5, $0x0  }
0x1f: {  	s9 =	smul.u32 $0xF7A, s1;
	s8 =	simm.s32 @!p0 $0x1BF5;
	p2 =	por !p2, p0  }
0x20: {  	[sflag:s8] =	ssyncset.s32 @!p0 $0xFFFFF086;
	s6 =	sadd.s32 @!p0 s3, s7;
	s7 =	simm.s32 @!p0 $0x108  }
0x21: {  	s3 =	sadd.s32 s3, s9;
	s6 =	sadd.s32 @!p0 $0x88, s6;
	s7 =	simm.s32 @p2 $0x1082  }
0x22: {  	[simem:s7], [sflag:s8] =	dma.local @!p0 [hbm:s6], $0xF7A  }
0x23: {  	s9 =	sor.u32 $0xD0000000, s2;
	s6 =	simm.s32 $0x108;
	_ =	swait.ge @!p0 [sflag:s8], $0x0  }
0x24: {  	s3 =	sadd.s32 $0x88, s3;
	s6 =	simm.s32 @!p1 $0x1082;
	[sflag:s4] =	ssyncset.s32 $0xFFFFF086  }
0x25: {  	[simem:s6], [sflag:s4] =	dma.local [hbm:s3], $0xF7A  }
0x26: {  	[smem:$0x3F98] =	sst s1;
	(tag) =	ssettag s2;
	_ =	strace s9  }
0x27: {  	s1 =	sld [smem:$0x3FA8]  }
0x28: {  	s2 =	sld [smem:$0x3FA9]  }
0x29: {  	s4 =	sld [smem:$0x3FAB]  }
0x2a: {  	p0 =	seq.s32 s5, $0x0;
	s5 =	sld [smem:$0x3FAC]  }
0x2b: {  	s6 =	sld [smem:$0x3FAD]  }
0x2c: {  	s7 =	sld [smem:$0x3FAE]  }
0x2d: {  	s3 =	simm.s32 $0x108;
	s8 =	sld [smem:$0x3FAF]  }
0x2e: {  	s3 =	simm.s32 @!p0 $0x1082;
	s9 =	sld [smem:$0x3FB0]  }
0x2f: {  	lr =	sadd.s32 s0, s3;
	s0 =	sld [smem:$0x3FA7]  }
0x30: {  	s3 =	sld [smem:$0x3FAA]  }
0x31: {  	[smem:$0x3FB3] =	sst s10  }
0x32: {  	s10 =	sld [smem:$0x3FB1];
	_ =	sdelay $0x3  }
0x33: {  	p0 =	seq.s32 s10, $0x1;
	s10 =	sld [smem:$0x3FB3];
	_ =	sdelay $0x3  }
0x34: {  	[smem:$0x3FB3] =	sst s10  }
0x35: {  	s10 =	sld [smem:$0x3FB2];
	_ =	sdelay $0x3  }
0x36: {  	p1 =	seq.s32 s10, $0x1;
	s10 =	sld [smem:$0x3FB3];
	_ =	sdelay $0x3  }
0x37: {  	[smem:$0x3FB3] =	sst s10  }
0x38: {  	s10 =	sld [smem:$0x3FB4]  }
0x39: {  	_ = 	snop;
	(pc) =	sbr.ind lr, $3  }
0x3a: {  	_ = 	snop  }
0x3b: {  	_ = 	snop  }
0x3c: {  	p2 =	seq.s32 s10, $0x1;
	s10 =	sld [smem:$0x3FB3]  }
0x3d: {  	_ =	shalt  }
0x3e: {  	_ =	shalt  }
0x3f: {  	_ =	shalt  }
0x40: {  	_ =	shalt  }
0x41: {  	_ =	shalt  }
0x42: {  	_ =	shalt  }
0x43: {  	_ =	shalt  }
0x44: {  	_ =	shalt  }
0x45: {  	_ =	shalt  }
0x46: {  	_ =	shalt  }
0x47: {  	_ =	shalt  }
0x48: {  	_ =	shalt  }
0x49: {  	_ =	shalt  }
0x4a: {  	_ =	shalt  }
0x4b: {  	_ =	shalt  }
0x4c: {  	_ =	shalt  }
0x4d: {  	_ =	shalt  }
0x4e: {  	_ =	shalt  }
0x4f: {  	_ =	shalt  }
0x50: {  	_ =	shalt  }
0x51: {  	_ =	shalt  }
0x52: {  	_ =	shalt  }
0x53: {  	_ =	shalt  }
0x54: {  	_ =	shalt  }
0x55: {  	_ =	shalt  }
0x56: {  	_ =	shalt  }
0x57: {  	_ =	shalt  }
0x58: {  	_ =	shalt  }
0x59: {  	_ =	shalt  }
0x5a: {  	_ =	shalt  }
0x5b: {  	_ =	shalt  }
0x5c: {  	_ =	shalt  }
0x5d: {  	_ =	shalt  }
0x5e: {  	_ =	shalt  }
0x5f: {  	_ =	shalt  }
0x60: {  	_ =	shalt  }
0x61: {  	_ =	shalt  }
0x62: {  	_ =	shalt  }
0x63: {  	_ =	shalt  }
0x64: {  	_ =	shalt  }
0x65: {  	_ =	shalt  }
0x66: {  	_ =	shalt  }
0x67: {  	_ =	shalt  }
0x68: {  	_ =	shalt  }
0x69: {  	_ =	shalt  }
0x6a: {  	_ =	shalt  }
0x6b: {  	_ =	shalt  }
0x6c: {  	_ =	shalt  }
0x6d: {  	_ =	shalt  }
0x6e: {  	_ =	shalt  }
0x6f: {  	_ =	shalt  }
0x70: {  	_ =	shalt  }
0x71: {  	_ =	shalt  }
0x72: {  	_ =	shalt  }
0x73: {  	_ =	shalt  }
0x74: {  	_ =	shalt  }
0x75: {  	_ =	shalt  }
0x76: {  	_ =	shalt  }
0x77: {  	_ =	shalt  }
0x78: {  	_ =	shalt  }
0x79: {  	_ =	shalt  }
0x7a: {  	_ =	shalt  }
0x7b: {  	_ =	shalt  }
0x7c: {  	_ =	shalt  }
0x7d: {  	_ =	shalt  }
0x7e: {  	_ =	shalt  }
0x7f: {  	_ =	shalt  }
0x80: {  	_ =	shalt  }
0x81: {  	_ =	shalt  }
0x82: {  	_ =	shalt  }
0x83: {  	_ =	shalt  }
0x84: {  	_ =	shalt  }
0x85: {  	_ =	shalt  }
0x86: {  	_ =	shalt  }
0x87: {  	_ =	shalt  }
.Lfunc_end0:
.L_simem_size_0:
called_computation_lowered:
.L_overlay_start_0:
0x88: {  	s2 =	sld [smem:$0x3FD9]  }
0x89: {  	s3 =	sld [smem:$0x3FFE];
	_ =	sdelay $0x1  }
0x8a: {  	s1 =	srdreg.scid  }
0x8b: {  	s0 =	sand.u32 $0x1, s1  }
0x8c: {  	s16 =	sshll.u32 s0, $0xA;
	s2 =	sadd.s32 s3, s2  }
0x8d: {  	s2 =	sadd.s32 s2, s16  }
0x8e: {  	[smem:$0x3FBF] =	sst s2  }
0x8f: {  	_ = 	snop  }
0x90: {  	(tm) =	ssettm $0x1  }
0x91: {  	s17 =	sld [smem:$0x3FFB];
	_ =	sdelay $0x3  }
0x92: {  	_ =	strace s17  }
0x93: {  	s2 =	sld [smem:$0x3FFC];
	_ =	sdelay $0x3  }
0x94: {  	_ =	strace s2  }
0x95: {  	s2 =	sld [smem:$0x3FFD];
	_ =	sdelay $0x3  }
0x96: {  	_ =	strace s2  }
0x97: {  	_ =	strace $0x8FFFFFFF  }
0x98: {  	s18 =	sld [smem:$0x3FDB];
	_ =	sdelay $0x1  }
0x99: {  	s19 =	simm.s32 $_scs_section_size  }
0x9a: {  	s4 =	simm.s32 $_size__tile_overlayer_lowered;
	s5 =	simm.s32 $_tile_overlayer_lowered  }
0x9b: {  	s22 =	simm.s32 $0x1BFF;
	s21 =	sshll.u32 s5, $0x1;
	s2 =	sadd.s32 s19, s18  }
0x9c: {  	s6 =	simm.s32 $0x0;
	s20 =	sshll.u32 s4, $0x1;
	s4 =	sadd.s32 s21, s2  }
0x9d: {  	[timem:s6], [sflag:s22] =	dma.local [hbm:s4], s20  }
0x9e: {  	_ =	swait.ge [sflag:s22], s20  }
0x9f: {  	s3 =	ssub.s32 $0x0, s20;
	[sflag:s22] =	ssyncset.done $0x0  }
0xa0: {  	[sflag:s22] =	ssyncadd.s32 s3;
	_ =	sdelay $0x1  }
0xa1: {  	s23 =	simm.s32 $0x1B8B  }
0xa2: {  	_ =	swait.ge [sflag:s23], $0x1  }
0xa3: {  	[sflag:s23] =	ssyncset.done $0x0  }
0xa4: {  	s25 =	simm.s32 $0x1B8E;
	s24 =	sld [smem:$0x3FFE];
	[sflag:s23] =	ssyncadd.s32 $0xFFFFFFFF  }
0xa5: {  	s26 =	simm.s32 $execute0_lowered;
	[smem:$0x3FD2] =	sst s25  }
0xa6: {  	s4 =	sshll.u32 s26, $0x1;
	_ =	strace $0x80000046;
	[dreg:$0x1] =	wrdreg $0xFFFFFFFF  }
0xa7: {  	s28 =	simm.s32 $_size_execute0_lowered;
	s2 =	sadd.s32 s2, s4;
	[dreg:$0x0] =	wrdreg $0x0  }
0xa8: {  	s4 =	sshll.u32 s28, $0x1;
	[dreg:$0x2] =	wrdreg s2  }
0xa9: {  	[dreg:$0x3] =	wrdreg s4  }
0xaa: {  	[dreg:$0x4] =	wrdreg $0xC0  }
0xab: {  	_ =	task [dreg:s6], $0x5FFFF  }
0xac: {  	[dreg:$0x1] =	wrdreg $0xFFFFFFFF  }
0xad: {  	[dreg:$0x0] =	wrdreg $0x60  }
0xae: {  	[dreg:$0x2] =	wrdreg s24  }
0xaf: {  	[dreg:$0x3] =	wrdreg $0x9  }
0xb0: {  	_ =	task.clear_ibuf [dreg:s6], $0x4FFFF;
	_ =	strace $0x90000046  }
0xb1: {  	s29 =	simm.s32 $0x9;
	_ =	strace $0x80000048  }
0xb2: {  	_ =	swait.ge [sflag:s29], $0x1  }
0xb3: {  	[sflag:s29] =	ssyncadd.s32 $0xFFFFFFFF  }
0xb4: {  	_ =	strace $0x90000048  }
0xb5: {  	_ =	sfence  }
0xb6: {  	s30 =	sld [smem:$0x0];
	_ =	sdelay $0x2  }
0xb7: {  	s31 =	sshll.u32 s1, $0xD;
	s1 =	sshrl.u32 s1, $0x2  }
0xb8: {  	s3 =	sand.u32 $0x4000, s31;
	s1 =	sadd.s32 s1, s30  }
0xb9: {  	s0 =	sor.u32 s3, s0;
	s1 =	sshll.u32 s1, $0x11  }
0xba: {  	s0 =	sor.u32 s1, s0  }
0xbb: {  	s0 =	sadd.s32 $0x8F2B, s0  }
0xbc: {  	[sflag:s0] =	ssyncadd.remote.s32 $0x1  }
0xbd: {  	_ =	sfence.sel $0xFFFF  }
0xbe: {  	[dreg:$0x0] =	wrdreg $0xFFFFFFFF;
	(pc) =	sbr.abs _section_cstart, $3  }
0xbf: {  	[dreg:$0x1] =	wrdreg $0xFFFFFFFF  }
0xc0: {  	_ =	task.clear_ibuf [dreg:s6], $0x2FFFF;
	_ =	strace $0x9FFFFFFF  }
0xc1: {  	(tm) =	ssettm $0x7FFFFFFF  }
tec
execute0_lowered:
.L_overlay_start_1:
0x0: {  	(tag) =	ssettag $0x1  }
0x1: {  	s0 =	srdreg.scid  }
0x2: {  	s4 =	rddreg [dreg:$0x0];
	s1 =	stileid.u32  }
0x3: {  	s2 =	simm.s32 $0x0;
	s3 =	sand.u32 $0x1, s0;
	s0 =	rddreg [dreg:$0x1]  }
0x4: {  	s9 =	simm.s32 $0x0;
	[smem:$0x7FF] =	sst s2;
	s5 =	sshll.u32 s3, $0x4  }
.Ltmp0:
0x5: {  	s7 =	ssub.s32 $0x2, s3;
	s5 =	sor.u32 s1, s5;
	(pc) =	sbr.rel .LBB2_1-.Ltmp0, $4  }
0x6: {  	_ =	strace $0x80000047;
	s8 =	sshrl.u32 s7, $0x1;
	s6 =	smul.u32 $0xCC0, s5  }
0x7: {  	s3 =	sadd.s32 $0x1600, s4;
	s5 =	smul.u32 $0xFFFFF9A0, s5;
	s31 =	ssub.s32 s7, s8  }
0x8: {  	v1 =	vimm.f32 $0.0e+00;
	v2 =	vimm.s32 $0x0;
	s7 =	simm.s32 $0x3200;
	s8 =	simm.s32 $0x6500;
	s4 =	sadd.s32 s6, s4  }
0x9: {  	v3 =	vlaneseq.u32;
	v4 =	vimm.f32 $1.000000000e+00;
	v0 =	vmov s5;
	s5 =	smax.u32 s31, $0x1;
	s6 =	simm.s32 $0x1;
	s4 =	sadd.s32 $0x1A600, s4  }
.LBB2_11:
0xa: {  	s9 =	sadd.s32 $0x1, s9  }
0xb: {  	p0 =	sne.s32 s9, s5  }
.Ltmp1:
0xc: {  	_ = 	snop;
	(pc) =	sbr.rel @!p0 .LBB2_12-.Ltmp1, $4  }
0xd: {  	[hbm4b:s4+s2] =	stream.linear.scatter [tilespmem:s8], [sflag:$0x1], $0x6600, $0x38;
	[tilespmem:$0xCC00] =	vst v63  }
0xe: {  	_ =	swait.ge [sflag:s6], $0x6600  }
0xf: {  	[sflag:s6] =	ssyncset.done $0x0  }
0x10: {  	[sflag:s6] =	ssyncadd.s32 $0xFFFF9A00  }
.LBB2_1:
0x11: {  	s10 =	simm.s32 $0x40;
	s11 =	simm.s32 $0x0  }
.LBB2_2:
0x12: {  	p0 =	sne.s32 s10, $0x19800;
	[tilespmem:s11+$0x6500] =	vst v1;
	s11 =	smov.u32 s10;
	s10 =	sadd.s32 $0x40, s10  }
.Ltmp2:
0x13: {  	(pc) =	sbr.rel @p0 .LBB2_2-.Ltmp2, $2  }
0x14: {  	_ =	sdelay $0x2  }
0x15: {  	s11 =	sshra.s32 s11, $0x2  }
.Ltmp3:
0x16: {  	(pc) =	sbr.rel .LBB2_4-.Ltmp3, $2  }
0x17: {  	_ =	sdelay $0x2  }
0x18: {  	[tilespmem:s11+$0x6500] =	vst v1;
	s10 =	simm.s32 $0x0;
	s11 =	simm.s32 $0x0  }
.LBB2_9:
0x19: {  	_ =	sdelay $0x3  }
0x1a: {  	[tilespmem:v5+s8+$0x0] =	vst.idx.add.f32.msk $0xffff, v4  }
.LBB2_10:
0x1b: {  	s11 =	sadd.s32 $0x1, s11  }
0x1c: {  	p0 =	sne.s32 s11, $0x40  }
.Ltmp4:
0x1d: {  	_ = 	snop;
	(pc) =	sbr.rel @!p0 .LBB2_11-.Ltmp4, $1  }
0x1e: {  	_ =	sdelay $0x3  }
.LBB2_4:
0x1f: {  	s12 =	smul.u32 $0x640, s11;
	_ =	sdelay $0x1  }
0x20: {  	s12 =	sadd.s32 s3, s12  }
0x21: {  	[tilespmem:s10], [sflag:$0x1] =	stream.linear.gather [hbm4b:s12+s10], $0x3200, $0x38;
	[tilespmem:$0xCC00] =	vst v63  }
0x22: {  	_ =	swait.ge [sflag:s6], $0x3200  }
0x23: {  	[sflag:s6] =	ssyncset.done $0x0  }
0x24: {  	s30 =	simm.s32 $0x0;
	[sflag:s6] =	ssyncadd.s32 $0xFFFFCE00  }
0x25: {  	v5 =	vld [tilespmem:s30+$0x0];
	_ =	sdelay $0x4  }
0x26: {  	v5 =	vadd.s32 v0, v5  }
0x27: {  	vm0 =	vlt.u32 v5, $0x660  }
0x28: {  	v6 =	vsel vm0, $0x1, v2  }
0x29: {  	(xrf0) =	vadd.scan.msk.s32 $0xffff, v6;
	_ =	sdelay $0x5  }
0x2a: {  	s31 =	simm.s32 $0xFFFFFFFF;
	v6, _, _ =	vpop (xrf0)  }
0x2b: {  	v7 =	vadd.s32 s31, v6;
	(v2sf) =	vpush v6, $0xF  }
0x2c: {  	v7 =	vnsel vm0, $0x3288, v7;
	_ =	sdelay $0x4  }
0x2d: {  	s14 =	simm.s32 $0x10;
	s13 =	simm.s32 $0x80;
	s12 =	simm.s32 $0x0;
	[tilespmem:v7+s7+$0x0] =	vst.idx.msk $0xffff, v5  }
.LBB2_5:
0x2e: {  	p0 =	seq.s32 s13, $0xC7C0;
	v5 =	vld [tilespmem:s14+$0x0];
	_ =	sdelay $0x4  }
0x2f: {  	v5 =	vadd.s32 v0, v5  }
0x30: {  	vm0 =	vlt.u32 v5, $0x660  }
0x31: {  	v6 =	vsel vm0, $0x1, v2  }
0x32: {  	(xrf0) =	vadd.scan.msk.s32 $0xffff, v6;
	s14 =	spop (v2sf)  }
0x33: {  	s12 =	sadd.s32 s12, s14  }
0x34: {  	s14 =	sadd.s32 $0xFFFFFFFF, s12;
	_ =	sdelay $0x3  }
0x35: {  	v6, _, _ =	vpop (xrf0)  }
0x36: {  	v7 =	vadd.s32 s14, v6;
	(v2sf) =	vpush v6, $0xF  }
0x37: {  	v6 =	vnsel vm0, $0x3288, v7  }
.Ltmp5:
0x38: {  	(pc) =	sbr.rel @!p0 .LBB2_5-.Ltmp5, $2  }
0x39: {  	_ =	sdelay $0x2  }
0x3a: {  	s14 =	sshra.s32 s13, $0x2;
	s13 =	sadd.s32 $0x40, s13;
	[tilespmem:v6+s7+$0x0] =	vst.idx.msk $0xffff, v5  }
0x3b: {  	v5 =	vld [tilespmem:s14+$0x0];
	_ =	sdelay $0x4  }
0x3c: {  	v5 =	vadd.s32 v0, v5  }
0x3d: {  	vm0 =	vlt.u32 v5, $0x660  }
0x3e: {  	v6 =	vsel vm0, $0x1, v2  }
0x3f: {  	(xrf0) =	vadd.scan.msk.s32 $0xffff, v6;
	_ =	sdelay $0x5  }
0x40: {  	v6, _, _ =	vpop (xrf0)  }
0x41: {  	(v2sf) =	vpush v6, $0xF;
	_ =	sdelay $0xb  }
0x42: {  	s13 =	spop (v2sf)  }
0x43: {  	s12 =	sadd.s32 s12, s13  }
0x44: {  	s13 =	sadd.s32 $0xFFFFFFFF, s12  }
0x45: {  	v6 =	vadd.s32 s13, v6;
	s13 =	spop (v2sf)  }
0x46: {  	s31 =	sadd.s32 s12, s13  }
0x47: {  	v6 =	vnsel vm0, $0x3288, v6;
	p0 =	slt.s32 s31, $0x1  }
.Ltmp6:
0x48: {  	_ = 	snop;
	(pc) =	sbr.rel @p0 .LBB2_10-.Ltmp6, $2  }
0x49: {  	_ =	sdelay $0x2  }
0x4a: {  	[tilespmem:v6+s7+$0x0] =	vst.idx.msk $0xffff, v5  }
0x4b: {  	s31 =	simm.s32 $0x0  }
0x4c: {  	v5 =	vmov s31;
	_ =	sdelay $0x4  }
0x4d: {  	s12 =	sadd.s32 s12, s13;
	v5 =	vld.idx.msk [tilespmem:v5+s7+$0x0], $0xffff  }
0x4e: {  	p0 =	sne.s32 s12, $0x1  }
.Ltmp7:
0x4f: {  	_ = 	snop;
	(pc) =	sbr.rel @!p0 .LBB2_9-.Ltmp7, $3  }
0x50: {  	_ =	sdelay $0x1  }
0x51: {  	v5 =	vshll.u32 v5, $0x4  }
0x52: {  	s13 =	simm.s32 $0x1;
	v5 =	vor.u32 v3, v5  }
.LBB2_8:
0x53: {  	v6 =	vmov s13;
	s13 =	sadd.s32 $0x1, s13  }
0x54: {  	p0 =	sne.s32 s12, s13;
	_ =	sdelay $0x2  }
0x55: {  	[tilespmem:v5+s8+$0x0] =	vst.idx.add.f32.msk $0xffff, v4  }
0x56: {  	v5 =	vld.idx.msk [tilespmem:v6+s7+$0x0], $0xffff;
	_ =	sdelay $0x2  }
.Ltmp8:
0x57: {  	(pc) =	sbr.rel @p0 .LBB2_8-.Ltmp8, $3  }
0x58: {  	_ =	sdelay $0x1  }
0x59: {  	v5 =	vshll.u32 v5, $0x4  }
0x5a: {  	v5 =	vor.u32 v3, v5  }
.Ltmp9:
0x5b: {  	_ = 	snop;
	(pc) =	sbr.rel .LBB2_9-.Ltmp9, $1  }
0x5c: {  	_ =	sdelay $0x3  }
.LBB2_12:
0x5d: {  	_ =	sfence.sel $0x180000  }
0x5e: {  	[bflag:$0x0] =	sbarrier.arrive $0xFFFF  }
0x5f: {  	p0 =	sne.s32 s1, $0x0;
	_ =	strace $0x90000047  }
0x60: {  	s0 =	sadd.s32 @!p0 $0x100000, s0;
	[bflag:$0x2] =	sbarrier.arrive $0xFFFF  }
0x61: {  	[sflag:s0] =	ssyncadd.tile.s32 @!p0 $0x1;
	_ =	shalt  }
.Lfunc_end2:
_tile_overlayer_lowered:
.L_overlay_start_2:
0x62: {  	(tag) =	ssettag $0x2  }
0x63: {  	s0 =	rddreg [dreg:$0x0];
	s2 =	stileid.u32  }
0x64: {  	s1 =	rddreg [dreg:$0x1];
	p0 =	sne.s32 s2, $0x0  }
0x65: {  	s3 =	rddreg [dreg:$0x2];
	[bflag:$0x3] =	sbarrier.arrive $0xFFFF;
	s2 =	simm.s32 @!p0 $0x1C01  }
0x66: {  	[timem:s3], [sflag:s2] =	dma.local @!p0 [hbm:s0], s1  }
0x67: {  	s0 =	simm.s32 @!p0 $0x1  }
0x68: {  	_ =	swait.ge @!p0 [sflag:s0], s1  }
0x69: {  	s1 =	ssub.s32 @!p0 $0x0, s1;
	[sflag:s0] =	ssyncset.done @!p0 $0x0  }
0x6a: {  	[sflag:s0] =	ssyncadd.s32 @!p0 s1  }
0x6b: {  	[bflag:$0x3] =	sbarrier.arrive $0xFFFF  }
0x6c: {  	_ =	shalt  }

</sc_bundles>
